<compile_context>
chip_gen: v7x
topology: tpu7x:2x2x1
jax: 0.10.2.dev20260603
libtpu: 0.0.44.dev20260713+nightly
codegen_flags: <defaults>
</compile_context>

<pallas_src>
import jax
import jax.numpy as jnp
from jax import lax
from jax.experimental import pallas as pl
from jax.experimental.pallas import tpu as pltpu
from jax.experimental.pallas import tpu_sc as plsc

N0, N1, EMB = 384, 384, 96
NC, NS = 2, 16
NW = NC * NS
RPW = N0 // NW
TK, TJ = EMB // 8, N1 // 128
ROW = EMB * N1
HALF = ROW // 2
HTK = TK // 2


def _sc_body(e0_hbm, e1_hbm, out_hbm, e1p, e0v, buf_a, buf_b, sem_a, sem_b):
    wid = lax.axis_index("s") * NC + lax.axis_index("c")
    row0 = wid * RPW

    pltpu.sync_copy(e0_hbm.at[pl.ds(row0 * EMB, RPW * EMB)], e0v)
    i96 = lax.iota(jnp.int32, 16) * EMB

    slab = 128 * EMB

    def _stage(tj, buf, sem):
        return pltpu.make_async_copy(
            e1_hbm.at[pl.ds(tj * slab, slab)], buf.at[pl.ds(0, slab)], sem
        )

    _stage(0, buf_a, sem_a).start()
    for tj in range(TJ):
        buf, sem = (buf_a, sem_a) if tj % 2 == 0 else (buf_b, sem_b)
        _stage(tj, buf, sem).wait()
        if tj + 1 < TJ:
            nbuf, nsem = (buf_b, sem_b) if tj % 2 == 0 else (buf_a, sem_a)
            _stage(tj + 1, nbuf, nsem).start()

        @plsc.parallel_loop(0, TK * 8, unroll=4)
        def _run(ts):
            tk = ts // 8
            s = ts - tk * 8
            dst0 = ((tk * TJ + tj) * 8 + s) * 128
            for b in range(8):
                vidx = jnp.full((16,), 8 * tk + s + 1536 * b, jnp.int32) + i96
                e1p[pl.ds(dst0 + 16 * b, 16)] = plsc.load_gather(buf, [vidx])

    def _copy(buf, sem, r):
        return pltpu.make_async_copy(
            buf,
            out_hbm.at[pl.ds((row0 + r) * ROW, ROW)],
            sem,
        )

    def _pair(p, _):
        for j, buf, sem in ((0, buf_a, sem_a), (1, buf_b, sem_b)):
            r = 2 * p + j

            @pl.when(p >= 1)
            def _():
                _copy(buf, sem, r - 2).wait()

            @plsc.parallel_loop(0, TK * 8, unroll=4)
            def _krow(ts):
                tk = ts // 8
                s = ts - tk * 8
                v0 = plsc.load_gather(
                    e0v, [jnp.full((16,), r * EMB + 8 * tk + s, jnp.int32)]
                )
                dst0 = ((tk * TJ) * 8 + s) * 128
                for tj in range(TJ):
                    for b in range(8):
                        off = tj * 8 * 128 + 16 * b
                        buf[pl.ds(dst0 + off, 16)] = (
                            v0 + e1p[pl.ds(dst0 + off, 16)]
                        )

            _copy(buf, sem, r).start()
        return 0

    lax.fori_loop(0, RPW // 2, _pair, 0)

    _copy(buf_a, sem_a, RPW - 2).wait()
    _copy(buf_b, sem_b, RPW - 1).wait()


def kernel(x, emb_0, emb_1):
    del x
    e0f = emb_0.reshape(N0 * EMB)
    e1f = emb_1.reshape(N1 * EMB)
    mesh = plsc.VectorSubcoreMesh(core_axis_name="c", subcore_axis_name="s")
    kfn = pl.kernel(
        _sc_body,
        mesh=mesh,
        out_type=jax.ShapeDtypeStruct((N0 * ROW,), jnp.float32),
        scratch_types=[
            pltpu.VMEM((ROW,), jnp.float32),
            pltpu.VMEM((RPW * EMB,), jnp.float32),
            pltpu.VMEM((ROW,), jnp.float32),
            pltpu.VMEM((ROW,), jnp.float32),
            pltpu.SemaphoreType.DMA,
            pltpu.SemaphoreType.DMA,
        ],
        compiler_params=pltpu.CompilerParams(needs_layout_passes=False),
    )
    out_phy = kfn(e0f, e1f)
    out3 = (
        out_phy.reshape(N0, TK, TJ, 8, 128)
        .transpose(0, 1, 3, 2, 4)
        .reshape(N0, EMB, N1)
    )
    return out3.transpose(0, 2, 1)[None]

# --- scband reference (transcript-rebuilt; emitter-appended) ---
"""Pipeline reference for scband-positional-embedding-3281355014498 (READ-ONLY COPY).

The authoritative reference and input builder live on the scoring server;
editing this copy changes nothing except your own understanding.
"""

import jax, jax.numpy as jnp
import numpy as np

DATA_SHAPE = (384, 384)
EMB = 96


def setup_inputs(seed: int = 0) -> dict:
    key = jax.random.key(seed)
    k1, k2, k3 = jax.random.split(key, 3)
    x = jax.random.normal(k1, (8,) + DATA_SHAPE, dtype=jnp.float32)
    # Learned positional embedding tables, one per data dimension (nn.Embedding default init ~ N(0,1); scale for stability)
    emb_0 = jax.random.normal(k2, (DATA_SHAPE[0], EMB), dtype=jnp.float32) * 0.02
    emb_1 = jax.random.normal(k3, (DATA_SHAPE[1], EMB), dtype=jnp.float32) * 0.02
    return {"x": x, "emb_0": emb_0, "emb_1": emb_1}


def reference(x, emb_0, emb_1):
    # Faithful translation of PositionalEmbedding.forward:
    # shape = x.size()[1:]; accumulate emb_i(arange(shape[i])) broadcast along dim i.
    shape = x.shape[1:]
    tables = [emb_0, emb_1]
    out = jnp.zeros((), dtype=jnp.float32)
    for i in range(len(shape)):
        expand_shape = [1] * len(shape)
        expand_shape[i] = shape[i]
        position = jnp.arange(shape[i], dtype=jnp.int32).reshape((1,) + tuple(expand_shape))
        # embedding lookup -> gather rows of table by position index
        out = out + jnp.take(tables[i], position, axis=0)
    # broadcast-add yields [1, 384, 384, EMB]
    return out

if __name__ == "__main__":
    import jax
    _d = setup_inputs()
    print(jax.jit(kernel)(*tuple(_d.values())))

</pallas_src>

<mosaic_0001>
#map = affine_map<(d0, d1) -> (0)>
module attributes {stable_mosaic.version = 14 : i64} {
  func.func @_sc_body(%arg0: i32, %arg1: i32, %arg2: memref<36864xf32, #tpu.memory_space<hbm>>, %arg3: memref<36864xf32, #tpu.memory_space<hbm>>, %arg4: memref<14155776xf32, #tpu.memory_space<hbm>>, %arg5: memref<36864xf32, #tpu.memory_space<vmem>>, %arg6: memref<1152xf32, #tpu.memory_space<vmem>>, %arg7: memref<36864xf32, #tpu.memory_space<vmem>>, %arg8: memref<36864xf32, #tpu.memory_space<vmem>>, %arg9: memref<!tpu.dma_semaphore, #tpu.memory_space<semaphore_mem>>, %arg10: memref<!tpu.dma_semaphore, #tpu.memory_space<semaphore_mem>>) attributes {dimension_semantics = [#tpu.dimension_semantics<core_parallel>, #tpu.dimension_semantics<subcore_parallel>], iteration_bounds = array<i64: 2, 16>, scalar_prefetch = 0 : i64, scratch_operands = 6 : i64, tpu.core_type = #tpu.core_type<sc_vector_subcore>, window_params = [{transform_indices = #map}, {transform_indices = #map}, {transform_indices = #map}]} {
    %mul3A = arith.constant 2 : i32
    %mul3A_0 = arith.muli %arg1, %mul3A : i32
    %add3A = arith.addi %mul3A_0, %arg0 : i32
    %mul3A_1 = arith.constant 12 : i32
    %mul3A_2 = arith.muli %add3A, %mul3A_1 : i32
    %mul3A_3 = arith.constant 96 : i32
    %mul3A_4 = arith.muli %mul3A_2, %mul3A_3 : i32
    "tpu.region"() ({
      %run_scoped3A = tpu.sem_alloc : memref<!tpu.dma_semaphore, #tpu.memory_space<semaphore_mem>>
      %dma_start3A_80 = tpu.memref_slice %arg2[%mul3A_4] : memref<36864xf32, #tpu.memory_space<hbm>> -> memref<1152xf32, #tpu.memory_space<hbm>>
      %dma_start3A_81 = tpu.memref_slice %arg2[%mul3A_4] : memref<36864xf32, #tpu.memory_space<hbm>> -> memref<1152xf32, #tpu.memory_space<hbm>>
      tpu.enqueue_dma source(%dma_start3A_81 : memref<1152xf32, #tpu.memory_space<hbm>>) target(%arg6 : memref<1152xf32, #tpu.memory_space<vmem>>) target_semaphore(%run_scoped3A : memref<!tpu.dma_semaphore, #tpu.memory_space<semaphore_mem>>)
      %dma_wait3A_82 = tpu.memref_slice %arg2[%mul3A_4] : memref<36864xf32, #tpu.memory_space<hbm>> -> memref<1152xf32, #tpu.memory_space<hbm>>
      %dma_wait3A_83 = tpu.memref_slice %arg2[%mul3A_4] : memref<36864xf32, #tpu.memory_space<hbm>> -> memref<1152xf32, #tpu.memory_space<hbm>>
      tpu.wait_dma2 semaphore(%run_scoped3A : memref<!tpu.dma_semaphore, #tpu.memory_space<semaphore_mem>>) src(%dma_wait3A_83 : memref<1152xf32, #tpu.memory_space<hbm>>) dst(%arg6 : memref<1152xf32, #tpu.memory_space<vmem>>)
      tpu.yield
    }) : () -> ()
    %iota3A = tpu.iota {dimensions = array<i32: 0>} : vector<16xi32>
    %mul3A_5 = arith.constant 96 : i32
    %mul3A_6 = vector.broadcast %mul3A_5 : i32 to vector<16xi32>
    %mul3A_7 = arith.muli %iota3A, %mul3A_6 : vector<16xi32>
    %dma_start3A = arith.constant 0 : i32
    %dma_start3A_8 = tpu.memref_slice %arg7[%dma_start3A] : memref<36864xf32, #tpu.memory_space<vmem>> -> memref<12288xf32, #tpu.memory_space<vmem>>
    %dma_start3A_9 = arith.constant 0 : i32
    %dma_start3A_10 = tpu.memref_slice %arg3[%dma_start3A_9] : memref<36864xf32, #tpu.memory_space<hbm>> -> memref<12288xf32, #tpu.memory_space<hbm>>
    %dma_start3A_11 = arith.constant 0 : i32
    %dma_start3A_12 = tpu.memref_slice %arg7[%dma_start3A_11] : memref<36864xf32, #tpu.memory_space<vmem>> -> memref<12288xf32, #tpu.memory_space<vmem>>
    %dma_start3A_13 = arith.constant 0 : i32
    %dma_start3A_14 = tpu.memref_slice %arg3[%dma_start3A_13] : memref<36864xf32, #tpu.memory_space<hbm>> -> memref<12288xf32, #tpu.memory_space<hbm>>
    tpu.enqueue_dma source(%dma_start3A_14 : memref<12288xf32, #tpu.memory_space<hbm>>) target(%dma_start3A_12 : memref<12288xf32, #tpu.memory_space<vmem>>) target_semaphore(%arg9 : memref<!tpu.dma_semaphore, #tpu.memory_space<semaphore_mem>>)
    %dma_wait3A = arith.constant 0 : i32
    %dma_wait3A_15 = tpu.memref_slice %arg7[%dma_wait3A] : memref<36864xf32, #tpu.memory_space<vmem>> -> memref<12288xf32, #tpu.memory_space<vmem>>
    %dma_wait3A_16 = arith.constant 0 : i32
    %dma_wait3A_17 = tpu.memref_slice %arg3[%dma_wait3A_16] : memref<36864xf32, #tpu.memory_space<hbm>> -> memref<12288xf32, #tpu.memory_space<hbm>>
    %dma_wait3A_18 = arith.constant 0 : i32
    %dma_wait3A_19 = tpu.memref_slice %arg7[%dma_wait3A_18] : memref<36864xf32, #tpu.memory_space<vmem>> -> memref<12288xf32, #tpu.memory_space<vmem>>
    %dma_wait3A_20 = arith.constant 0 : i32
    %dma_wait3A_21 = tpu.memref_slice %arg3[%dma_wait3A_20] : memref<36864xf32, #tpu.memory_space<hbm>> -> memref<12288xf32, #tpu.memory_space<hbm>>
    tpu.wait_dma2 semaphore(%arg9 : memref<!tpu.dma_semaphore, #tpu.memory_space<semaphore_mem>>) src(%dma_wait3A_21 : memref<12288xf32, #tpu.memory_space<hbm>>) dst(%dma_wait3A_19 : memref<12288xf32, #tpu.memory_space<vmem>>)
    %dma_start3A_22 = arith.constant 0 : i32
    %dma_start3A_23 = tpu.memref_slice %arg8[%dma_start3A_22] : memref<36864xf32, #tpu.memory_space<vmem>> -> memref<12288xf32, #tpu.memory_space<vmem>>
    %dma_start3A_24 = arith.constant 12288 : i32
    %dma_start3A_25 = tpu.memref_slice %arg3[%dma_start3A_24] : memref<36864xf32, #tpu.memory_space<hbm>> -> memref<12288xf32, #tpu.memory_space<hbm>>
    %dma_start3A_26 = arith.constant 0 : i32
    %dma_start3A_27 = tpu.memref_slice %arg8[%dma_start3A_26] : memref<36864xf32, #tpu.memory_space<vmem>> -> memref<12288xf32, #tpu.memory_space<vmem>>
    %dma_start3A_28 = arith.constant 12288 : i32
    %dma_start3A_29 = tpu.memref_slice %arg3[%dma_start3A_28] : memref<36864xf32, #tpu.memory_space<hbm>> -> memref<12288xf32, #tpu.memory_space<hbm>>
    tpu.enqueue_dma source(%dma_start3A_29 : memref<12288xf32, #tpu.memory_space<hbm>>) target(%dma_start3A_27 : memref<12288xf32, #tpu.memory_space<vmem>>) target_semaphore(%arg10 : memref<!tpu.dma_semaphore, #tpu.memory_space<semaphore_mem>>)
    %parallel_loop3A = arith.constant 0 : i32
    %parallel_loop3A_30 = arith.constant 96 : i32
    %parallel_loop3A_31 = arith.constant 1 : i32
    scf.for %parallel_loop3A_80 = %parallel_loop3A to %parallel_loop3A_30 step %parallel_loop3A_31  : i32 {
      %parallel_loop3A_81 = arith.constant 8 : i32
      %parallel_loop3A_82 = arith.divsi %parallel_loop3A_80, %parallel_loop3A_81 : i32
      %parallel_loop3A_83 = arith.constant 0 : i32
      %parallel_loop3A_84 = arith.cmpi sgt, %parallel_loop3A_80, %parallel_loop3A_83 : i32
      %parallel_loop3A_85 = arith.extui %parallel_loop3A_84 : i1 to i32
      %parallel_loop3A_86 = arith.constant 0 : i32
      %parallel_loop3A_87 = arith.cmpi slt, %parallel_loop3A_80, %parallel_loop3A_86 : i32
      %parallel_loop3A_88 = arith.extui %parallel_loop3A_87 : i1 to i32
      %parallel_loop3A_89 = arith.subi %parallel_loop3A_85, %parallel_loop3A_88 : i32
      %parallel_loop3A_90 = arith.constant 0 : i32
      %parallel_loop3A_91 = arith.cmpi sgt, %parallel_loop3A_81, %parallel_loop3A_90 : i32
      %parallel_loop3A_92 = arith.extui %parallel_loop3A_91 : i1 to i32
      %parallel_loop3A_93 = arith.constant 0 : i32
      %parallel_loop3A_94 = arith.cmpi slt, %parallel_loop3A_81, %parallel_loop3A_93 : i32
      %parallel_loop3A_95 = arith.extui %parallel_loop3A_94 : i1 to i32
      %parallel_loop3A_96 = arith.subi %parallel_loop3A_92, %parallel_loop3A_95 : i32
      %parallel_loop3A_97 = arith.cmpi ne, %parallel_loop3A_89, %parallel_loop3A_96 : i32
      %parallel_loop3A_98 = arith.remsi %parallel_loop3A_80, %parallel_loop3A_81 : i32
      %parallel_loop3A_99 = arith.constant 0 : i32
      %parallel_loop3A_100 = arith.cmpi ne, %parallel_loop3A_98, %parallel_loop3A_99 : i32
      %parallel_loop3A_101 = arith.andi %parallel_loop3A_97, %parallel_loop3A_100 : i1
      %parallel_loop3A_102 = arith.constant 1 : i32
      %parallel_loop3A_103 = arith.subi %parallel_loop3A_82, %parallel_loop3A_102 : i32
      %parallel_loop3A_104 = arith.select %parallel_loop3A_101, %parallel_loop3A_103, %parallel_loop3A_82 : i32
      %parallel_loop3A_105 = arith.constant 8 : i32
      %parallel_loop3A_106 = arith.muli %parallel_loop3A_104, %parallel_loop3A_105 : i32
      %parallel_loop3A_107 = arith.subi %parallel_loop3A_80, %parallel_loop3A_106 : i32
      %parallel_loop3A_108 = arith.constant 3 : i32
      %parallel_loop3A_109 = arith.muli %parallel_loop3A_104, %parallel_loop3A_108 : i32
      %parallel_loop3A_110 = arith.constant 0 : i32
      %parallel_loop3A_111 = arith.addi %parallel_loop3A_109, %parallel_loop3A_110 : i32
      %parallel_loop3A_112 = arith.constant 8 : i32
      %parallel_loop3A_113 = arith.muli %parallel_loop3A_111, %parallel_loop3A_112 : i32
      %parallel_loop3A_114 = arith.addi %parallel_loop3A_113, %parallel_loop3A_107 : i32
      %parallel_loop3A_115 = arith.constant 128 : i32
      %parallel_loop3A_116 = arith.muli %parallel_loop3A_114, %parallel_loop3A_115 : i32
      %parallel_loop3A_117 = arith.constant 8 : i32
      %parallel_loop3A_118 = arith.muli %parallel_loop3A_117, %parallel_loop3A_104 : i32
      %parallel_loop3A_119 = arith.addi %parallel_loop3A_118, %parallel_loop3A_107 : i32
      %parallel_loop3A_120 = arith.constant 0 : i32
      %parallel_loop3A_121 = arith.addi %parallel_loop3A_119, %parallel_loop3A_120 : i32
      %parallel_loop3A_122 = vector.broadcast %parallel_loop3A_121 : i32 to vector<16xi32>
      %parallel_loop3A_123 = arith.addi %parallel_loop3A_122, %mul3A_7 : vector<16xi32>
      %parallel_loop3A_124 = tpu.vector_load_idx %arg7[%parallel_loop3A_123] : memref<36864xf32, #tpu.memory_space<vmem>>[vector<16xi32>], vector<16xf32>,
      %parallel_loop3A_125 = arith.constant 0 : i32
      %parallel_loop3A_126 = arith.addi %parallel_loop3A_116, %parallel_loop3A_125 : i32
      %parallel_loop3A_127 = arith.index_cast %parallel_loop3A_126 : i32 to index
      %parallel_loop3A_128 = tpu.vector_load %arg5[%parallel_loop3A_127] {strides = array<i32>} : memref<36864xf32, #tpu.memory_space<vmem>>, vector<16xf32>,
      tpu.vector_store %arg5[%parallel_loop3A_127], %parallel_loop3A_124 {strides = array<i32>} : memref<36864xf32, #tpu.memory_space<vmem>>, vector<16xf32>,
      %parallel_loop3A_129 = arith.constant 8 : i32
      %parallel_loop3A_130 = arith.muli %parallel_loop3A_129, %parallel_loop3A_104 : i32
      %parallel_loop3A_131 = arith.addi %parallel_loop3A_130, %parallel_loop3A_107 : i32
      %parallel_loop3A_132 = arith.constant 1536 : i32
      %parallel_loop3A_133 = arith.addi %parallel_loop3A_131, %parallel_loop3A_132 : i32
      %parallel_loop3A_134 = vector.broadcast %parallel_loop3A_133 : i32 to vector<16xi32>
      %parallel_loop3A_135 = arith.addi %parallel_loop3A_134, %mul3A_7 : vector<16xi32>
      %parallel_loop3A_136 = tpu.vector_load_idx %arg7[%parallel_loop3A_135] : memref<36864xf32, #tpu.memory_space<vmem>>[vector<16xi32>], vector<16xf32>,
      %parallel_loop3A_137 = arith.constant 16 : i32
      %parallel_loop3A_138 = arith.addi %parallel_loop3A_116, %parallel_loop3A_137 : i32
      %parallel_loop3A_139 = arith.index_cast %parallel_loop3A_138 : i32 to index
      %parallel_loop3A_140 = tpu.vector_load %arg5[%parallel_loop3A_139] {strides = array<i32>} : memref<36864xf32, #tpu.memory_space<vmem>>, vector<16xf32>,
      tpu.vector_store %arg5[%parallel_loop3A_139], %parallel_loop3A_136 {strides = array<i32>} : memref<36864xf32, #tpu.memory_space<vmem>>, vector<16xf32>,
      %parallel_loop3A_141 = arith.constant 8 : i32
      %parallel_loop3A_142 = arith.muli %parallel_loop3A_141, %parallel_loop3A_104 : i32
      %parallel_loop3A_143 = arith.addi %parallel_loop3A_142, %parallel_loop3A_107 : i32
      %parallel_loop3A_144 = arith.constant 3072 : i32
      %parallel_loop3A_145 = arith.addi %parallel_loop3A_143, %parallel_loop3A_144 : i32
      %parallel_loop3A_146 = vector.broadcast %parallel_loop3A_145 : i32 to vector<16xi32>
      %parallel_loop3A_147 = arith.addi %parallel_loop3A_146, %mul3A_7 : vector<16xi32>
      %parallel_loop3A_148 = tpu.vector_load_idx %arg7[%parallel_loop3A_147] : memref<36864xf32, #tpu.memory_space<vmem>>[vector<16xi32>], vector<16xf32>,
      %parallel_loop3A_149 = arith.constant 32 : i32
      %parallel_loop3A_150 = arith.addi %parallel_loop3A_116, %parallel_loop3A_149 : i32
      %parallel_loop3A_151 = arith.index_cast %parallel_loop3A_150 : i32 to index
      %parallel_loop3A_152 = tpu.vector_load %arg5[%parallel_loop3A_151] {strides = array<i32>} : memref<36864xf32, #tpu.memory_space<vmem>>, vector<16xf32>,
      tpu.vector_store %arg5[%parallel_loop3A_151], %parallel_loop3A_148 {strides = array<i32>} : memref<36864xf32, #tpu.memory_space<vmem>>, vector<16xf32>,
      %parallel_loop3A_153 = arith.constant 8 : i32
      %parallel_loop3A_154 = arith.muli %parallel_loop3A_153, %parallel_loop3A_104 : i32
      %parallel_loop3A_155 = arith.addi %parallel_loop3A_154, %parallel_loop3A_107 : i32
      %parallel_loop3A_156 = arith.constant 4608 : i32
      %parallel_loop3A_157 = arith.addi %parallel_loop3A_155, %parallel_loop3A_156 : i32
      %parallel_loop3A_158 = vector.broadcast %parallel_loop3A_157 : i32 to vector<16xi32>
      %parallel_loop3A_159 = arith.addi %parallel_loop3A_158, %mul3A_7 : vector<16xi32>
      %parallel_loop3A_160 = tpu.vector_load_idx %arg7[%parallel_loop3A_159] : memref<36864xf32, #tpu.memory_space<vmem>>[vector<16xi32>], vector<16xf32>,
      %parallel_loop3A_161 = arith.constant 48 : i32
      %parallel_loop3A_162 = arith.addi %parallel_loop3A_116, %parallel_loop3A_161 : i32
      %parallel_loop3A_163 = arith.index_cast %parallel_loop3A_162 : i32 to index
      %parallel_loop3A_164 = tpu.vector_load %arg5[%parallel_loop3A_163] {strides = array<i32>} : memref<36864xf32, #tpu.memory_space<vmem>>, vector<16xf32>,
      tpu.vector_store %arg5[%parallel_loop3A_163], %parallel_loop3A_160 {strides = array<i32>} : memref<36864xf32, #tpu.memory_space<vmem>>, vector<16xf32>,
      %parallel_loop3A_165 = arith.constant 8 : i32
      %parallel_loop3A_166 = arith.muli %parallel_loop3A_165, %parallel_loop3A_104 : i32
      %parallel_loop3A_167 = arith.addi %parallel_loop3A_166, %parallel_loop3A_107 : i32
      %parallel_loop3A_168 = arith.constant 6144 : i32
      %parallel_loop3A_169 = arith.addi %parallel_loop3A_167, %parallel_loop3A_168 : i32
      %parallel_loop3A_170 = vector.broadcast %parallel_loop3A_169 : i32 to vector<16xi32>
      %parallel_loop3A_171 = arith.addi %parallel_loop3A_170, %mul3A_7 : vector<16xi32>
      %parallel_loop3A_172 = tpu.vector_load_idx %arg7[%parallel_loop3A_171] : memref<36864xf32, #tpu.memory_space<vmem>>[vector<16xi32>], vector<16xf32>,
      %parallel_loop3A_173 = arith.constant 64 : i32
      %parallel_loop3A_174 = arith.addi %parallel_loop3A_116, %parallel_loop3A_173 : i32
      %parallel_loop3A_175 = arith.index_cast %parallel_loop3A_174 : i32 to index
      %parallel_loop3A_176 = tpu.vector_load %arg5[%parallel_loop3A_175] {strides = array<i32>} : memref<36864xf32, #tpu.memory_space<vmem>>, vector<16xf32>,
      tpu.vector_store %arg5[%parallel_loop3A_175], %parallel_loop3A_172 {strides = array<i32>} : memref<36864xf32, #tpu.memory_space<vmem>>, vector<16xf32>,
      %parallel_loop3A_177 = arith.constant 8 : i32
      %parallel_loop3A_178 = arith.muli %parallel_loop3A_177, %parallel_loop3A_104 : i32
      %parallel_loop3A_179 = arith.addi %parallel_loop3A_178, %parallel_loop3A_107 : i32
      %parallel_loop3A_180 = arith.constant 7680 : i32
      %parallel_loop3A_181 = arith.addi %parallel_loop3A_179, %parallel_loop3A_180 : i32
      %parallel_loop3A_182 = vector.broadcast %parallel_loop3A_181 : i32 to vector<16xi32>
      %parallel_loop3A_183 = arith.addi %parallel_loop3A_182, %mul3A_7 : vector<16xi32>
      %parallel_loop3A_184 = tpu.vector_load_idx %arg7[%parallel_loop3A_183] : memref<36864xf32, #tpu.memory_space<vmem>>[vector<16xi32>], vector<16xf32>,
      %parallel_loop3A_185 = arith.constant 80 : i32
      %parallel_loop3A_186 = arith.addi %parallel_loop3A_116, %parallel_loop3A_185 : i32
      %parallel_loop3A_187 = arith.index_cast %parallel_loop3A_186 : i32 to index
      %parallel_loop3A_188 = tpu.vector_load %arg5[%parallel_loop3A_187] {strides = array<i32>} : memref<36864xf32, #tpu.memory_space<vmem>>, vector<16xf32>,
      tpu.vector_store %arg5[%parallel_loop3A_187], %parallel_loop3A_184 {strides = array<i32>} : memref<36864xf32, #tpu.memory_space<vmem>>, vector<16xf32>,
      %parallel_loop3A_189 = arith.constant 8 : i32
      %parallel_loop3A_190 = arith.muli %parallel_loop3A_189, %parallel_loop3A_104 : i32
      %parallel_loop3A_191 = arith.addi %parallel_loop3A_190, %parallel_loop3A_107 : i32
      %parallel_loop3A_192 = arith.constant 9216 : i32
      %parallel_loop3A_193 = arith.addi %parallel_loop3A_191, %parallel_loop3A_192 : i32
      %parallel_loop3A_194 = vector.broadcast %parallel_loop3A_193 : i32 to vector<16xi32>
      %parallel_loop3A_195 = arith.addi %parallel_loop3A_194, %mul3A_7 : vector<16xi32>
      %parallel_loop3A_196 = tpu.vector_load_idx %arg7[%parallel_loop3A_195] : memref<36864xf32, #tpu.memory_space<vmem>>[vector<16xi32>], vector<16xf32>,
      %parallel_loop3A_197 = arith.constant 96 : i32
      %parallel_loop3A_198 = arith.addi %parallel_loop3A_116, %parallel_loop3A_197 : i32
      %parallel_loop3A_199 = arith.index_cast %parallel_loop3A_198 : i32 to index
      %parallel_loop3A_200 = tpu.vector_load %arg5[%parallel_loop3A_199] {strides = array<i32>} : memref<36864xf32, #tpu.memory_space<vmem>>, vector<16xf32>,
      tpu.vector_store %arg5[%parallel_loop3A_199], %parallel_loop3A_196 {strides = array<i32>} : memref<36864xf32, #tpu.memory_space<vmem>>, vector<16xf32>,
      %parallel_loop3A_201 = arith.constant 8 : i32
      %parallel_loop3A_202 = arith.muli %parallel_loop3A_201, %parallel_loop3A_104 : i32
      %parallel_loop3A_203 = arith.addi %parallel_loop3A_202, %parallel_loop3A_107 : i32
      %parallel_loop3A_204 = arith.constant 10752 : i32
      %parallel_loop3A_205 = arith.addi %parallel_loop3A_203, %parallel_loop3A_204 : i32
      %parallel_loop3A_206 = vector.broadcast %parallel_loop3A_205 : i32 to vector<16xi32>
      %parallel_loop3A_207 = arith.addi %parallel_loop3A_206, %mul3A_7 : vector<16xi32>
      %parallel_loop3A_208 = tpu.vector_load_idx %arg7[%parallel_loop3A_207] : memref<36864xf32, #tpu.memory_space<vmem>>[vector<16xi32>], vector<16xf32>,
      %parallel_loop3A_209 = arith.constant 112 : i32
      %parallel_loop3A_210 = arith.addi %parallel_loop3A_116, %parallel_loop3A_209 : i32
      %parallel_loop3A_211 = arith.index_cast %parallel_loop3A_210 : i32 to index
      %parallel_loop3A_212 = tpu.vector_load %arg5[%parallel_loop3A_211] {strides = array<i32>} : memref<36864xf32, #tpu.memory_space<vmem>>, vector<16xf32>,
      tpu.vector_store %arg5[%parallel_loop3A_211], %parallel_loop3A_208 {strides = array<i32>} : memref<36864xf32, #tpu.memory_space<vmem>>, vector<16xf32>,
    } {sc.loop_unroll_factor = 4 : i64, sc.parallel_access}
    %dma_wait3A_32 = arith.constant 0 : i32
    %dma_wait3A_33 = tpu.memref_slice %arg8[%dma_wait3A_32] : memref<36864xf32, #tpu.memory_space<vmem>> -> memref<12288xf32, #tpu.memory_space<vmem>>
    %dma_wait3A_34 = arith.constant 12288 : i32
    %dma_wait3A_35 = tpu.memref_slice %arg3[%dma_wait3A_34] : memref<36864xf32, #tpu.memory_space<hbm>> -> memref<12288xf32, #tpu.memory_space<hbm>>
    %dma_wait3A_36 = arith.constant 0 : i32
    %dma_wait3A_37 = tpu.memref_slice %arg8[%dma_wait3A_36] : memref<36864xf32, #tpu.memory_space<vmem>> -> memref<12288xf32, #tpu.memory_space<vmem>>
    %dma_wait3A_38 = arith.constant 12288 : i32
    %dma_wait3A_39 = tpu.memref_slice %arg3[%dma_wait3A_38] : memref<36864xf32, #tpu.memory_space<hbm>> -> memref<12288xf32, #tpu.memory_space<hbm>>
    tpu.wait_dma2 semaphore(%arg10 : memref<!tpu.dma_semaphore, #tpu.memory_space<semaphore_mem>>) src(%dma_wait3A_39 : memref<12288xf32, #tpu.memory_space<hbm>>) dst(%dma_wait3A_37 : memref<12288xf32, #tpu.memory_space<vmem>>)
    %dma_start3A_40 = arith.constant 0 : i32
    %dma_start3A_41 = tpu.memref_slice %arg7[%dma_start3A_40] : memref<36864xf32, #tpu.memory_space<vmem>> -> memref<12288xf32, #tpu.memory_space<vmem>>
    %dma_start3A_42 = arith.constant 24576 : i32
    %dma_start3A_43 = tpu.memref_slice %arg3[%dma_start3A_42] : memref<36864xf32, #tpu.memory_space<hbm>> -> memref<12288xf32, #tpu.memory_space<hbm>>
    %dma_start3A_44 = arith.constant 0 : i32
    %dma_start3A_45 = tpu.memref_slice %arg7[%dma_start3A_44] : memref<36864xf32, #tpu.memory_space<vmem>> -> memref<12288xf32, #tpu.memory_space<vmem>>
    %dma_start3A_46 = arith.constant 24576 : i32
    %dma_start3A_47 = tpu.memref_slice %arg3[%dma_start3A_46] : memref<36864xf32, #tpu.memory_space<hbm>> -> memref<12288xf32, #tpu.memory_space<hbm>>
    tpu.enqueue_dma source(%dma_start3A_47 : memref<12288xf32, #tpu.memory_space<hbm>>) target(%dma_start3A_45 : memref<12288xf32, #tpu.memory_space<vmem>>) target_semaphore(%arg9 : memref<!tpu.dma_semaphore, #tpu.memory_space<semaphore_mem>>)
    %parallel_loop3A_48 = arith.constant 0 : i32
    %parallel_loop3A_49 = arith.constant 96 : i32
    %parallel_loop3A_50 = arith.constant 1 : i32
    scf.for %parallel_loop3A_80 = %parallel_loop3A_48 to %parallel_loop3A_49 step %parallel_loop3A_50  : i32 {
      %parallel_loop3A_81 = arith.constant 8 : i32
      %parallel_loop3A_82 = arith.divsi %parallel_loop3A_80, %parallel_loop3A_81 : i32
      %parallel_loop3A_83 = arith.constant 0 : i32
      %parallel_loop3A_84 = arith.cmpi sgt, %parallel_loop3A_80, %parallel_loop3A_83 : i32
      %parallel_loop3A_85 = arith.extui %parallel_loop3A_84 : i1 to i32
      %parallel_loop3A_86 = arith.constant 0 : i32
      %parallel_loop3A_87 = arith.cmpi slt, %parallel_loop3A_80, %parallel_loop3A_86 : i32
      %parallel_loop3A_88 = arith.extui %parallel_loop3A_87 : i1 to i32
      %parallel_loop3A_89 = arith.subi %parallel_loop3A_85, %parallel_loop3A_88 : i32
      %parallel_loop3A_90 = arith.constant 0 : i32
      %parallel_loop3A_91 = arith.cmpi sgt, %parallel_loop3A_81, %parallel_loop3A_90 : i32
      %parallel_loop3A_92 = arith.extui %parallel_loop3A_91 : i1 to i32
      %parallel_loop3A_93 = arith.constant 0 : i32
      %parallel_loop3A_94 = arith.cmpi slt, %parallel_loop3A_81, %parallel_loop3A_93 : i32
      %parallel_loop3A_95 = arith.extui %parallel_loop3A_94 : i1 to i32
      %parallel_loop3A_96 = arith.subi %parallel_loop3A_92, %parallel_loop3A_95 : i32
      %parallel_loop3A_97 = arith.cmpi ne, %parallel_loop3A_89, %parallel_loop3A_96 : i32
      %parallel_loop3A_98 = arith.remsi %parallel_loop3A_80, %parallel_loop3A_81 : i32
      %parallel_loop3A_99 = arith.constant 0 : i32
      %parallel_loop3A_100 = arith.cmpi ne, %parallel_loop3A_98, %parallel_loop3A_99 : i32
      %parallel_loop3A_101 = arith.andi %parallel_loop3A_97, %parallel_loop3A_100 : i1
      %parallel_loop3A_102 = arith.constant 1 : i32
      %parallel_loop3A_103 = arith.subi %parallel_loop3A_82, %parallel_loop3A_102 : i32
      %parallel_loop3A_104 = arith.select %parallel_loop3A_101, %parallel_loop3A_103, %parallel_loop3A_82 : i32
      %parallel_loop3A_105 = arith.constant 8 : i32
      %parallel_loop3A_106 = arith.muli %parallel_loop3A_104, %parallel_loop3A_105 : i32
      %parallel_loop3A_107 = arith.subi %parallel_loop3A_80, %parallel_loop3A_106 : i32
      %parallel_loop3A_108 = arith.constant 3 : i32
      %parallel_loop3A_109 = arith.muli %parallel_loop3A_104, %parallel_loop3A_108 : i32
      %parallel_loop3A_110 = arith.constant 1 : i32
      %parallel_loop3A_111 = arith.addi %parallel_loop3A_109, %parallel_loop3A_110 : i32
      %parallel_loop3A_112 = arith.constant 8 : i32
      %parallel_loop3A_113 = arith.muli %parallel_loop3A_111, %parallel_loop3A_112 : i32
      %parallel_loop3A_114 = arith.addi %parallel_loop3A_113, %parallel_loop3A_107 : i32
      %parallel_loop3A_115 = arith.constant 128 : i32
      %parallel_loop3A_116 = arith.muli %parallel_loop3A_114, %parallel_loop3A_115 : i32
      %parallel_loop3A_117 = arith.constant 8 : i32
      %parallel_loop3A_118 = arith.muli %parallel_loop3A_117, %parallel_loop3A_104 : i32
      %parallel_loop3A_119 = arith.addi %parallel_loop3A_118, %parallel_loop3A_107 : i32
      %parallel_loop3A_120 = arith.constant 0 : i32
      %parallel_loop3A_121 = arith.addi %parallel_loop3A_119, %parallel_loop3A_120 : i32
      %parallel_loop3A_122 = vector.broadcast %parallel_loop3A_121 : i32 to vector<16xi32>
      %parallel_loop3A_123 = arith.addi %parallel_loop3A_122, %mul3A_7 : vector<16xi32>
      %parallel_loop3A_124 = tpu.vector_load_idx %arg8[%parallel_loop3A_123] : memref<36864xf32, #tpu.memory_space<vmem>>[vector<16xi32>], vector<16xf32>,
      %parallel_loop3A_125 = arith.constant 0 : i32
      %parallel_loop3A_126 = arith.addi %parallel_loop3A_116, %parallel_loop3A_125 : i32
      %parallel_loop3A_127 = arith.index_cast %parallel_loop3A_126 : i32 to index
      %parallel_loop3A_128 = tpu.vector_load %arg5[%parallel_loop3A_127] {strides = array<i32>} : memref<36864xf32, #tpu.memory_space<vmem>>, vector<16xf32>,
      tpu.vector_store %arg5[%parallel_loop3A_127], %parallel_loop3A_124 {strides = array<i32>} : memref<36864xf32, #tpu.memory_space<vmem>>, vector<16xf32>,
      %parallel_loop3A_129 = arith.constant 8 : i32
      %parallel_loop3A_130 = arith.muli %parallel_loop3A_129, %parallel_loop3A_104 : i32
      %parallel_loop3A_131 = arith.addi %parallel_loop3A_130, %parallel_loop3A_107 : i32
      %parallel_loop3A_132 = arith.constant 1536 : i32
      %parallel_loop3A_133 = arith.addi %parallel_loop3A_131, %parallel_loop3A_132 : i32
      %parallel_loop3A_134 = vector.broadcast %parallel_loop3A_133 : i32 to vector<16xi32>
      %parallel_loop3A_135 = arith.addi %parallel_loop3A_134, %mul3A_7 : vector<16xi32>
      %parallel_loop3A_136 = tpu.vector_load_idx %arg8[%parallel_loop3A_135] : memref<36864xf32, #tpu.memory_space<vmem>>[vector<16xi32>], vector<16xf32>,
      %parallel_loop3A_137 = arith.constant 16 : i32
      %parallel_loop3A_138 = arith.addi %parallel_loop3A_116, %parallel_loop3A_137 : i32
      %parallel_loop3A_139 = arith.index_cast %parallel_loop3A_138 : i32 to index
      %parallel_loop3A_140 = tpu.vector_load %arg5[%parallel_loop3A_139] {strides = array<i32>} : memref<36864xf32, #tpu.memory_space<vmem>>, vector<16xf32>,
      tpu.vector_store %arg5[%parallel_loop3A_139], %parallel_loop3A_136 {strides = array<i32>} : memref<36864xf32, #tpu.memory_space<vmem>>, vector<16xf32>,
      %parallel_loop3A_141 = arith.constant 8 : i32
      %parallel_loop3A_142 = arith.muli %parallel_loop3A_141, %parallel_loop3A_104 : i32
      %parallel_loop3A_143 = arith.addi %parallel_loop3A_142, %parallel_loop3A_107 : i32
      %parallel_loop3A_144 = arith.constant 3072 : i32
      %parallel_loop3A_145 = arith.addi %parallel_loop3A_143, %parallel_loop3A_144 : i32
      %parallel_loop3A_146 = vector.broadcast %parallel_loop3A_145 : i32 to vector<16xi32>
      %parallel_loop3A_147 = arith.addi %parallel_loop3A_146, %mul3A_7 : vector<16xi32>
      %parallel_loop3A_148 = tpu.vector_load_idx %arg8[%parallel_loop3A_147] : memref<36864xf32, #tpu.memory_space<vmem>>[vector<16xi32>], vector<16xf32>,
      %parallel_loop3A_149 = arith.constant 32 : i32
      %parallel_loop3A_150 = arith.addi %parallel_loop3A_116, %parallel_loop3A_149 : i32
      %parallel_loop3A_151 = arith.index_cast %parallel_loop3A_150 : i32 to index
      %parallel_loop3A_152 = tpu.vector_load %arg5[%parallel_loop3A_151] {strides = array<i32>} : memref<36864xf32, #tpu.memory_space<vmem>>, vector<16xf32>,
      tpu.vector_store %arg5[%parallel_loop3A_151], %parallel_loop3A_148 {strides = array<i32>} : memref<36864xf32, #tpu.memory_space<vmem>>, vector<16xf32>,
      %parallel_loop3A_153 = arith.constant 8 : i32
      %parallel_loop3A_154 = arith.muli %parallel_loop3A_153, %parallel_loop3A_104 : i32
      %parallel_loop3A_155 = arith.addi %parallel_loop3A_154, %parallel_loop3A_107 : i32
      %parallel_loop3A_156 = arith.constant 4608 : i32
      %parallel_loop3A_157 = arith.addi %parallel_loop3A_155, %parallel_loop3A_156 : i32
      %parallel_loop3A_158 = vector.broadcast %parallel_loop3A_157 : i32 to vector<16xi32>
      %parallel_loop3A_159 = arith.addi %parallel_loop3A_158, %mul3A_7 : vector<16xi32>
      %parallel_loop3A_160 = tpu.vector_load_idx %arg8[%parallel_loop3A_159] : memref<36864xf32, #tpu.memory_space<vmem>>[vector<16xi32>], vector<16xf32>,
      %parallel_loop3A_161 = arith.constant 48 : i32
      %parallel_loop3A_162 = arith.addi %parallel_loop3A_116, %parallel_loop3A_161 : i32
      %parallel_loop3A_163 = arith.index_cast %parallel_loop3A_162 : i32 to index
      %parallel_loop3A_164 = tpu.vector_load %arg5[%parallel_loop3A_163] {strides = array<i32>} : memref<36864xf32, #tpu.memory_space<vmem>>, vector<16xf32>,
      tpu.vector_store %arg5[%parallel_loop3A_163], %parallel_loop3A_160 {strides = array<i32>} : memref<36864xf32, #tpu.memory_space<vmem>>, vector<16xf32>,
      %parallel_loop3A_165 = arith.constant 8 : i32
      %parallel_loop3A_166 = arith.muli %parallel_loop3A_165, %parallel_loop3A_104 : i32
      %parallel_loop3A_167 = arith.addi %parallel_loop3A_166, %parallel_loop3A_107 : i32
      %parallel_loop3A_168 = arith.constant 6144 : i32
      %parallel_loop3A_169 = arith.addi %parallel_loop3A_167, %parallel_loop3A_168 : i32
      %parallel_loop3A_170 = vector.broadcast %parallel_loop3A_169 : i32 to vector<16xi32>
      %parallel_loop3A_171 = arith.addi %parallel_loop3A_170, %mul3A_7 : vector<16xi32>
      %parallel_loop3A_172 = tpu.vector_load_idx %arg8[%parallel_loop3A_171] : memref<36864xf32, #tpu.memory_space<vmem>>[vector<16xi32>], vector<16xf32>,
      %parallel_loop3A_173 = arith.constant 64 : i32
      %parallel_loop3A_174 = arith.addi %parallel_loop3A_116, %parallel_loop3A_173 : i32
      %parallel_loop3A_175 = arith.index_cast %parallel_loop3A_174 : i32 to index
      %parallel_loop3A_176 = tpu.vector_load %arg5[%parallel_loop3A_175] {strides = array<i32>} : memref<36864xf32, #tpu.memory_space<vmem>>, vector<16xf32>,
      tpu.vector_store %arg5[%parallel_loop3A_175], %parallel_loop3A_172 {strides = array<i32>} : memref<36864xf32, #tpu.memory_space<vmem>>, vector<16xf32>,
      %parallel_loop3A_177 = arith.constant 8 : i32
      %parallel_loop3A_178 = arith.muli %parallel_loop3A_177, %parallel_loop3A_104 : i32
      %parallel_loop3A_179 = arith.addi %parallel_loop3A_178, %parallel_loop3A_107 : i32
      %parallel_loop3A_180 = arith.constant 7680 : i32
      %parallel_loop3A_181 = arith.addi %parallel_loop3A_179, %parallel_loop3A_180 : i32
      %parallel_loop3A_182 = vector.broadcast %parallel_loop3A_181 : i32 to vector<16xi32>
      %parallel_loop3A_183 = arith.addi %parallel_loop3A_182, %mul3A_7 : vector<16xi32>
      %parallel_loop3A_184 = tpu.vector_load_idx %arg8[%parallel_loop3A_183] : memref<36864xf32, #tpu.memory_space<vmem>>[vector<16xi32>], vector<16xf32>,
      %parallel_loop3A_185 = arith.constant 80 : i32
      %parallel_loop3A_186 = arith.addi %parallel_loop3A_116, %parallel_loop3A_185 : i32
      %parallel_loop3A_187 = arith.index_cast %parallel_loop3A_186 : i32 to index
      %parallel_loop3A_188 = tpu.vector_load %arg5[%parallel_loop3A_187] {strides = array<i32>} : memref<36864xf32, #tpu.memory_space<vmem>>, vector<16xf32>,
      tpu.vector_store %arg5[%parallel_loop3A_187], %parallel_loop3A_184 {strides = array<i32>} : memref<36864xf32, #tpu.memory_space<vmem>>, vector<16xf32>,
      %parallel_loop3A_189 = arith.constant 8 : i32
      %parallel_loop3A_190 = arith.muli %parallel_loop3A_189, %parallel_loop3A_104 : i32
      %parallel_loop3A_191 = arith.addi %parallel_loop3A_190, %parallel_loop3A_107 : i32
      %parallel_loop3A_192 = arith.constant 9216 : i32
      %parallel_loop3A_193 = arith.addi %parallel_loop3A_191, %parallel_loop3A_192 : i32
      %parallel_loop3A_194 = vector.broadcast %parallel_loop3A_193 : i32 to vector<16xi32>
      %parallel_loop3A_195 = arith.addi %parallel_loop3A_194, %mul3A_7 : vector<16xi32>
      %parallel_loop3A_196 = tpu.vector_load_idx %arg8[%parallel_loop3A_195] : memref<36864xf32, #tpu.memory_space<vmem>>[vector<16xi32>], vector<16xf32>,
      %parallel_loop3A_197 = arith.constant 96 : i32
      %parallel_loop3A_198 = arith.addi %parallel_loop3A_116, %parallel_loop3A_197 : i32
      %parallel_loop3A_199 = arith.index_cast %parallel_loop3A_198 : i32 to index
      %parallel_loop3A_200 = tpu.vector_load %arg5[%parallel_loop3A_199] {strides = array<i32>} : memref<36864xf32, #tpu.memory_space<vmem>>, vector<16xf32>,
      tpu.vector_store %arg5[%parallel_loop3A_199], %parallel_loop3A_196 {strides = array<i32>} : memref<36864xf32, #tpu.memory_space<vmem>>, vector<16xf32>,
      %parallel_loop3A_201 = arith.constant 8 : i32
      %parallel_loop3A_202 = arith.muli %parallel_loop3A_201, %parallel_loop3A_104 : i32
      %parallel_loop3A_203 = arith.addi %parallel_loop3A_202, %parallel_loop3A_107 : i32
      %parallel_loop3A_204 = arith.constant 10752 : i32
      %parallel_loop3A_205 = arith.addi %parallel_loop3A_203, %parallel_loop3A_204 : i32
      %parallel_loop3A_206 = vector.broadcast %parallel_loop3A_205 : i32 to vector<16xi32>
      %parallel_loop3A_207 = arith.addi %parallel_loop3A_206, %mul3A_7 : vector<16xi32>
      %parallel_loop3A_208 = tpu.vector_load_idx %arg8[%parallel_loop3A_207] : memref<36864xf32, #tpu.memory_space<vmem>>[vector<16xi32>], vector<16xf32>,
      %parallel_loop3A_209 = arith.constant 112 : i32
      %parallel_loop3A_210 = arith.addi %parallel_loop3A_116, %parallel_loop3A_209 : i32
      %parallel_loop3A_211 = arith.index_cast %parallel_loop3A_210 : i32 to index
      %parallel_loop3A_212 = tpu.vector_load %arg5[%parallel_loop3A_211] {strides = array<i32>} : memref<36864xf32, #tpu.memory_space<vmem>>, vector<16xf32>,
      tpu.vector_store %arg5[%parallel_loop3A_211], %parallel_loop3A_208 {strides = array<i32>} : memref<36864xf32, #tpu.memory_space<vmem>>, vector<16xf32>,
    } {sc.loop_unroll_factor = 4 : i64, sc.parallel_access}
    %dma_wait3A_51 = arith.constant 0 : i32
    %dma_wait3A_52 = tpu.memref_slice %arg7[%dma_wait3A_51] : memref<36864xf32, #tpu.memory_space<vmem>> -> memref<12288xf32, #tpu.memory_space<vmem>>
    %dma_wait3A_53 = arith.constant 24576 : i32
    %dma_wait3A_54 = tpu.memref_slice %arg3[%dma_wait3A_53] : memref<36864xf32, #tpu.memory_space<hbm>> -> memref<12288xf32, #tpu.memory_space<hbm>>
    %dma_wait3A_55 = arith.constant 0 : i32
    %dma_wait3A_56 = tpu.memref_slice %arg7[%dma_wait3A_55] : memref<36864xf32, #tpu.memory_space<vmem>> -> memref<12288xf32, #tpu.memory_space<vmem>>
    %dma_wait3A_57 = arith.constant 24576 : i32
    %dma_wait3A_58 = tpu.memref_slice %arg3[%dma_wait3A_57] : memref<36864xf32, #tpu.memory_space<hbm>> -> memref<12288xf32, #tpu.memory_space<hbm>>
    tpu.wait_dma2 semaphore(%arg9 : memref<!tpu.dma_semaphore, #tpu.memory_space<semaphore_mem>>) src(%dma_wait3A_58 : memref<12288xf32, #tpu.memory_space<hbm>>) dst(%dma_wait3A_56 : memref<12288xf32, #tpu.memory_space<vmem>>)
    %parallel_loop3A_59 = arith.constant 0 : i32
    %parallel_loop3A_60 = arith.constant 96 : i32
    %parallel_loop3A_61 = arith.constant 1 : i32
    scf.for %parallel_loop3A_80 = %parallel_loop3A_59 to %parallel_loop3A_60 step %parallel_loop3A_61  : i32 {
      %parallel_loop3A_81 = arith.constant 8 : i32
      %parallel_loop3A_82 = arith.divsi %parallel_loop3A_80, %parallel_loop3A_81 : i32
      %parallel_loop3A_83 = arith.constant 0 : i32
      %parallel_loop3A_84 = arith.cmpi sgt, %parallel_loop3A_80, %parallel_loop3A_83 : i32
      %parallel_loop3A_85 = arith.extui %parallel_loop3A_84 : i1 to i32
      %parallel_loop3A_86 = arith.constant 0 : i32
      %parallel_loop3A_87 = arith.cmpi slt, %parallel_loop3A_80, %parallel_loop3A_86 : i32
      %parallel_loop3A_88 = arith.extui %parallel_loop3A_87 : i1 to i32
      %parallel_loop3A_89 = arith.subi %parallel_loop3A_85, %parallel_loop3A_88 : i32
      %parallel_loop3A_90 = arith.constant 0 : i32
      %parallel_loop3A_91 = arith.cmpi sgt, %parallel_loop3A_81, %parallel_loop3A_90 : i32
      %parallel_loop3A_92 = arith.extui %parallel_loop3A_91 : i1 to i32
      %parallel_loop3A_93 = arith.constant 0 : i32
      %parallel_loop3A_94 = arith.cmpi slt, %parallel_loop3A_81, %parallel_loop3A_93 : i32
      %parallel_loop3A_95 = arith.extui %parallel_loop3A_94 : i1 to i32
      %parallel_loop3A_96 = arith.subi %parallel_loop3A_92, %parallel_loop3A_95 : i32
      %parallel_loop3A_97 = arith.cmpi ne, %parallel_loop3A_89, %parallel_loop3A_96 : i32
      %parallel_loop3A_98 = arith.remsi %parallel_loop3A_80, %parallel_loop3A_81 : i32
      %parallel_loop3A_99 = arith.constant 0 : i32
      %parallel_loop3A_100 = arith.cmpi ne, %parallel_loop3A_98, %parallel_loop3A_99 : i32
      %parallel_loop3A_101 = arith.andi %parallel_loop3A_97, %parallel_loop3A_100 : i1
      %parallel_loop3A_102 = arith.constant 1 : i32
      %parallel_loop3A_103 = arith.subi %parallel_loop3A_82, %parallel_loop3A_102 : i32
      %parallel_loop3A_104 = arith.select %parallel_loop3A_101, %parallel_loop3A_103, %parallel_loop3A_82 : i32
      %parallel_loop3A_105 = arith.constant 8 : i32
      %parallel_loop3A_106 = arith.muli %parallel_loop3A_104, %parallel_loop3A_105 : i32
      %parallel_loop3A_107 = arith.subi %parallel_loop3A_80, %parallel_loop3A_106 : i32
      %parallel_loop3A_108 = arith.constant 3 : i32
      %parallel_loop3A_109 = arith.muli %parallel_loop3A_104, %parallel_loop3A_108 : i32
      %parallel_loop3A_110 = arith.constant 2 : i32
      %parallel_loop3A_111 = arith.addi %parallel_loop3A_109, %parallel_loop3A_110 : i32
      %parallel_loop3A_112 = arith.constant 8 : i32
      %parallel_loop3A_113 = arith.muli %parallel_loop3A_111, %parallel_loop3A_112 : i32
      %parallel_loop3A_114 = arith.addi %parallel_loop3A_113, %parallel_loop3A_107 : i32
      %parallel_loop3A_115 = arith.constant 128 : i32
      %parallel_loop3A_116 = arith.muli %parallel_loop3A_114, %parallel_loop3A_115 : i32
      %parallel_loop3A_117 = arith.constant 8 : i32
      %parallel_loop3A_118 = arith.muli %parallel_loop3A_117, %parallel_loop3A_104 : i32
      %parallel_loop3A_119 = arith.addi %parallel_loop3A_118, %parallel_loop3A_107 : i32
      %parallel_loop3A_120 = arith.constant 0 : i32
      %parallel_loop3A_121 = arith.addi %parallel_loop3A_119, %parallel_loop3A_120 : i32
      %parallel_loop3A_122 = vector.broadcast %parallel_loop3A_121 : i32 to vector<16xi32>
      %parallel_loop3A_123 = arith.addi %parallel_loop3A_122, %mul3A_7 : vector<16xi32>
      %parallel_loop3A_124 = tpu.vector_load_idx %arg7[%parallel_loop3A_123] : memref<36864xf32, #tpu.memory_space<vmem>>[vector<16xi32>], vector<16xf32>,
      %parallel_loop3A_125 = arith.constant 0 : i32
      %parallel_loop3A_126 = arith.addi %parallel_loop3A_116, %parallel_loop3A_125 : i32
      %parallel_loop3A_127 = arith.index_cast %parallel_loop3A_126 : i32 to index
      %parallel_loop3A_128 = tpu.vector_load %arg5[%parallel_loop3A_127] {strides = array<i32>} : memref<36864xf32, #tpu.memory_space<vmem>>, vector<16xf32>,
      tpu.vector_store %arg5[%parallel_loop3A_127], %parallel_loop3A_124 {strides = array<i32>} : memref<36864xf32, #tpu.memory_space<vmem>>, vector<16xf32>,
      %parallel_loop3A_129 = arith.constant 8 : i32
      %parallel_loop3A_130 = arith.muli %parallel_loop3A_129, %parallel_loop3A_104 : i32
      %parallel_loop3A_131 = arith.addi %parallel_loop3A_130, %parallel_loop3A_107 : i32
      %parallel_loop3A_132 = arith.constant 1536 : i32
      %parallel_loop3A_133 = arith.addi %parallel_loop3A_131, %parallel_loop3A_132 : i32
      %parallel_loop3A_134 = vector.broadcast %parallel_loop3A_133 : i32 to vector<16xi32>
      %parallel_loop3A_135 = arith.addi %parallel_loop3A_134, %mul3A_7 : vector<16xi32>
      %parallel_loop3A_136 = tpu.vector_load_idx %arg7[%parallel_loop3A_135] : memref<36864xf32, #tpu.memory_space<vmem>>[vector<16xi32>], vector<16xf32>,
      %parallel_loop3A_137 = arith.constant 16 : i32
      %parallel_loop3A_138 = arith.addi %parallel_loop3A_116, %parallel_loop3A_137 : i32
      %parallel_loop3A_139 = arith.index_cast %parallel_loop3A_138 : i32 to index
      %parallel_loop3A_140 = tpu.vector_load %arg5[%parallel_loop3A_139] {strides = array<i32>} : memref<36864xf32, #tpu.memory_space<vmem>>, vector<16xf32>,
      tpu.vector_store %arg5[%parallel_loop3A_139], %parallel_loop3A_136 {strides = array<i32>} : memref<36864xf32, #tpu.memory_space<vmem>>, vector<16xf32>,
      %parallel_loop3A_141 = arith.constant 8 : i32
      %parallel_loop3A_142 = arith.muli %parallel_loop3A_141, %parallel_loop3A_104 : i32
      %parallel_loop3A_143 = arith.addi %parallel_loop3A_142, %parallel_loop3A_107 : i32
      %parallel_loop3A_144 = arith.constant 3072 : i32
      %parallel_loop3A_145 = arith.addi %parallel_loop3A_143, %parallel_loop3A_144 : i32
      %parallel_loop3A_146 = vector.broadcast %parallel_loop3A_145 : i32 to vector<16xi32>
      %parallel_loop3A_147 = arith.addi %parallel_loop3A_146, %mul3A_7 : vector<16xi32>
      %parallel_loop3A_148 = tpu.vector_load_idx %arg7[%parallel_loop3A_147] : memref<36864xf32, #tpu.memory_space<vmem>>[vector<16xi32>], vector<16xf32>,
      %parallel_loop3A_149 = arith.constant 32 : i32
      %parallel_loop3A_150 = arith.addi %parallel_loop3A_116, %parallel_loop3A_149 : i32
      %parallel_loop3A_151 = arith.index_cast %parallel_loop3A_150 : i32 to index
      %parallel_loop3A_152 = tpu.vector_load %arg5[%parallel_loop3A_151] {strides = array<i32>} : memref<36864xf32, #tpu.memory_space<vmem>>, vector<16xf32>,
      tpu.vector_store %arg5[%parallel_loop3A_151], %parallel_loop3A_148 {strides = array<i32>} : memref<36864xf32, #tpu.memory_space<vmem>>, vector<16xf32>,
      %parallel_loop3A_153 = arith.constant 8 : i32
      %parallel_loop3A_154 = arith.muli %parallel_loop3A_153, %parallel_loop3A_104 : i32
      %parallel_loop3A_155 = arith.addi %parallel_loop3A_154, %parallel_loop3A_107 : i32
      %parallel_loop3A_156 = arith.constant 4608 : i32
      %parallel_loop3A_157 = arith.addi %parallel_loop3A_155, %parallel_loop3A_156 : i32
      %parallel_loop3A_158 = vector.broadcast %parallel_loop3A_157 : i32 to vector<16xi32>
      %parallel_loop3A_159 = arith.addi %parallel_loop3A_158, %mul3A_7 : vector<16xi32>
      %parallel_loop3A_160 = tpu.vector_load_idx %arg7[%parallel_loop3A_159] : memref<36864xf32, #tpu.memory_space<vmem>>[vector<16xi32>], vector<16xf32>,
      %parallel_loop3A_161 = arith.constant 48 : i32
      %parallel_loop3A_162 = arith.addi %parallel_loop3A_116, %parallel_loop3A_161 : i32
      %parallel_loop3A_163 = arith.index_cast %parallel_loop3A_162 : i32 to index
      %parallel_loop3A_164 = tpu.vector_load %arg5[%parallel_loop3A_163] {strides = array<i32>} : memref<36864xf32, #tpu.memory_space<vmem>>, vector<16xf32>,
      tpu.vector_store %arg5[%parallel_loop3A_163], %parallel_loop3A_160 {strides = array<i32>} : memref<36864xf32, #tpu.memory_space<vmem>>, vector<16xf32>,
      %parallel_loop3A_165 = arith.constant 8 : i32
      %parallel_loop3A_166 = arith.muli %parallel_loop3A_165, %parallel_loop3A_104 : i32
      %parallel_loop3A_167 = arith.addi %parallel_loop3A_166, %parallel_loop3A_107 : i32
      %parallel_loop3A_168 = arith.constant 6144 : i32
      %parallel_loop3A_169 = arith.addi %parallel_loop3A_167, %parallel_loop3A_168 : i32
      %parallel_loop3A_170 = vector.broadcast %parallel_loop3A_169 : i32 to vector<16xi32>
      %parallel_loop3A_171 = arith.addi %parallel_loop3A_170, %mul3A_7 : vector<16xi32>
      %parallel_loop3A_172 = tpu.vector_load_idx %arg7[%parallel_loop3A_171] : memref<36864xf32, #tpu.memory_space<vmem>>[vector<16xi32>], vector<16xf32>,
      %parallel_loop3A_173 = arith.constant 64 : i32
      %parallel_loop3A_174 = arith.addi %parallel_loop3A_116, %parallel_loop3A_173 : i32
      %parallel_loop3A_175 = arith.index_cast %parallel_loop3A_174 : i32 to index
      %parallel_loop3A_176 = tpu.vector_load %arg5[%parallel_loop3A_175] {strides = array<i32>} : memref<36864xf32, #tpu.memory_space<vmem>>, vector<16xf32>,
      tpu.vector_store %arg5[%parallel_loop3A_175], %parallel_loop3A_172 {strides = array<i32>} : memref<36864xf32, #tpu.memory_space<vmem>>, vector<16xf32>,
      %parallel_loop3A_177 = arith.constant 8 : i32
      %parallel_loop3A_178 = arith.muli %parallel_loop3A_177, %parallel_loop3A_104 : i32
      %parallel_loop3A_179 = arith.addi %parallel_loop3A_178, %parallel_loop3A_107 : i32
      %parallel_loop3A_180 = arith.constant 7680 : i32
      %parallel_loop3A_181 = arith.addi %parallel_loop3A_179, %parallel_loop3A_180 : i32
      %parallel_loop3A_182 = vector.broadcast %parallel_loop3A_181 : i32 to vector<16xi32>
      %parallel_loop3A_183 = arith.addi %parallel_loop3A_182, %mul3A_7 : vector<16xi32>
      %parallel_loop3A_184 = tpu.vector_load_idx %arg7[%parallel_loop3A_183] : memref<36864xf32, #tpu.memory_space<vmem>>[vector<16xi32>], vector<16xf32>,
      %parallel_loop3A_185 = arith.constant 80 : i32
      %parallel_loop3A_186 = arith.addi %parallel_loop3A_116, %parallel_loop3A_185 : i32
      %parallel_loop3A_187 = arith.index_cast %parallel_loop3A_186 : i32 to index
      %parallel_loop3A_188 = tpu.vector_load %arg5[%parallel_loop3A_187] {strides = array<i32>} : memref<36864xf32, #tpu.memory_space<vmem>>, vector<16xf32>,
      tpu.vector_store %arg5[%parallel_loop3A_187], %parallel_loop3A_184 {strides = array<i32>} : memref<36864xf32, #tpu.memory_space<vmem>>, vector<16xf32>,
      %parallel_loop3A_189 = arith.constant 8 : i32
      %parallel_loop3A_190 = arith.muli %parallel_loop3A_189, %parallel_loop3A_104 : i32
      %parallel_loop3A_191 = arith.addi %parallel_loop3A_190, %parallel_loop3A_107 : i32
      %parallel_loop3A_192 = arith.constant 9216 : i32
      %parallel_loop3A_193 = arith.addi %parallel_loop3A_191, %parallel_loop3A_192 : i32
      %parallel_loop3A_194 = vector.broadcast %parallel_loop3A_193 : i32 to vector<16xi32>
      %parallel_loop3A_195 = arith.addi %parallel_loop3A_194, %mul3A_7 : vector<16xi32>
      %parallel_loop3A_196 = tpu.vector_load_idx %arg7[%parallel_loop3A_195] : memref<36864xf32, #tpu.memory_space<vmem>>[vector<16xi32>], vector<16xf32>,
      %parallel_loop3A_197 = arith.constant 96 : i32
      %parallel_loop3A_198 = arith.addi %parallel_loop3A_116, %parallel_loop3A_197 : i32
      %parallel_loop3A_199 = arith.index_cast %parallel_loop3A_198 : i32 to index
      %parallel_loop3A_200 = tpu.vector_load %arg5[%parallel_loop3A_199] {strides = array<i32>} : memref<36864xf32, #tpu.memory_space<vmem>>, vector<16xf32>,
      tpu.vector_store %arg5[%parallel_loop3A_199], %parallel_loop3A_196 {strides = array<i32>} : memref<36864xf32, #tpu.memory_space<vmem>>, vector<16xf32>,
      %parallel_loop3A_201 = arith.constant 8 : i32
      %parallel_loop3A_202 = arith.muli %parallel_loop3A_201, %parallel_loop3A_104 : i32
      %parallel_loop3A_203 = arith.addi %parallel_loop3A_202, %parallel_loop3A_107 : i32
      %parallel_loop3A_204 = arith.constant 10752 : i32
      %parallel_loop3A_205 = arith.addi %parallel_loop3A_203, %parallel_loop3A_204 : i32
      %parallel_loop3A_206 = vector.broadcast %parallel_loop3A_205 : i32 to vector<16xi32>
      %parallel_loop3A_207 = arith.addi %parallel_loop3A_206, %mul3A_7 : vector<16xi32>
      %parallel_loop3A_208 = tpu.vector_load_idx %arg7[%parallel_loop3A_207] : memref<36864xf32, #tpu.memory_space<vmem>>[vector<16xi32>], vector<16xf32>,
      %parallel_loop3A_209 = arith.constant 112 : i32
      %parallel_loop3A_210 = arith.addi %parallel_loop3A_116, %parallel_loop3A_209 : i32
      %parallel_loop3A_211 = arith.index_cast %parallel_loop3A_210 : i32 to index
      %parallel_loop3A_212 = tpu.vector_load %arg5[%parallel_loop3A_211] {strides = array<i32>} : memref<36864xf32, #tpu.memory_space<vmem>>, vector<16xf32>,
      tpu.vector_store %arg5[%parallel_loop3A_211], %parallel_loop3A_208 {strides = array<i32>} : memref<36864xf32, #tpu.memory_space<vmem>>, vector<16xf32>,
    } {sc.loop_unroll_factor = 4 : i64, sc.parallel_access}
    %scan3A = arith.constant 0 : i32
    %scan3A_62 = arith.constant 0 : i32
    %scan3A_63 = arith.constant 6 : i32
    %scan3A_64 = arith.addi %scan3A_62, %scan3A_63 : i32
    %scan3A_65 = arith.constant 1 : i32
    %scan3A_66 = scf.for %scan3A_80 = %scan3A_62 to %scan3A_64 step %scan3A_65 iter_args(%scan3A_81 = %scan3A) -> (i32)  : i32 {
      %mul3A_82 = arith.constant 2 : i32
      %mul3A_83 = arith.muli %mul3A_82, %scan3A_80 : i32
      %add3A_84 = arith.constant 0 : i32
      %add3A_85 = arith.addi %mul3A_83, %add3A_84 : i32
      %ge3A = arith.constant 1 : i32
      %ge3A_86 = arith.cmpi sge, %scan3A_80, %ge3A : i32
      %convert_element_type3A = arith.extui %ge3A_86 : i1 to i32
      %cond3A = arith.constant 0 : i32
      %cond3A_87 = arith.cmpi ne, %convert_element_type3A, %cond3A : i32
      scf.if %cond3A_87 {
        %sub3A = arith.constant 2 : i32
        %sub3A_114 = arith.subi %add3A_85, %sub3A : i32
        %add3A_115 = arith.addi %mul3A_2, %sub3A_114 : i32
        %mul3A_116 = arith.constant 36864 : i32
        %mul3A_117 = arith.muli %add3A_115, %mul3A_116 : i32
        %dma_wait3A_118 = tpu.memref_slice %arg4[%mul3A_117] : memref<14155776xf32, #tpu.memory_space<hbm>> -> memref<36864xf32, #tpu.memory_space<hbm>>
        %dma_wait3A_119 = tpu.memref_slice %arg4[%mul3A_117] : memref<14155776xf32, #tpu.memory_space<hbm>> -> memref<36864xf32, #tpu.memory_space<hbm>>
        tpu.wait_dma2 semaphore(%arg9 : memref<!tpu.dma_semaphore, #tpu.memory_space<semaphore_mem>>) src(%arg7 : memref<36864xf32, #tpu.memory_space<vmem>>) dst(%dma_wait3A_119 : memref<36864xf32, #tpu.memory_space<hbm>>)
      } else {
      }
      %parallel_loop3A_88 = arith.constant 0 : i32
      %parallel_loop3A_89 = arith.constant 96 : i32
      %parallel_loop3A_90 = arith.constant 1 : i32
      scf.for %parallel_loop3A_114 = %parallel_loop3A_88 to %parallel_loop3A_89 step %parallel_loop3A_90  : i32 {
        %parallel_loop3A_115 = arith.constant 8 : i32
        %parallel_loop3A_116 = arith.divsi %parallel_loop3A_114, %parallel_loop3A_115 : i32
        %parallel_loop3A_117 = arith.constant 0 : i32
        %parallel_loop3A_118 = arith.cmpi sgt, %parallel_loop3A_114, %parallel_loop3A_117 : i32
        %parallel_loop3A_119 = arith.extui %parallel_loop3A_118 : i1 to i32
        %parallel_loop3A_120 = arith.constant 0 : i32
        %parallel_loop3A_121 = arith.cmpi slt, %parallel_loop3A_114, %parallel_loop3A_120 : i32
        %parallel_loop3A_122 = arith.extui %parallel_loop3A_121 : i1 to i32
        %parallel_loop3A_123 = arith.subi %parallel_loop3A_119, %parallel_loop3A_122 : i32
        %parallel_loop3A_124 = arith.constant 0 : i32
        %parallel_loop3A_125 = arith.cmpi sgt, %parallel_loop3A_115, %parallel_loop3A_124 : i32
        %parallel_loop3A_126 = arith.extui %parallel_loop3A_125 : i1 to i32
        %parallel_loop3A_127 = arith.constant 0 : i32
        %parallel_loop3A_128 = arith.cmpi slt, %parallel_loop3A_115, %parallel_loop3A_127 : i32
        %parallel_loop3A_129 = arith.extui %parallel_loop3A_128 : i1 to i32
        %parallel_loop3A_130 = arith.subi %parallel_loop3A_126, %parallel_loop3A_129 : i32
        %parallel_loop3A_131 = arith.cmpi ne, %parallel_loop3A_123, %parallel_loop3A_130 : i32
        %parallel_loop3A_132 = arith.remsi %parallel_loop3A_114, %parallel_loop3A_115 : i32
        %parallel_loop3A_133 = arith.constant 0 : i32
        %parallel_loop3A_134 = arith.cmpi ne, %parallel_loop3A_132, %parallel_loop3A_133 : i32
        %parallel_loop3A_135 = arith.andi %parallel_loop3A_131, %parallel_loop3A_134 : i1
        %parallel_loop3A_136 = arith.constant 1 : i32
        %parallel_loop3A_137 = arith.subi %parallel_loop3A_116, %parallel_loop3A_136 : i32
        %parallel_loop3A_138 = arith.select %parallel_loop3A_135, %parallel_loop3A_137, %parallel_loop3A_116 : i32
        %parallel_loop3A_139 = arith.constant 8 : i32
        %parallel_loop3A_140 = arith.muli %parallel_loop3A_138, %parallel_loop3A_139 : i32
        %parallel_loop3A_141 = arith.subi %parallel_loop3A_114, %parallel_loop3A_140 : i32
        %parallel_loop3A_142 = arith.constant 96 : i32
        %parallel_loop3A_143 = arith.muli %add3A_85, %parallel_loop3A_142 : i32
        %parallel_loop3A_144 = arith.constant 8 : i32
        %parallel_loop3A_145 = arith.muli %parallel_loop3A_144, %parallel_loop3A_138 : i32
        %parallel_loop3A_146 = arith.addi %parallel_loop3A_143, %parallel_loop3A_145 : i32
        %parallel_loop3A_147 = arith.addi %parallel_loop3A_146, %parallel_loop3A_141 : i32
        %parallel_loop3A_148 = vector.broadcast %parallel_loop3A_147 : i32 to vector<16xi32>
        %parallel_loop3A_149 = tpu.vector_load_idx %arg6[%parallel_loop3A_148] : memref<1152xf32, #tpu.memory_space<vmem>>[vector<16xi32>], vector<16xf32>,
        %parallel_loop3A_150 = arith.constant 3 : i32
        %parallel_loop3A_151 = arith.muli %parallel_loop3A_138, %parallel_loop3A_150 : i32
        %parallel_loop3A_152 = arith.constant 8 : i32
        %parallel_loop3A_153 = arith.muli %parallel_loop3A_151, %parallel_loop3A_152 : i32
        %parallel_loop3A_154 = arith.addi %parallel_loop3A_153, %parallel_loop3A_141 : i32
        %parallel_loop3A_155 = arith.constant 128 : i32
        %parallel_loop3A_156 = arith.muli %parallel_loop3A_154, %parallel_loop3A_155 : i32
        %parallel_loop3A_157 = arith.constant 0 : i32
        %parallel_loop3A_158 = arith.addi %parallel_loop3A_156, %parallel_loop3A_157 : i32
        %parallel_loop3A_159 = arith.index_cast %parallel_loop3A_158 : i32 to index
        %parallel_loop3A_160 = tpu.vector_load %arg5[%parallel_loop3A_159] {strides = array<i32>} : memref<36864xf32, #tpu.memory_space<vmem>>, vector<16xf32>,
        %parallel_loop3A_161 = arith.addf %parallel_loop3A_149, %parallel_loop3A_160 : vector<16xf32>
        %parallel_loop3A_162 = arith.constant 0 : i32
        %parallel_loop3A_163 = arith.addi %parallel_loop3A_156, %parallel_loop3A_162 : i32
        %parallel_loop3A_164 = arith.index_cast %parallel_loop3A_163 : i32 to index
        %parallel_loop3A_165 = tpu.vector_load %arg7[%parallel_loop3A_164] {strides = array<i32>} : memref<36864xf32, #tpu.memory_space<vmem>>, vector<16xf32>,
        tpu.vector_store %arg7[%parallel_loop3A_164], %parallel_loop3A_161 {strides = array<i32>} : memref<36864xf32, #tpu.memory_space<vmem>>, vector<16xf32>,
        %parallel_loop3A_166 = arith.constant 16 : i32
        %parallel_loop3A_167 = arith.addi %parallel_loop3A_156, %parallel_loop3A_166 : i32
        %parallel_loop3A_168 = arith.index_cast %parallel_loop3A_167 : i32 to index
        %parallel_loop3A_169 = tpu.vector_load %arg5[%parallel_loop3A_168] {strides = array<i32>} : memref<36864xf32, #tpu.memory_space<vmem>>, vector<16xf32>,
        %parallel_loop3A_170 = arith.addf %parallel_loop3A_149, %parallel_loop3A_169 : vector<16xf32>
        %parallel_loop3A_171 = arith.constant 16 : i32
        %parallel_loop3A_172 = arith.addi %parallel_loop3A_156, %parallel_loop3A_171 : i32
        %parallel_loop3A_173 = arith.index_cast %parallel_loop3A_172 : i32 to index
        %parallel_loop3A_174 = tpu.vector_load %arg7[%parallel_loop3A_173] {strides = array<i32>} : memref<36864xf32, #tpu.memory_space<vmem>>, vector<16xf32>,
        tpu.vector_store %arg7[%parallel_loop3A_173], %parallel_loop3A_170 {strides = array<i32>} : memref<36864xf32, #tpu.memory_space<vmem>>, vector<16xf32>,
        %parallel_loop3A_175 = arith.constant 32 : i32
        %parallel_loop3A_176 = arith.addi %parallel_loop3A_156, %parallel_loop3A_175 : i32
        %parallel_loop3A_177 = arith.index_cast %parallel_loop3A_176 : i32 to index
        %parallel_loop3A_178 = tpu.vector_load %arg5[%parallel_loop3A_177] {strides = array<i32>} : memref<36864xf32, #tpu.memory_space<vmem>>, vector<16xf32>,
        %parallel_loop3A_179 = arith.addf %parallel_loop3A_149, %parallel_loop3A_178 : vector<16xf32>
        %parallel_loop3A_180 = arith.constant 32 : i32
        %parallel_loop3A_181 = arith.addi %parallel_loop3A_156, %parallel_loop3A_180 : i32
        %parallel_loop3A_182 = arith.index_cast %parallel_loop3A_181 : i32 to index
        %parallel_loop3A_183 = tpu.vector_load %arg7[%parallel_loop3A_182] {strides = array<i32>} : memref<36864xf32, #tpu.memory_space<vmem>>, vector<16xf32>,
        tpu.vector_store %arg7[%parallel_loop3A_182], %parallel_loop3A_179 {strides = array<i32>} : memref<36864xf32, #tpu.memory_space<vmem>>, vector<16xf32>,
        %parallel_loop3A_184 = arith.constant 48 : i32
        %parallel_loop3A_185 = arith.addi %parallel_loop3A_156, %parallel_loop3A_184 : i32
        %parallel_loop3A_186 = arith.index_cast %parallel_loop3A_185 : i32 to index
        %parallel_loop3A_187 = tpu.vector_load %arg5[%parallel_loop3A_186] {strides = array<i32>} : memref<36864xf32, #tpu.memory_space<vmem>>, vector<16xf32>,
        %parallel_loop3A_188 = arith.addf %parallel_loop3A_149, %parallel_loop3A_187 : vector<16xf32>
        %parallel_loop3A_189 = arith.constant 48 : i32
        %parallel_loop3A_190 = arith.addi %parallel_loop3A_156, %parallel_loop3A_189 : i32
        %parallel_loop3A_191 = arith.index_cast %parallel_loop3A_190 : i32 to index
        %parallel_loop3A_192 = tpu.vector_load %arg7[%parallel_loop3A_191] {strides = array<i32>} : memref<36864xf32, #tpu.memory_space<vmem>>, vector<16xf32>,
        tpu.vector_store %arg7[%parallel_loop3A_191], %parallel_loop3A_188 {strides = array<i32>} : memref<36864xf32, #tpu.memory_space<vmem>>, vector<16xf32>,
        %parallel_loop3A_193 = arith.constant 64 : i32
        %parallel_loop3A_194 = arith.addi %parallel_loop3A_156, %parallel_loop3A_193 : i32
        %parallel_loop3A_195 = arith.index_cast %parallel_loop3A_194 : i32 to index
        %parallel_loop3A_196 = tpu.vector_load %arg5[%parallel_loop3A_195] {strides = array<i32>} : memref<36864xf32, #tpu.memory_space<vmem>>, vector<16xf32>,
        %parallel_loop3A_197 = arith.addf %parallel_loop3A_149, %parallel_loop3A_196 : vector<16xf32>
        %parallel_loop3A_198 = arith.constant 64 : i32
        %parallel_loop3A_199 = arith.addi %parallel_loop3A_156, %parallel_loop3A_198 : i32
        %parallel_loop3A_200 = arith.index_cast %parallel_loop3A_199 : i32 to index
        %parallel_loop3A_201 = tpu.vector_load %arg7[%parallel_loop3A_200] {strides = array<i32>} : memref<36864xf32, #tpu.memory_space<vmem>>, vector<16xf32>,
        tpu.vector_store %arg7[%parallel_loop3A_200], %parallel_loop3A_197 {strides = array<i32>} : memref<36864xf32, #tpu.memory_space<vmem>>, vector<16xf32>,
        %parallel_loop3A_202 = arith.constant 80 : i32
        %parallel_loop3A_203 = arith.addi %parallel_loop3A_156, %parallel_loop3A_202 : i32
        %parallel_loop3A_204 = arith.index_cast %parallel_loop3A_203 : i32 to index
        %parallel_loop3A_205 = tpu.vector_load %arg5[%parallel_loop3A_204] {strides = array<i32>} : memref<36864xf32, #tpu.memory_space<vmem>>, vector<16xf32>,
        %parallel_loop3A_206 = arith.addf %parallel_loop3A_149, %parallel_loop3A_205 : vector<16xf32>
        %parallel_loop3A_207 = arith.constant 80 : i32
        %parallel_loop3A_208 = arith.addi %parallel_loop3A_156, %parallel_loop3A_207 : i32
        %parallel_loop3A_209 = arith.index_cast %parallel_loop3A_208 : i32 to index
        %parallel_loop3A_210 = tpu.vector_load %arg7[%parallel_loop3A_209] {strides = array<i32>} : memref<36864xf32, #tpu.memory_space<vmem>>, vector<16xf32>,
        tpu.vector_store %arg7[%parallel_loop3A_209], %parallel_loop3A_206 {strides = array<i32>} : memref<36864xf32, #tpu.memory_space<vmem>>, vector<16xf32>,
        %parallel_loop3A_211 = arith.constant 96 : i32
        %parallel_loop3A_212 = arith.addi %parallel_loop3A_156, %parallel_loop3A_211 : i32
        %parallel_loop3A_213 = arith.index_cast %parallel_loop3A_212 : i32 to index
        %parallel_loop3A_214 = tpu.vector_load %arg5[%parallel_loop3A_213] {strides = array<i32>} : memref<36864xf32, #tpu.memory_space<vmem>>, vector<16xf32>,
        %parallel_loop3A_215 = arith.addf %parallel_loop3A_149, %parallel_loop3A_214 : vector<16xf32>
        %parallel_loop3A_216 = arith.constant 96 : i32
        %parallel_loop3A_217 = arith.addi %parallel_loop3A_156, %parallel_loop3A_216 : i32
        %parallel_loop3A_218 = arith.index_cast %parallel_loop3A_217 : i32 to index
        %parallel_loop3A_219 = tpu.vector_load %arg7[%parallel_loop3A_218] {strides = array<i32>} : memref<36864xf32, #tpu.memory_space<vmem>>, vector<16xf32>,
        tpu.vector_store %arg7[%parallel_loop3A_218], %parallel_loop3A_215 {strides = array<i32>} : memref<36864xf32, #tpu.memory_space<vmem>>, vector<16xf32>,
        %parallel_loop3A_220 = arith.constant 112 : i32
        %parallel_loop3A_221 = arith.addi %parallel_loop3A_156, %parallel_loop3A_220 : i32
        %parallel_loop3A_222 = arith.index_cast %parallel_loop3A_221 : i32 to index
        %parallel_loop3A_223 = tpu.vector_load %arg5[%parallel_loop3A_222] {strides = array<i32>} : memref<36864xf32, #tpu.memory_space<vmem>>, vector<16xf32>,
        %parallel_loop3A_224 = arith.addf %parallel_loop3A_149, %parallel_loop3A_223 : vector<16xf32>
        %parallel_loop3A_225 = arith.constant 112 : i32
        %parallel_loop3A_226 = arith.addi %parallel_loop3A_156, %parallel_loop3A_225 : i32
        %parallel_loop3A_227 = arith.index_cast %parallel_loop3A_226 : i32 to index
        %parallel_loop3A_228 = tpu.vector_load %arg7[%parallel_loop3A_227] {strides = array<i32>} : memref<36864xf32, #tpu.memory_space<vmem>>, vector<16xf32>,
        tpu.vector_store %arg7[%parallel_loop3A_227], %parallel_loop3A_224 {strides = array<i32>} : memref<36864xf32, #tpu.memory_space<vmem>>, vector<16xf32>,
        %parallel_loop3A_229 = arith.constant 1024 : i32
        %parallel_loop3A_230 = arith.addi %parallel_loop3A_156, %parallel_loop3A_229 : i32
        %parallel_loop3A_231 = arith.index_cast %parallel_loop3A_230 : i32 to index
        %parallel_loop3A_232 = tpu.vector_load %arg5[%parallel_loop3A_231] {strides = array<i32>} : memref<36864xf32, #tpu.memory_space<vmem>>, vector<16xf32>,
        %parallel_loop3A_233 = arith.addf %parallel_loop3A_149, %parallel_loop3A_232 : vector<16xf32>
        %parallel_loop3A_234 = arith.constant 1024 : i32
        %parallel_loop3A_235 = arith.addi %parallel_loop3A_156, %parallel_loop3A_234 : i32
        %parallel_loop3A_236 = arith.index_cast %parallel_loop3A_235 : i32 to index
        %parallel_loop3A_237 = tpu.vector_load %arg7[%parallel_loop3A_236] {strides = array<i32>} : memref<36864xf32, #tpu.memory_space<vmem>>, vector<16xf32>,
        tpu.vector_store %arg7[%parallel_loop3A_236], %parallel_loop3A_233 {strides = array<i32>} : memref<36864xf32, #tpu.memory_space<vmem>>, vector<16xf32>,
        %parallel_loop3A_238 = arith.constant 1040 : i32
        %parallel_loop3A_239 = arith.addi %parallel_loop3A_156, %parallel_loop3A_238 : i32
        %parallel_loop3A_240 = arith.index_cast %parallel_loop3A_239 : i32 to index
        %parallel_loop3A_241 = tpu.vector_load %arg5[%parallel_loop3A_240] {strides = array<i32>} : memref<36864xf32, #tpu.memory_space<vmem>>, vector<16xf32>,
        %parallel_loop3A_242 = arith.addf %parallel_loop3A_149, %parallel_loop3A_241 : vector<16xf32>
        %parallel_loop3A_243 = arith.constant 1040 : i32
        %parallel_loop3A_244 = arith.addi %parallel_loop3A_156, %parallel_loop3A_243 : i32
        %parallel_loop3A_245 = arith.index_cast %parallel_loop3A_244 : i32 to index
        %parallel_loop3A_246 = tpu.vector_load %arg7[%parallel_loop3A_245] {strides = array<i32>} : memref<36864xf32, #tpu.memory_space<vmem>>, vector<16xf32>,
        tpu.vector_store %arg7[%parallel_loop3A_245], %parallel_loop3A_242 {strides = array<i32>} : memref<36864xf32, #tpu.memory_space<vmem>>, vector<16xf32>,
        %parallel_loop3A_247 = arith.constant 1056 : i32
        %parallel_loop3A_248 = arith.addi %parallel_loop3A_156, %parallel_loop3A_247 : i32
        %parallel_loop3A_249 = arith.index_cast %parallel_loop3A_248 : i32 to index
        %parallel_loop3A_250 = tpu.vector_load %arg5[%parallel_loop3A_249] {strides = array<i32>} : memref<36864xf32, #tpu.memory_space<vmem>>, vector<16xf32>,
        %parallel_loop3A_251 = arith.addf %parallel_loop3A_149, %parallel_loop3A_250 : vector<16xf32>
        %parallel_loop3A_252 = arith.constant 1056 : i32
        %parallel_loop3A_253 = arith.addi %parallel_loop3A_156, %parallel_loop3A_252 : i32
        %parallel_loop3A_254 = arith.index_cast %parallel_loop3A_253 : i32 to index
        %parallel_loop3A_255 = tpu.vector_load %arg7[%parallel_loop3A_254] {strides = array<i32>} : memref<36864xf32, #tpu.memory_space<vmem>>, vector<16xf32>,
        tpu.vector_store %arg7[%parallel_loop3A_254], %parallel_loop3A_251 {strides = array<i32>} : memref<36864xf32, #tpu.memory_space<vmem>>, vector<16xf32>,
        %parallel_loop3A_256 = arith.constant 1072 : i32
        %parallel_loop3A_257 = arith.addi %parallel_loop3A_156, %parallel_loop3A_256 : i32
        %parallel_loop3A_258 = arith.index_cast %parallel_loop3A_257 : i32 to index
        %parallel_loop3A_259 = tpu.vector_load %arg5[%parallel_loop3A_258] {strides = array<i32>} : memref<36864xf32, #tpu.memory_space<vmem>>, vector<16xf32>,
        %parallel_loop3A_260 = arith.addf %parallel_loop3A_149, %parallel_loop3A_259 : vector<16xf32>
        %parallel_loop3A_261 = arith.constant 1072 : i32
        %parallel_loop3A_262 = arith.addi %parallel_loop3A_156, %parallel_loop3A_261 : i32
        %parallel_loop3A_263 = arith.index_cast %parallel_loop3A_262 : i32 to index
        %parallel_loop3A_264 = tpu.vector_load %arg7[%parallel_loop3A_263] {strides = array<i32>} : memref<36864xf32, #tpu.memory_space<vmem>>, vector<16xf32>,
        tpu.vector_store %arg7[%parallel_loop3A_263], %parallel_loop3A_260 {strides = array<i32>} : memref<36864xf32, #tpu.memory_space<vmem>>, vector<16xf32>,
        %parallel_loop3A_265 = arith.constant 1088 : i32
        %parallel_loop3A_266 = arith.addi %parallel_loop3A_156, %parallel_loop3A_265 : i32
        %parallel_loop3A_267 = arith.index_cast %parallel_loop3A_266 : i32 to index
        %parallel_loop3A_268 = tpu.vector_load %arg5[%parallel_loop3A_267] {strides = array<i32>} : memref<36864xf32, #tpu.memory_space<vmem>>, vector<16xf32>,
        %parallel_loop3A_269 = arith.addf %parallel_loop3A_149, %parallel_loop3A_268 : vector<16xf32>
        %parallel_loop3A_270 = arith.constant 1088 : i32
        %parallel_loop3A_271 = arith.addi %parallel_loop3A_156, %parallel_loop3A_270 : i32
        %parallel_loop3A_272 = arith.index_cast %parallel_loop3A_271 : i32 to index
        %parallel_loop3A_273 = tpu.vector_load %arg7[%parallel_loop3A_272] {strides = array<i32>} : memref<36864xf32, #tpu.memory_space<vmem>>, vector<16xf32>,
        tpu.vector_store %arg7[%parallel_loop3A_272], %parallel_loop3A_269 {strides = array<i32>} : memref<36864xf32, #tpu.memory_space<vmem>>, vector<16xf32>,
        %parallel_loop3A_274 = arith.constant 1104 : i32
        %parallel_loop3A_275 = arith.addi %parallel_loop3A_156, %parallel_loop3A_274 : i32
        %parallel_loop3A_276 = arith.index_cast %parallel_loop3A_275 : i32 to index
        %parallel_loop3A_277 = tpu.vector_load %arg5[%parallel_loop3A_276] {strides = array<i32>} : memref<36864xf32, #tpu.memory_space<vmem>>, vector<16xf32>,
        %parallel_loop3A_278 = arith.addf %parallel_loop3A_149, %parallel_loop3A_277 : vector<16xf32>
        %parallel_loop3A_279 = arith.constant 1104 : i32
        %parallel_loop3A_280 = arith.addi %parallel_loop3A_156, %parallel_loop3A_279 : i32
        %parallel_loop3A_281 = arith.index_cast %parallel_loop3A_280 : i32 to index
        %parallel_loop3A_282 = tpu.vector_load %arg7[%parallel_loop3A_281] {strides = array<i32>} : memref<36864xf32, #tpu.memory_space<vmem>>, vector<16xf32>,
        tpu.vector_store %arg7[%parallel_loop3A_281], %parallel_loop3A_278 {strides = array<i32>} : memref<36864xf32, #tpu.memory_space<vmem>>, vector<16xf32>,
        %parallel_loop3A_283 = arith.constant 1120 : i32
        %parallel_loop3A_284 = arith.addi %parallel_loop3A_156, %parallel_loop3A_283 : i32
        %parallel_loop3A_285 = arith.index_cast %parallel_loop3A_284 : i32 to index
        %parallel_loop3A_286 = tpu.vector_load %arg5[%parallel_loop3A_285] {strides = array<i32>} : memref<36864xf32, #tpu.memory_space<vmem>>, vector<16xf32>,
        %parallel_loop3A_287 = arith.addf %parallel_loop3A_149, %parallel_loop3A_286 : vector<16xf32>
        %parallel_loop3A_288 = arith.constant 1120 : i32
        %parallel_loop3A_289 = arith.addi %parallel_loop3A_156, %parallel_loop3A_288 : i32
        %parallel_loop3A_290 = arith.index_cast %parallel_loop3A_289 : i32 to index
        %parallel_loop3A_291 = tpu.vector_load %arg7[%parallel_loop3A_290] {strides = array<i32>} : memref<36864xf32, #tpu.memory_space<vmem>>, vector<16xf32>,
        tpu.vector_store %arg7[%parallel_loop3A_290], %parallel_loop3A_287 {strides = array<i32>} : memref<36864xf32, #tpu.memory_space<vmem>>, vector<16xf32>,
        %parallel_loop3A_292 = arith.constant 1136 : i32
        %parallel_loop3A_293 = arith.addi %parallel_loop3A_156, %parallel_loop3A_292 : i32
        %parallel_loop3A_294 = arith.index_cast %parallel_loop3A_293 : i32 to index
        %parallel_loop3A_295 = tpu.vector_load %arg5[%parallel_loop3A_294] {strides = array<i32>} : memref<36864xf32, #tpu.memory_space<vmem>>, vector<16xf32>,
        %parallel_loop3A_296 = arith.addf %parallel_loop3A_149, %parallel_loop3A_295 : vector<16xf32>
        %parallel_loop3A_297 = arith.constant 1136 : i32
        %parallel_loop3A_298 = arith.addi %parallel_loop3A_156, %parallel_loop3A_297 : i32
        %parallel_loop3A_299 = arith.index_cast %parallel_loop3A_298 : i32 to index
        %parallel_loop3A_300 = tpu.vector_load %arg7[%parallel_loop3A_299] {strides = array<i32>} : memref<36864xf32, #tpu.memory_space<vmem>>, vector<16xf32>,
        tpu.vector_store %arg7[%parallel_loop3A_299], %parallel_loop3A_296 {strides = array<i32>} : memref<36864xf32, #tpu.memory_space<vmem>>, vector<16xf32>,
        %parallel_loop3A_301 = arith.constant 2048 : i32
        %parallel_loop3A_302 = arith.addi %parallel_loop3A_156, %parallel_loop3A_301 : i32
        %parallel_loop3A_303 = arith.index_cast %parallel_loop3A_302 : i32 to index
        %parallel_loop3A_304 = tpu.vector_load %arg5[%parallel_loop3A_303] {strides = array<i32>} : memref<36864xf32, #tpu.memory_space<vmem>>, vector<16xf32>,
        %parallel_loop3A_305 = arith.addf %parallel_loop3A_149, %parallel_loop3A_304 : vector<16xf32>
        %parallel_loop3A_306 = arith.constant 2048 : i32
        %parallel_loop3A_307 = arith.addi %parallel_loop3A_156, %parallel_loop3A_306 : i32
        %parallel_loop3A_308 = arith.index_cast %parallel_loop3A_307 : i32 to index
        %parallel_loop3A_309 = tpu.vector_load %arg7[%parallel_loop3A_308] {strides = array<i32>} : memref<36864xf32, #tpu.memory_space<vmem>>, vector<16xf32>,
        tpu.vector_store %arg7[%parallel_loop3A_308], %parallel_loop3A_305 {strides = array<i32>} : memref<36864xf32, #tpu.memory_space<vmem>>, vector<16xf32>,
        %parallel_loop3A_310 = arith.constant 2064 : i32
        %parallel_loop3A_311 = arith.addi %parallel_loop3A_156, %parallel_loop3A_310 : i32
        %parallel_loop3A_312 = arith.index_cast %parallel_loop3A_311 : i32 to index
        %parallel_loop3A_313 = tpu.vector_load %arg5[%parallel_loop3A_312] {strides = array<i32>} : memref<36864xf32, #tpu.memory_space<vmem>>, vector<16xf32>,
        %parallel_loop3A_314 = arith.addf %parallel_loop3A_149, %parallel_loop3A_313 : vector<16xf32>
        %parallel_loop3A_315 = arith.constant 2064 : i32
        %parallel_loop3A_316 = arith.addi %parallel_loop3A_156, %parallel_loop3A_315 : i32
        %parallel_loop3A_317 = arith.index_cast %parallel_loop3A_316 : i32 to index
        %parallel_loop3A_318 = tpu.vector_load %arg7[%parallel_loop3A_317] {strides = array<i32>} : memref<36864xf32, #tpu.memory_space<vmem>>, vector<16xf32>,
        tpu.vector_store %arg7[%parallel_loop3A_317], %parallel_loop3A_314 {strides = array<i32>} : memref<36864xf32, #tpu.memory_space<vmem>>, vector<16xf32>,
        %parallel_loop3A_319 = arith.constant 2080 : i32
        %parallel_loop3A_320 = arith.addi %parallel_loop3A_156, %parallel_loop3A_319 : i32
        %parallel_loop3A_321 = arith.index_cast %parallel_loop3A_320 : i32 to index
        %parallel_loop3A_322 = tpu.vector_load %arg5[%parallel_loop3A_321] {strides = array<i32>} : memref<36864xf32, #tpu.memory_space<vmem>>, vector<16xf32>,
        %parallel_loop3A_323 = arith.addf %parallel_loop3A_149, %parallel_loop3A_322 : vector<16xf32>
        %parallel_loop3A_324 = arith.constant 2080 : i32
        %parallel_loop3A_325 = arith.addi %parallel_loop3A_156, %parallel_loop3A_324 : i32
        %parallel_loop3A_326 = arith.index_cast %parallel_loop3A_325 : i32 to index
        %parallel_loop3A_327 = tpu.vector_load %arg7[%parallel_loop3A_326] {strides = array<i32>} : memref<36864xf32, #tpu.memory_space<vmem>>, vector<16xf32>,
        tpu.vector_store %arg7[%parallel_loop3A_326], %parallel_loop3A_323 {strides = array<i32>} : memref<36864xf32, #tpu.memory_space<vmem>>, vector<16xf32>,
        %parallel_loop3A_328 = arith.constant 2096 : i32
        %parallel_loop3A_329 = arith.addi %parallel_loop3A_156, %parallel_loop3A_328 : i32
        %parallel_loop3A_330 = arith.index_cast %parallel_loop3A_329 : i32 to index
        %parallel_loop3A_331 = tpu.vector_load %arg5[%parallel_loop3A_330] {strides = array<i32>} : memref<36864xf32, #tpu.memory_space<vmem>>, vector<16xf32>,
        %parallel_loop3A_332 = arith.addf %parallel_loop3A_149, %parallel_loop3A_331 : vector<16xf32>
        %parallel_loop3A_333 = arith.constant 2096 : i32
        %parallel_loop3A_334 = arith.addi %parallel_loop3A_156, %parallel_loop3A_333 : i32
        %parallel_loop3A_335 = arith.index_cast %parallel_loop3A_334 : i32 to index
        %parallel_loop3A_336 = tpu.vector_load %arg7[%parallel_loop3A_335] {strides = array<i32>} : memref<36864xf32, #tpu.memory_space<vmem>>, vector<16xf32>,
        tpu.vector_store %arg7[%parallel_loop3A_335], %parallel_loop3A_332 {strides = array<i32>} : memref<36864xf32, #tpu.memory_space<vmem>>, vector<16xf32>,
        %parallel_loop3A_337 = arith.constant 2112 : i32
        %parallel_loop3A_338 = arith.addi %parallel_loop3A_156, %parallel_loop3A_337 : i32
        %parallel_loop3A_339 = arith.index_cast %parallel_loop3A_338 : i32 to index
        %parallel_loop3A_340 = tpu.vector_load %arg5[%parallel_loop3A_339] {strides = array<i32>} : memref<36864xf32, #tpu.memory_space<vmem>>, vector<16xf32>,
        %parallel_loop3A_341 = arith.addf %parallel_loop3A_149, %parallel_loop3A_340 : vector<16xf32>
        %parallel_loop3A_342 = arith.constant 2112 : i32
        %parallel_loop3A_343 = arith.addi %parallel_loop3A_156, %parallel_loop3A_342 : i32
        %parallel_loop3A_344 = arith.index_cast %parallel_loop3A_343 : i32 to index
        %parallel_loop3A_345 = tpu.vector_load %arg7[%parallel_loop3A_344] {strides = array<i32>} : memref<36864xf32, #tpu.memory_space<vmem>>, vector<16xf32>,
        tpu.vector_store %arg7[%parallel_loop3A_344], %parallel_loop3A_341 {strides = array<i32>} : memref<36864xf32, #tpu.memory_space<vmem>>, vector<16xf32>,
        %parallel_loop3A_346 = arith.constant 2128 : i32
        %parallel_loop3A_347 = arith.addi %parallel_loop3A_156, %parallel_loop3A_346 : i32
        %parallel_loop3A_348 = arith.index_cast %parallel_loop3A_347 : i32 to index
        %parallel_loop3A_349 = tpu.vector_load %arg5[%parallel_loop3A_348] {strides = array<i32>} : memref<36864xf32, #tpu.memory_space<vmem>>, vector<16xf32>,
        %parallel_loop3A_350 = arith.addf %parallel_loop3A_149, %parallel_loop3A_349 : vector<16xf32>
        %parallel_loop3A_351 = arith.constant 2128 : i32
        %parallel_loop3A_352 = arith.addi %parallel_loop3A_156, %parallel_loop3A_351 : i32
        %parallel_loop3A_353 = arith.index_cast %parallel_loop3A_352 : i32 to index
        %parallel_loop3A_354 = tpu.vector_load %arg7[%parallel_loop3A_353] {strides = array<i32>} : memref<36864xf32, #tpu.memory_space<vmem>>, vector<16xf32>,
        tpu.vector_store %arg7[%parallel_loop3A_353], %parallel_loop3A_350 {strides = array<i32>} : memref<36864xf32, #tpu.memory_space<vmem>>, vector<16xf32>,
        %parallel_loop3A_355 = arith.constant 2144 : i32
        %parallel_loop3A_356 = arith.addi %parallel_loop3A_156, %parallel_loop3A_355 : i32
        %parallel_loop3A_357 = arith.index_cast %parallel_loop3A_356 : i32 to index
        %parallel_loop3A_358 = tpu.vector_load %arg5[%parallel_loop3A_357] {strides = array<i32>} : memref<36864xf32, #tpu.memory_space<vmem>>, vector<16xf32>,
        %parallel_loop3A_359 = arith.addf %parallel_loop3A_149, %parallel_loop3A_358 : vector<16xf32>
        %parallel_loop3A_360 = arith.constant 2144 : i32
        %parallel_loop3A_361 = arith.addi %parallel_loop3A_156, %parallel_loop3A_360 : i32
        %parallel_loop3A_362 = arith.index_cast %parallel_loop3A_361 : i32 to index
        %parallel_loop3A_363 = tpu.vector_load %arg7[%parallel_loop3A_362] {strides = array<i32>} : memref<36864xf32, #tpu.memory_space<vmem>>, vector<16xf32>,
        tpu.vector_store %arg7[%parallel_loop3A_362], %parallel_loop3A_359 {strides = array<i32>} : memref<36864xf32, #tpu.memory_space<vmem>>, vector<16xf32>,
        %parallel_loop3A_364 = arith.constant 2160 : i32
        %parallel_loop3A_365 = arith.addi %parallel_loop3A_156, %parallel_loop3A_364 : i32
        %parallel_loop3A_366 = arith.index_cast %parallel_loop3A_365 : i32 to index
        %parallel_loop3A_367 = tpu.vector_load %arg5[%parallel_loop3A_366] {strides = array<i32>} : memref<36864xf32, #tpu.memory_space<vmem>>, vector<16xf32>,
        %parallel_loop3A_368 = arith.addf %parallel_loop3A_149, %parallel_loop3A_367 : vector<16xf32>
        %parallel_loop3A_369 = arith.constant 2160 : i32
        %parallel_loop3A_370 = arith.addi %parallel_loop3A_156, %parallel_loop3A_369 : i32
        %parallel_loop3A_371 = arith.index_cast %parallel_loop3A_370 : i32 to index
        %parallel_loop3A_372 = tpu.vector_load %arg7[%parallel_loop3A_371] {strides = array<i32>} : memref<36864xf32, #tpu.memory_space<vmem>>, vector<16xf32>,
        tpu.vector_store %arg7[%parallel_loop3A_371], %parallel_loop3A_368 {strides = array<i32>} : memref<36864xf32, #tpu.memory_space<vmem>>, vector<16xf32>,
      } {sc.loop_unroll_factor = 4 : i64, sc.parallel_access}
      %add3A_91 = arith.addi %mul3A_2, %add3A_85 : i32
      %mul3A_92 = arith.constant 36864 : i32
      %mul3A_93 = arith.muli %add3A_91, %mul3A_92 : i32
      %dma_start3A_94 = tpu.memref_slice %arg4[%mul3A_93] : memref<14155776xf32, #tpu.memory_space<hbm>> -> memref<36864xf32, #tpu.memory_space<hbm>>
      %dma_start3A_95 = tpu.memref_slice %arg4[%mul3A_93] : memref<14155776xf32, #tpu.memory_space<hbm>> -> memref<36864xf32, #tpu.memory_space<hbm>>
      tpu.enqueue_dma source(%arg7 : memref<36864xf32, #tpu.memory_space<vmem>>) target(%dma_start3A_95 : memref<36864xf32, #tpu.memory_space<hbm>>) target_semaphore(%arg9 : memref<!tpu.dma_semaphore, #tpu.memory_space<semaphore_mem>>)
      %mul3A_96 = arith.constant 2 : i32
      %mul3A_97 = arith.muli %mul3A_96, %scan3A_80 : i32
      %add3A_98 = arith.constant 1 : i32
      %add3A_99 = arith.addi %mul3A_97, %add3A_98 : i32
      %ge3A_100 = arith.constant 1 : i32
      %ge3A_101 = arith.cmpi sge, %scan3A_80, %ge3A_100 : i32
      %convert_element_type3A_102 = arith.extui %ge3A_101 : i1 to i32
      %cond3A_103 = arith.constant 0 : i32
      %cond3A_104 = arith.cmpi ne, %convert_element_type3A_102, %cond3A_103 : i32
      scf.if %cond3A_104 {
        %sub3A = arith.constant 2 : i32
        %sub3A_114 = arith.subi %add3A_99, %sub3A : i32
        %add3A_115 = arith.addi %mul3A_2, %sub3A_114 : i32
        %mul3A_116 = arith.constant 36864 : i32
        %mul3A_117 = arith.muli %add3A_115, %mul3A_116 : i32
        %dma_wait3A_118 = tpu.memref_slice %arg4[%mul3A_117] : memref<14155776xf32, #tpu.memory_space<hbm>> -> memref<36864xf32, #tpu.memory_space<hbm>>
        %dma_wait3A_119 = tpu.memref_slice %arg4[%mul3A_117] : memref<14155776xf32, #tpu.memory_space<hbm>> -> memref<36864xf32, #tpu.memory_space<hbm>>
        tpu.wait_dma2 semaphore(%arg10 : memref<!tpu.dma_semaphore, #tpu.memory_space<semaphore_mem>>) src(%arg8 : memref<36864xf32, #tpu.memory_space<vmem>>) dst(%dma_wait3A_119 : memref<36864xf32, #tpu.memory_space<hbm>>)
      } else {
      }
      %parallel_loop3A_105 = arith.constant 0 : i32
      %parallel_loop3A_106 = arith.constant 96 : i32
      %parallel_loop3A_107 = arith.constant 1 : i32
      scf.for %parallel_loop3A_114 = %parallel_loop3A_105 to %parallel_loop3A_106 step %parallel_loop3A_107  : i32 {
        %parallel_loop3A_115 = arith.constant 8 : i32
        %parallel_loop3A_116 = arith.divsi %parallel_loop3A_114, %parallel_loop3A_115 : i32
        %parallel_loop3A_117 = arith.constant 0 : i32
        %parallel_loop3A_118 = arith.cmpi sgt, %parallel_loop3A_114, %parallel_loop3A_117 : i32
        %parallel_loop3A_119 = arith.extui %parallel_loop3A_118 : i1 to i32
        %parallel_loop3A_120 = arith.constant 0 : i32
        %parallel_loop3A_121 = arith.cmpi slt, %parallel_loop3A_114, %parallel_loop3A_120 : i32
        %parallel_loop3A_122 = arith.extui %parallel_loop3A_121 : i1 to i32
        %parallel_loop3A_123 = arith.subi %parallel_loop3A_119, %parallel_loop3A_122 : i32
        %parallel_loop3A_124 = arith.constant 0 : i32
        %parallel_loop3A_125 = arith.cmpi sgt, %parallel_loop3A_115, %parallel_loop3A_124 : i32
        %parallel_loop3A_126 = arith.extui %parallel_loop3A_125 : i1 to i32
        %parallel_loop3A_127 = arith.constant 0 : i32
        %parallel_loop3A_128 = arith.cmpi slt, %parallel_loop3A_115, %parallel_loop3A_127 : i32
        %parallel_loop3A_129 = arith.extui %parallel_loop3A_128 : i1 to i32
        %parallel_loop3A_130 = arith.subi %parallel_loop3A_126, %parallel_loop3A_129 : i32
        %parallel_loop3A_131 = arith.cmpi ne, %parallel_loop3A_123, %parallel_loop3A_130 : i32
        %parallel_loop3A_132 = arith.remsi %parallel_loop3A_114, %parallel_loop3A_115 : i32
        %parallel_loop3A_133 = arith.constant 0 : i32
        %parallel_loop3A_134 = arith.cmpi ne, %parallel_loop3A_132, %parallel_loop3A_133 : i32
        %parallel_loop3A_135 = arith.andi %parallel_loop3A_131, %parallel_loop3A_134 : i1
        %parallel_loop3A_136 = arith.constant 1 : i32
        %parallel_loop3A_137 = arith.subi %parallel_loop3A_116, %parallel_loop3A_136 : i32
        %parallel_loop3A_138 = arith.select %parallel_loop3A_135, %parallel_loop3A_137, %parallel_loop3A_116 : i32
        %parallel_loop3A_139 = arith.constant 8 : i32
        %parallel_loop3A_140 = arith.muli %parallel_loop3A_138, %parallel_loop3A_139 : i32
        %parallel_loop3A_141 = arith.subi %parallel_loop3A_114, %parallel_loop3A_140 : i32
        %parallel_loop3A_142 = arith.constant 96 : i32
        %parallel_loop3A_143 = arith.muli %add3A_99, %parallel_loop3A_142 : i32
        %parallel_loop3A_144 = arith.constant 8 : i32
        %parallel_loop3A_145 = arith.muli %parallel_loop3A_144, %parallel_loop3A_138 : i32
        %parallel_loop3A_146 = arith.addi %parallel_loop3A_143, %parallel_loop3A_145 : i32
        %parallel_loop3A_147 = arith.addi %parallel_loop3A_146, %parallel_loop3A_141 : i32
        %parallel_loop3A_148 = vector.broadcast %parallel_loop3A_147 : i32 to vector<16xi32>
        %parallel_loop3A_149 = tpu.vector_load_idx %arg6[%parallel_loop3A_148] : memref<1152xf32, #tpu.memory_space<vmem>>[vector<16xi32>], vector<16xf32>,
        %parallel_loop3A_150 = arith.constant 3 : i32
        %parallel_loop3A_151 = arith.muli %parallel_loop3A_138, %parallel_loop3A_150 : i32
        %parallel_loop3A_152 = arith.constant 8 : i32
        %parallel_loop3A_153 = arith.muli %parallel_loop3A_151, %parallel_loop3A_152 : i32
        %parallel_loop3A_154 = arith.addi %parallel_loop3A_153, %parallel_loop3A_141 : i32
        %parallel_loop3A_155 = arith.constant 128 : i32
        %parallel_loop3A_156 = arith.muli %parallel_loop3A_154, %parallel_loop3A_155 : i32
        %parallel_loop3A_157 = arith.constant 0 : i32
        %parallel_loop3A_158 = arith.addi %parallel_loop3A_156, %parallel_loop3A_157 : i32
        %parallel_loop3A_159 = arith.index_cast %parallel_loop3A_158 : i32 to index
        %parallel_loop3A_160 = tpu.vector_load %arg5[%parallel_loop3A_159] {strides = array<i32>} : memref<36864xf32, #tpu.memory_space<vmem>>, vector<16xf32>,
        %parallel_loop3A_161 = arith.addf %parallel_loop3A_149, %parallel_loop3A_160 : vector<16xf32>
        %parallel_loop3A_162 = arith.constant 0 : i32
        %parallel_loop3A_163 = arith.addi %parallel_loop3A_156, %parallel_loop3A_162 : i32
        %parallel_loop3A_164 = arith.index_cast %parallel_loop3A_163 : i32 to index
        %parallel_loop3A_165 = tpu.vector_load %arg8[%parallel_loop3A_164] {strides = array<i32>} : memref<36864xf32, #tpu.memory_space<vmem>>, vector<16xf32>,
        tpu.vector_store %arg8[%parallel_loop3A_164], %parallel_loop3A_161 {strides = array<i32>} : memref<36864xf32, #tpu.memory_space<vmem>>, vector<16xf32>,
        %parallel_loop3A_166 = arith.constant 16 : i32
        %parallel_loop3A_167 = arith.addi %parallel_loop3A_156, %parallel_loop3A_166 : i32
        %parallel_loop3A_168 = arith.index_cast %parallel_loop3A_167 : i32 to index
        %parallel_loop3A_169 = tpu.vector_load %arg5[%parallel_loop3A_168] {strides = array<i32>} : memref<36864xf32, #tpu.memory_space<vmem>>, vector<16xf32>,
        %parallel_loop3A_170 = arith.addf %parallel_loop3A_149, %parallel_loop3A_169 : vector<16xf32>
        %parallel_loop3A_171 = arith.constant 16 : i32
        %parallel_loop3A_172 = arith.addi %parallel_loop3A_156, %parallel_loop3A_171 : i32
        %parallel_loop3A_173 = arith.index_cast %parallel_loop3A_172 : i32 to index
        %parallel_loop3A_174 = tpu.vector_load %arg8[%parallel_loop3A_173] {strides = array<i32>} : memref<36864xf32, #tpu.memory_space<vmem>>, vector<16xf32>,
        tpu.vector_store %arg8[%parallel_loop3A_173], %parallel_loop3A_170 {strides = array<i32>} : memref<36864xf32, #tpu.memory_space<vmem>>, vector<16xf32>,
        %parallel_loop3A_175 = arith.constant 32 : i32
        %parallel_loop3A_176 = arith.addi %parallel_loop3A_156, %parallel_loop3A_175 : i32
        %parallel_loop3A_177 = arith.index_cast %parallel_loop3A_176 : i32 to index
        %parallel_loop3A_178 = tpu.vector_load %arg5[%parallel_loop3A_177] {strides = array<i32>} : memref<36864xf32, #tpu.memory_space<vmem>>, vector<16xf32>,
        %parallel_loop3A_179 = arith.addf %parallel_loop3A_149, %parallel_loop3A_178 : vector<16xf32>
        %parallel_loop3A_180 = arith.constant 32 : i32
        %parallel_loop3A_181 = arith.addi %parallel_loop3A_156, %parallel_loop3A_180 : i32
        %parallel_loop3A_182 = arith.index_cast %parallel_loop3A_181 : i32 to index
        %parallel_loop3A_183 = tpu.vector_load %arg8[%parallel_loop3A_182] {strides = array<i32>} : memref<36864xf32, #tpu.memory_space<vmem>>, vector<16xf32>,
        tpu.vector_store %arg8[%parallel_loop3A_182], %parallel_loop3A_179 {strides = array<i32>} : memref<36864xf32, #tpu.memory_space<vmem>>, vector<16xf32>,
        %parallel_loop3A_184 = arith.constant 48 : i32
        %parallel_loop3A_185 = arith.addi %parallel_loop3A_156, %parallel_loop3A_184 : i32
        %parallel_loop3A_186 = arith.index_cast %parallel_loop3A_185 : i32 to index
        %parallel_loop3A_187 = tpu.vector_load %arg5[%parallel_loop3A_186] {strides = array<i32>} : memref<36864xf32, #tpu.memory_space<vmem>>, vector<16xf32>,
        %parallel_loop3A_188 = arith.addf %parallel_loop3A_149, %parallel_loop3A_187 : vector<16xf32>
        %parallel_loop3A_189 = arith.constant 48 : i32
        %parallel_loop3A_190 = arith.addi %parallel_loop3A_156, %parallel_loop3A_189 : i32
        %parallel_loop3A_191 = arith.index_cast %parallel_loop3A_190 : i32 to index
        %parallel_loop3A_192 = tpu.vector_load %arg8[%parallel_loop3A_191] {strides = array<i32>} : memref<36864xf32, #tpu.memory_space<vmem>>, vector<16xf32>,
        tpu.vector_store %arg8[%parallel_loop3A_191], %parallel_loop3A_188 {strides = array<i32>} : memref<36864xf32, #tpu.memory_space<vmem>>, vector<16xf32>,
        %parallel_loop3A_193 = arith.constant 64 : i32
        %parallel_loop3A_194 = arith.addi %parallel_loop3A_156, %parallel_loop3A_193 : i32
        %parallel_loop3A_195 = arith.index_cast %parallel_loop3A_194 : i32 to index
        %parallel_loop3A_196 = tpu.vector_load %arg5[%parallel_loop3A_195] {strides = array<i32>} : memref<36864xf32, #tpu.memory_space<vmem>>, vector<16xf32>,
        %parallel_loop3A_197 = arith.addf %parallel_loop3A_149, %parallel_loop3A_196 : vector<16xf32>
        %parallel_loop3A_198 = arith.constant 64 : i32
        %parallel_loop3A_199 = arith.addi %parallel_loop3A_156, %parallel_loop3A_198 : i32
        %parallel_loop3A_200 = arith.index_cast %parallel_loop3A_199 : i32 to index
        %parallel_loop3A_201 = tpu.vector_load %arg8[%parallel_loop3A_200] {strides = array<i32>} : memref<36864xf32, #tpu.memory_space<vmem>>, vector<16xf32>,
        tpu.vector_store %arg8[%parallel_loop3A_200], %parallel_loop3A_197 {strides = array<i32>} : memref<36864xf32, #tpu.memory_space<vmem>>, vector<16xf32>,
        %parallel_loop3A_202 = arith.constant 80 : i32
        %parallel_loop3A_203 = arith.addi %parallel_loop3A_156, %parallel_loop3A_202 : i32
        %parallel_loop3A_204 = arith.index_cast %parallel_loop3A_203 : i32 to index
        %parallel_loop3A_205 = tpu.vector_load %arg5[%parallel_loop3A_204] {strides = array<i32>} : memref<36864xf32, #tpu.memory_space<vmem>>, vector<16xf32>,
        %parallel_loop3A_206 = arith.addf %parallel_loop3A_149, %parallel_loop3A_205 : vector<16xf32>
        %parallel_loop3A_207 = arith.constant 80 : i32
        %parallel_loop3A_208 = arith.addi %parallel_loop3A_156, %parallel_loop3A_207 : i32
        %parallel_loop3A_209 = arith.index_cast %parallel_loop3A_208 : i32 to index
        %parallel_loop3A_210 = tpu.vector_load %arg8[%parallel_loop3A_209] {strides = array<i32>} : memref<36864xf32, #tpu.memory_space<vmem>>, vector<16xf32>,
        tpu.vector_store %arg8[%parallel_loop3A_209], %parallel_loop3A_206 {strides = array<i32>} : memref<36864xf32, #tpu.memory_space<vmem>>, vector<16xf32>,
        %parallel_loop3A_211 = arith.constant 96 : i32
        %parallel_loop3A_212 = arith.addi %parallel_loop3A_156, %parallel_loop3A_211 : i32
        %parallel_loop3A_213 = arith.index_cast %parallel_loop3A_212 : i32 to index
        %parallel_loop3A_214 = tpu.vector_load %arg5[%parallel_loop3A_213] {strides = array<i32>} : memref<36864xf32, #tpu.memory_space<vmem>>, vector<16xf32>,
        %parallel_loop3A_215 = arith.addf %parallel_loop3A_149, %parallel_loop3A_214 : vector<16xf32>
        %parallel_loop3A_216 = arith.constant 96 : i32
        %parallel_loop3A_217 = arith.addi %parallel_loop3A_156, %parallel_loop3A_216 : i32
        %parallel_loop3A_218 = arith.index_cast %parallel_loop3A_217 : i32 to index
        %parallel_loop3A_219 = tpu.vector_load %arg8[%parallel_loop3A_218] {strides = array<i32>} : memref<36864xf32, #tpu.memory_space<vmem>>, vector<16xf32>,
        tpu.vector_store %arg8[%parallel_loop3A_218], %parallel_loop3A_215 {strides = array<i32>} : memref<36864xf32, #tpu.memory_space<vmem>>, vector<16xf32>,
        %parallel_loop3A_220 = arith.constant 112 : i32
        %parallel_loop3A_221 = arith.addi %parallel_loop3A_156, %parallel_loop3A_220 : i32
        %parallel_loop3A_222 = arith.index_cast %parallel_loop3A_221 : i32 to index
        %parallel_loop3A_223 = tpu.vector_load %arg5[%parallel_loop3A_222] {strides = array<i32>} : memref<36864xf32, #tpu.memory_space<vmem>>, vector<16xf32>,
        %parallel_loop3A_224 = arith.addf %parallel_loop3A_149, %parallel_loop3A_223 : vector<16xf32>
        %parallel_loop3A_225 = arith.constant 112 : i32
        %parallel_loop3A_226 = arith.addi %parallel_loop3A_156, %parallel_loop3A_225 : i32
        %parallel_loop3A_227 = arith.index_cast %parallel_loop3A_226 : i32 to index
        %parallel_loop3A_228 = tpu.vector_load %arg8[%parallel_loop3A_227] {strides = array<i32>} : memref<36864xf32, #tpu.memory_space<vmem>>, vector<16xf32>,
        tpu.vector_store %arg8[%parallel_loop3A_227], %parallel_loop3A_224 {strides = array<i32>} : memref<36864xf32, #tpu.memory_space<vmem>>, vector<16xf32>,
        %parallel_loop3A_229 = arith.constant 1024 : i32
        %parallel_loop3A_230 = arith.addi %parallel_loop3A_156, %parallel_loop3A_229 : i32
        %parallel_loop3A_231 = arith.index_cast %parallel_loop3A_230 : i32 to index
        %parallel_loop3A_232 = tpu.vector_load %arg5[%parallel_loop3A_231] {strides = array<i32>} : memref<36864xf32, #tpu.memory_space<vmem>>, vector<16xf32>,
        %parallel_loop3A_233 = arith.addf %parallel_loop3A_149, %parallel_loop3A_232 : vector<16xf32>
        %parallel_loop3A_234 = arith.constant 1024 : i32
        %parallel_loop3A_235 = arith.addi %parallel_loop3A_156, %parallel_loop3A_234 : i32
        %parallel_loop3A_236 = arith.index_cast %parallel_loop3A_235 : i32 to index
        %parallel_loop3A_237 = tpu.vector_load %arg8[%parallel_loop3A_236] {strides = array<i32>} : memref<36864xf32, #tpu.memory_space<vmem>>, vector<16xf32>,
        tpu.vector_store %arg8[%parallel_loop3A_236], %parallel_loop3A_233 {strides = array<i32>} : memref<36864xf32, #tpu.memory_space<vmem>>, vector<16xf32>,
        %parallel_loop3A_238 = arith.constant 1040 : i32
        %parallel_loop3A_239 = arith.addi %parallel_loop3A_156, %parallel_loop3A_238 : i32
        %parallel_loop3A_240 = arith.index_cast %parallel_loop3A_239 : i32 to index
        %parallel_loop3A_241 = tpu.vector_load %arg5[%parallel_loop3A_240] {strides = array<i32>} : memref<36864xf32, #tpu.memory_space<vmem>>, vector<16xf32>,
        %parallel_loop3A_242 = arith.addf %parallel_loop3A_149, %parallel_loop3A_241 : vector<16xf32>
        %parallel_loop3A_243 = arith.constant 1040 : i32
        %parallel_loop3A_244 = arith.addi %parallel_loop3A_156, %parallel_loop3A_243 : i32
        %parallel_loop3A_245 = arith.index_cast %parallel_loop3A_244 : i32 to index
        %parallel_loop3A_246 = tpu.vector_load %arg8[%parallel_loop3A_245] {strides = array<i32>} : memref<36864xf32, #tpu.memory_space<vmem>>, vector<16xf32>,
        tpu.vector_store %arg8[%parallel_loop3A_245], %parallel_loop3A_242 {strides = array<i32>} : memref<36864xf32, #tpu.memory_space<vmem>>, vector<16xf32>,
        %parallel_loop3A_247 = arith.constant 1056 : i32
        %parallel_loop3A_248 = arith.addi %parallel_loop3A_156, %parallel_loop3A_247 : i32
        %parallel_loop3A_249 = arith.index_cast %parallel_loop3A_248 : i32 to index
        %parallel_loop3A_250 = tpu.vector_load %arg5[%parallel_loop3A_249] {strides = array<i32>} : memref<36864xf32, #tpu.memory_space<vmem>>, vector<16xf32>,
        %parallel_loop3A_251 = arith.addf %parallel_loop3A_149, %parallel_loop3A_250 : vector<16xf32>
        %parallel_loop3A_252 = arith.constant 1056 : i32
        %parallel_loop3A_253 = arith.addi %parallel_loop3A_156, %parallel_loop3A_252 : i32
        %parallel_loop3A_254 = arith.index_cast %parallel_loop3A_253 : i32 to index
        %parallel_loop3A_255 = tpu.vector_load %arg8[%parallel_loop3A_254] {strides = array<i32>} : memref<36864xf32, #tpu.memory_space<vmem>>, vector<16xf32>,
        tpu.vector_store %arg8[%parallel_loop3A_254], %parallel_loop3A_251 {strides = array<i32>} : memref<36864xf32, #tpu.memory_space<vmem>>, vector<16xf32>,
        %parallel_loop3A_256 = arith.constant 1072 : i32
        %parallel_loop3A_257 = arith.addi %parallel_loop3A_156, %parallel_loop3A_256 : i32
        %parallel_loop3A_258 = arith.index_cast %parallel_loop3A_257 : i32 to index
        %parallel_loop3A_259 = tpu.vector_load %arg5[%parallel_loop3A_258] {strides = array<i32>} : memref<36864xf32, #tpu.memory_space<vmem>>, vector<16xf32>,
        %parallel_loop3A_260 = arith.addf %parallel_loop3A_149, %parallel_loop3A_259 : vector<16xf32>
        %parallel_loop3A_261 = arith.constant 1072 : i32
        %parallel_loop3A_262 = arith.addi %parallel_loop3A_156, %parallel_loop3A_261 : i32
        %parallel_loop3A_263 = arith.index_cast %parallel_loop3A_262 : i32 to index
        %parallel_loop3A_264 = tpu.vector_load %arg8[%parallel_loop3A_263] {strides = array<i32>} : memref<36864xf32, #tpu.memory_space<vmem>>, vector<16xf32>,
        tpu.vector_store %arg8[%parallel_loop3A_263], %parallel_loop3A_260 {strides = array<i32>} : memref<36864xf32, #tpu.memory_space<vmem>>, vector<16xf32>,
        %parallel_loop3A_265 = arith.constant 1088 : i32
        %parallel_loop3A_266 = arith.addi %parallel_loop3A_156, %parallel_loop3A_265 : i32
        %parallel_loop3A_267 = arith.index_cast %parallel_loop3A_266 : i32 to index
        %parallel_loop3A_268 = tpu.vector_load %arg5[%parallel_loop3A_267] {strides = array<i32>} : memref<36864xf32, #tpu.memory_space<vmem>>, vector<16xf32>,
        %parallel_loop3A_269 = arith.addf %parallel_loop3A_149, %parallel_loop3A_268 : vector<16xf32>
        %parallel_loop3A_270 = arith.constant 1088 : i32
        %parallel_loop3A_271 = arith.addi %parallel_loop3A_156, %parallel_loop3A_270 : i32
        %parallel_loop3A_272 = arith.index_cast %parallel_loop3A_271 : i32 to index
        %parallel_loop3A_273 = tpu.vector_load %arg8[%parallel_loop3A_272] {strides = array<i32>} : memref<36864xf32, #tpu.memory_space<vmem>>, vector<16xf32>,
        tpu.vector_store %arg8[%parallel_loop3A_272], %parallel_loop3A_269 {strides = array<i32>} : memref<36864xf32, #tpu.memory_space<vmem>>, vector<16xf32>,
        %parallel_loop3A_274 = arith.constant 1104 : i32
        %parallel_loop3A_275 = arith.addi %parallel_loop3A_156, %parallel_loop3A_274 : i32
        %parallel_loop3A_276 = arith.index_cast %parallel_loop3A_275 : i32 to index
        %parallel_loop3A_277 = tpu.vector_load %arg5[%parallel_loop3A_276] {strides = array<i32>} : memref<36864xf32, #tpu.memory_space<vmem>>, vector<16xf32>,
        %parallel_loop3A_278 = arith.addf %parallel_loop3A_149, %parallel_loop3A_277 : vector<16xf32>
        %parallel_loop3A_279 = arith.constant 1104 : i32
        %parallel_loop3A_280 = arith.addi %parallel_loop3A_156, %parallel_loop3A_279 : i32
        %parallel_loop3A_281 = arith.index_cast %parallel_loop3A_280 : i32 to index
        %parallel_loop3A_282 = tpu.vector_load %arg8[%parallel_loop3A_281] {strides = array<i32>} : memref<36864xf32, #tpu.memory_space<vmem>>, vector<16xf32>,
        tpu.vector_store %arg8[%parallel_loop3A_281], %parallel_loop3A_278 {strides = array<i32>} : memref<36864xf32, #tpu.memory_space<vmem>>, vector<16xf32>,
        %parallel_loop3A_283 = arith.constant 1120 : i32
        %parallel_loop3A_284 = arith.addi %parallel_loop3A_156, %parallel_loop3A_283 : i32
        %parallel_loop3A_285 = arith.index_cast %parallel_loop3A_284 : i32 to index
        %parallel_loop3A_286 = tpu.vector_load %arg5[%parallel_loop3A_285] {strides = array<i32>} : memref<36864xf32, #tpu.memory_space<vmem>>, vector<16xf32>,
        %parallel_loop3A_287 = arith.addf %parallel_loop3A_149, %parallel_loop3A_286 : vector<16xf32>
        %parallel_loop3A_288 = arith.constant 1120 : i32
        %parallel_loop3A_289 = arith.addi %parallel_loop3A_156, %parallel_loop3A_288 : i32
        %parallel_loop3A_290 = arith.index_cast %parallel_loop3A_289 : i32 to index
        %parallel_loop3A_291 = tpu.vector_load %arg8[%parallel_loop3A_290] {strides = array<i32>} : memref<36864xf32, #tpu.memory_space<vmem>>, vector<16xf32>,
        tpu.vector_store %arg8[%parallel_loop3A_290], %parallel_loop3A_287 {strides = array<i32>} : memref<36864xf32, #tpu.memory_space<vmem>>, vector<16xf32>,
        %parallel_loop3A_292 = arith.constant 1136 : i32
        %parallel_loop3A_293 = arith.addi %parallel_loop3A_156, %parallel_loop3A_292 : i32
        %parallel_loop3A_294 = arith.index_cast %parallel_loop3A_293 : i32 to index
        %parallel_loop3A_295 = tpu.vector_load %arg5[%parallel_loop3A_294] {strides = array<i32>} : memref<36864xf32, #tpu.memory_space<vmem>>, vector<16xf32>,
        %parallel_loop3A_296 = arith.addf %parallel_loop3A_149, %parallel_loop3A_295 : vector<16xf32>
        %parallel_loop3A_297 = arith.constant 1136 : i32
        %parallel_loop3A_298 = arith.addi %parallel_loop3A_156, %parallel_loop3A_297 : i32
        %parallel_loop3A_299 = arith.index_cast %parallel_loop3A_298 : i32 to index
        %parallel_loop3A_300 = tpu.vector_load %arg8[%parallel_loop3A_299] {strides = array<i32>} : memref<36864xf32, #tpu.memory_space<vmem>>, vector<16xf32>,
        tpu.vector_store %arg8[%parallel_loop3A_299], %parallel_loop3A_296 {strides = array<i32>} : memref<36864xf32, #tpu.memory_space<vmem>>, vector<16xf32>,
        %parallel_loop3A_301 = arith.constant 2048 : i32
        %parallel_loop3A_302 = arith.addi %parallel_loop3A_156, %parallel_loop3A_301 : i32
        %parallel_loop3A_303 = arith.index_cast %parallel_loop3A_302 : i32 to index
        %parallel_loop3A_304 = tpu.vector_load %arg5[%parallel_loop3A_303] {strides = array<i32>} : memref<36864xf32, #tpu.memory_space<vmem>>, vector<16xf32>,
        %parallel_loop3A_305 = arith.addf %parallel_loop3A_149, %parallel_loop3A_304 : vector<16xf32>
        %parallel_loop3A_306 = arith.constant 2048 : i32
        %parallel_loop3A_307 = arith.addi %parallel_loop3A_156, %parallel_loop3A_306 : i32
        %parallel_loop3A_308 = arith.index_cast %parallel_loop3A_307 : i32 to index
        %parallel_loop3A_309 = tpu.vector_load %arg8[%parallel_loop3A_308] {strides = array<i32>} : memref<36864xf32, #tpu.memory_space<vmem>>, vector<16xf32>,
        tpu.vector_store %arg8[%parallel_loop3A_308], %parallel_loop3A_305 {strides = array<i32>} : memref<36864xf32, #tpu.memory_space<vmem>>, vector<16xf32>,
        %parallel_loop3A_310 = arith.constant 2064 : i32
        %parallel_loop3A_311 = arith.addi %parallel_loop3A_156, %parallel_loop3A_310 : i32
        %parallel_loop3A_312 = arith.index_cast %parallel_loop3A_311 : i32 to index
        %parallel_loop3A_313 = tpu.vector_load %arg5[%parallel_loop3A_312] {strides = array<i32>} : memref<36864xf32, #tpu.memory_space<vmem>>, vector<16xf32>,
        %parallel_loop3A_314 = arith.addf %parallel_loop3A_149, %parallel_loop3A_313 : vector<16xf32>
        %parallel_loop3A_315 = arith.constant 2064 : i32
        %parallel_loop3A_316 = arith.addi %parallel_loop3A_156, %parallel_loop3A_315 : i32
        %parallel_loop3A_317 = arith.index_cast %parallel_loop3A_316 : i32 to index
        %parallel_loop3A_318 = tpu.vector_load %arg8[%parallel_loop3A_317] {strides = array<i32>} : memref<36864xf32, #tpu.memory_space<vmem>>, vector<16xf32>,
        tpu.vector_store %arg8[%parallel_loop3A_317], %parallel_loop3A_314 {strides = array<i32>} : memref<36864xf32, #tpu.memory_space<vmem>>, vector<16xf32>,
        %parallel_loop3A_319 = arith.constant 2080 : i32
        %parallel_loop3A_320 = arith.addi %parallel_loop3A_156, %parallel_loop3A_319 : i32
        %parallel_loop3A_321 = arith.index_cast %parallel_loop3A_320 : i32 to index
        %parallel_loop3A_322 = tpu.vector_load %arg5[%parallel_loop3A_321] {strides = array<i32>} : memref<36864xf32, #tpu.memory_space<vmem>>, vector<16xf32>,
        %parallel_loop3A_323 = arith.addf %parallel_loop3A_149, %parallel_loop3A_322 : vector<16xf32>
        %parallel_loop3A_324 = arith.constant 2080 : i32
        %parallel_loop3A_325 = arith.addi %parallel_loop3A_156, %parallel_loop3A_324 : i32
        %parallel_loop3A_326 = arith.index_cast %parallel_loop3A_325 : i32 to index
        %parallel_loop3A_327 = tpu.vector_load %arg8[%parallel_loop3A_326] {strides = array<i32>} : memref<36864xf32, #tpu.memory_space<vmem>>, vector<16xf32>,
        tpu.vector_store %arg8[%parallel_loop3A_326], %parallel_loop3A_323 {strides = array<i32>} : memref<36864xf32, #tpu.memory_space<vmem>>, vector<16xf32>,
        %parallel_loop3A_328 = arith.constant 2096 : i32
        %parallel_loop3A_329 = arith.addi %parallel_loop3A_156, %parallel_loop3A_328 : i32
        %parallel_loop3A_330 = arith.index_cast %parallel_loop3A_329 : i32 to index
        %parallel_loop3A_331 = tpu.vector_load %arg5[%parallel_loop3A_330] {strides = array<i32>} : memref<36864xf32, #tpu.memory_space<vmem>>, vector<16xf32>,
        %parallel_loop3A_332 = arith.addf %parallel_loop3A_149, %parallel_loop3A_331 : vector<16xf32>
        %parallel_loop3A_333 = arith.constant 2096 : i32
        %parallel_loop3A_334 = arith.addi %parallel_loop3A_156, %parallel_loop3A_333 : i32
        %parallel_loop3A_335 = arith.index_cast %parallel_loop3A_334 : i32 to index
        %parallel_loop3A_336 = tpu.vector_load %arg8[%parallel_loop3A_335] {strides = array<i32>} : memref<36864xf32, #tpu.memory_space<vmem>>, vector<16xf32>,
        tpu.vector_store %arg8[%parallel_loop3A_335], %parallel_loop3A_332 {strides = array<i32>} : memref<36864xf32, #tpu.memory_space<vmem>>, vector<16xf32>,
        %parallel_loop3A_337 = arith.constant 2112 : i32
        %parallel_loop3A_338 = arith.addi %parallel_loop3A_156, %parallel_loop3A_337 : i32
        %parallel_loop3A_339 = arith.index_cast %parallel_loop3A_338 : i32 to index
        %parallel_loop3A_340 = tpu.vector_load %arg5[%parallel_loop3A_339] {strides = array<i32>} : memref<36864xf32, #tpu.memory_space<vmem>>, vector<16xf32>,
        %parallel_loop3A_341 = arith.addf %parallel_loop3A_149, %parallel_loop3A_340 : vector<16xf32>
        %parallel_loop3A_342 = arith.constant 2112 : i32
        %parallel_loop3A_343 = arith.addi %parallel_loop3A_156, %parallel_loop3A_342 : i32
        %parallel_loop3A_344 = arith.index_cast %parallel_loop3A_343 : i32 to index
        %parallel_loop3A_345 = tpu.vector_load %arg8[%parallel_loop3A_344] {strides = array<i32>} : memref<36864xf32, #tpu.memory_space<vmem>>, vector<16xf32>,
        tpu.vector_store %arg8[%parallel_loop3A_344], %parallel_loop3A_341 {strides = array<i32>} : memref<36864xf32, #tpu.memory_space<vmem>>, vector<16xf32>,
        %parallel_loop3A_346 = arith.constant 2128 : i32
        %parallel_loop3A_347 = arith.addi %parallel_loop3A_156, %parallel_loop3A_346 : i32
        %parallel_loop3A_348 = arith.index_cast %parallel_loop3A_347 : i32 to index
        %parallel_loop3A_349 = tpu.vector_load %arg5[%parallel_loop3A_348] {strides = array<i32>} : memref<36864xf32, #tpu.memory_space<vmem>>, vector<16xf32>,
        %parallel_loop3A_350 = arith.addf %parallel_loop3A_149, %parallel_loop3A_349 : vector<16xf32>
        %parallel_loop3A_351 = arith.constant 2128 : i32
        %parallel_loop3A_352 = arith.addi %parallel_loop3A_156, %parallel_loop3A_351 : i32
        %parallel_loop3A_353 = arith.index_cast %parallel_loop3A_352 : i32 to index
        %parallel_loop3A_354 = tpu.vector_load %arg8[%parallel_loop3A_353] {strides = array<i32>} : memref<36864xf32, #tpu.memory_space<vmem>>, vector<16xf32>,
        tpu.vector_store %arg8[%parallel_loop3A_353], %parallel_loop3A_350 {strides = array<i32>} : memref<36864xf32, #tpu.memory_space<vmem>>, vector<16xf32>,
        %parallel_loop3A_355 = arith.constant 2144 : i32
        %parallel_loop3A_356 = arith.addi %parallel_loop3A_156, %parallel_loop3A_355 : i32
        %parallel_loop3A_357 = arith.index_cast %parallel_loop3A_356 : i32 to index
        %parallel_loop3A_358 = tpu.vector_load %arg5[%parallel_loop3A_357] {strides = array<i32>} : memref<36864xf32, #tpu.memory_space<vmem>>, vector<16xf32>,
        %parallel_loop3A_359 = arith.addf %parallel_loop3A_149, %parallel_loop3A_358 : vector<16xf32>
        %parallel_loop3A_360 = arith.constant 2144 : i32
        %parallel_loop3A_361 = arith.addi %parallel_loop3A_156, %parallel_loop3A_360 : i32
        %parallel_loop3A_362 = arith.index_cast %parallel_loop3A_361 : i32 to index
        %parallel_loop3A_363 = tpu.vector_load %arg8[%parallel_loop3A_362] {strides = array<i32>} : memref<36864xf32, #tpu.memory_space<vmem>>, vector<16xf32>,
        tpu.vector_store %arg8[%parallel_loop3A_362], %parallel_loop3A_359 {strides = array<i32>} : memref<36864xf32, #tpu.memory_space<vmem>>, vector<16xf32>,
        %parallel_loop3A_364 = arith.constant 2160 : i32
        %parallel_loop3A_365 = arith.addi %parallel_loop3A_156, %parallel_loop3A_364 : i32
        %parallel_loop3A_366 = arith.index_cast %parallel_loop3A_365 : i32 to index
        %parallel_loop3A_367 = tpu.vector_load %arg5[%parallel_loop3A_366] {strides = array<i32>} : memref<36864xf32, #tpu.memory_space<vmem>>, vector<16xf32>,
        %parallel_loop3A_368 = arith.addf %parallel_loop3A_149, %parallel_loop3A_367 : vector<16xf32>
        %parallel_loop3A_369 = arith.constant 2160 : i32
        %parallel_loop3A_370 = arith.addi %parallel_loop3A_156, %parallel_loop3A_369 : i32
        %parallel_loop3A_371 = arith.index_cast %parallel_loop3A_370 : i32 to index
        %parallel_loop3A_372 = tpu.vector_load %arg8[%parallel_loop3A_371] {strides = array<i32>} : memref<36864xf32, #tpu.memory_space<vmem>>, vector<16xf32>,
        tpu.vector_store %arg8[%parallel_loop3A_371], %parallel_loop3A_368 {strides = array<i32>} : memref<36864xf32, #tpu.memory_space<vmem>>, vector<16xf32>,
      } {sc.loop_unroll_factor = 4 : i64, sc.parallel_access}
      %add3A_108 = arith.addi %mul3A_2, %add3A_99 : i32
      %mul3A_109 = arith.constant 36864 : i32
      %mul3A_110 = arith.muli %add3A_108, %mul3A_109 : i32
      %dma_start3A_111 = tpu.memref_slice %arg4[%mul3A_110] : memref<14155776xf32, #tpu.memory_space<hbm>> -> memref<36864xf32, #tpu.memory_space<hbm>>
      %dma_start3A_112 = tpu.memref_slice %arg4[%mul3A_110] : memref<14155776xf32, #tpu.memory_space<hbm>> -> memref<36864xf32, #tpu.memory_space<hbm>>
      tpu.enqueue_dma source(%arg8 : memref<36864xf32, #tpu.memory_space<vmem>>) target(%dma_start3A_112 : memref<36864xf32, #tpu.memory_space<hbm>>) target_semaphore(%arg10 : memref<!tpu.dma_semaphore, #tpu.memory_space<semaphore_mem>>)
      %scan3A_113 = arith.constant 0 : i32
      scf.yield %scan3A_113 : i32
    }
    %scan3A_67 = arith.constant 6 : i32
    %add3A_68 = arith.constant 10 : i32
    %add3A_69 = arith.addi %mul3A_2, %add3A_68 : i32
    %mul3A_70 = arith.constant 36864 : i32
    %mul3A_71 = arith.muli %add3A_69, %mul3A_70 : i32
    %dma_wait3A_72 = tpu.memref_slice %arg4[%mul3A_71] : memref<14155776xf32, #tpu.memory_space<hbm>> -> memref<36864xf32, #tpu.memory_space<hbm>>
    %dma_wait3A_73 = tpu.memref_slice %arg4[%mul3A_71] : memref<14155776xf32, #tpu.memory_space<hbm>> -> memref<36864xf32, #tpu.memory_space<hbm>>
    tpu.wait_dma2 semaphore(%arg9 : memref<!tpu.dma_semaphore, #tpu.memory_space<semaphore_mem>>) src(%arg7 : memref<36864xf32, #tpu.memory_space<vmem>>) dst(%dma_wait3A_73 : memref<36864xf32, #tpu.memory_space<hbm>>)
    %add3A_74 = arith.constant 11 : i32
    %add3A_75 = arith.addi %mul3A_2, %add3A_74 : i32
    %mul3A_76 = arith.constant 36864 : i32
    %mul3A_77 = arith.muli %add3A_75, %mul3A_76 : i32
    %dma_wait3A_78 = tpu.memref_slice %arg4[%mul3A_77] : memref<14155776xf32, #tpu.memory_space<hbm>> -> memref<36864xf32, #tpu.memory_space<hbm>>
    %dma_wait3A_79 = tpu.memref_slice %arg4[%mul3A_77] : memref<14155776xf32, #tpu.memory_space<hbm>> -> memref<36864xf32, #tpu.memory_space<hbm>>
    tpu.wait_dma2 semaphore(%arg10 : memref<!tpu.dma_semaphore, #tpu.memory_space<semaphore_mem>>) src(%arg8 : memref<36864xf32, #tpu.memory_space<vmem>>) dst(%dma_wait3A_79 : memref<36864xf32, #tpu.memory_space<hbm>>)
    return
  }
}

</mosaic_0001>

<sc_bundles>
// kernel: kernel.3.cloned.1.call-start
scs
__scs_entry_jumppad:
0x0: {  	(pc) =	sbr.rel $0x88, $3  }
0x1: {  	(tag) =	ssettag $0x0;
	lr =	simm.s32 $0x1  }
0x2: {  	[smem:$0x3F9F] =	sst lr;
	_ =	strace $0xD0000000  }
0x3: {  	_ = 	snop  }
0x4: {  	_ = 	snop  }
0x5: {  	_ = 	snop  }
0x6: {  	_ = 	snop  }
0x7: {  	_ = 	snop  }
__scs_overlays_trampoline_lowered:
0x8: {  	[smem:$0x3FAE] =	sst s0  }
0x9: {  	[smem:$0x3FAF] =	sst s1  }
0xa: {  	[smem:$0x3FB0] =	sst s2  }
0xb: {  	[smem:$0x3FB1] =	sst s3  }
0xc: {  	[smem:$0x3FB2] =	sst s4  }
0xd: {  	[smem:$0x3FB3] =	sst s5  }
0xe: {  	[smem:$0x3FB4] =	sst s6  }
0xf: {  	[smem:$0x3FB5] =	sst s7  }
0x10: {  	[smem:$0x3FB6] =	sst s8  }
0x11: {  	[smem:$0x3FB7] =	sst s9;
	s0 =	simm.s32 @!p0 $0x0  }
0x12: {  	s1 =	sld [smem:$0x3F9D];
	s0 =	simm.s32 @p0 $0x1  }
0x13: {  	[smem:$0x3FB8] =	sst s0;
	s0 =	simm.s32 @!p1 $0x0  }
0x14: {  	s2 =	sld [smem:$0x3F9C];
	s0 =	simm.s32 @p1 $0x1  }
0x15: {  	[smem:$0x3FB9] =	sst s0;
	s0 =	simm.s32 @!p2 $0x0  }
0x16: {  	s3 =	sld [smem:$0x3FDB];
	s0 =	simm.s32 @p2 $0x1  }
0x17: {  	s4 =	simm.s32 $0x1BF5;
	[smem:$0x3FBB] =	sst s0  }
0x18: {  	s0 =	sld [smem:$0x3F9E];
	_ =	swait.ge [sflag:s4], $0x0  }
0x19: {  	s7 =	sld [smem:$0x3F9F]  }
0x1a: {  	s8 =	sadd.s32 $0xFFFFE003, lr  }
0x1b: {  	s9 =	sadd.s32 $0xFFFFFEF7, lr;
	s5 =	simm.s32 $0xFFFFFFFF;
	p2 =	slt.u32 s8, $0xFFFFF086  }
0x1c: {  	p1 =	slt.u32 s9, $0xF7A;
	s5 =	simm.s32 @!p2 $0x0  }
0x1d: {  	s5 =	simm.s32 @p1 $0x1;
	p0 =	seq.s32 s7, s2  }
0x1e: {  	s7 =	smul.u32 @!p0 $0xF7A, s2;
	p2 =	seq.s32 @!p0 s5, $0x0  }
0x1f: {  	s9 =	smul.u32 $0xF7A, s1;
	s8 =	simm.s32 @!p0 $0x1BF5;
	p2 =	por !p2, p0  }
0x20: {  	[sflag:s8] =	ssyncset.s32 @!p0 $0xFFFFF086;
	s6 =	sadd.s32 @!p0 s3, s7;
	s7 =	simm.s32 @!p0 $0x108  }
0x21: {  	s3 =	sadd.s32 s3, s9;
	s6 =	sadd.s32 @!p0 $0x88, s6;
	s7 =	simm.s32 @p2 $0x1082  }
0x22: {  	[simem:s7], [sflag:s8] =	dma.local @!p0 [hbm:s6], $0xF7A  }
0x23: {  	s9 =	sor.u32 $0xD0000000, s2;
	s6 =	simm.s32 $0x108;
	_ =	swait.ge @!p0 [sflag:s8], $0x0  }
0x24: {  	s3 =	sadd.s32 $0x88, s3;
	s6 =	simm.s32 @!p1 $0x1082;
	[sflag:s4] =	ssyncset.s32 $0xFFFFF086  }
0x25: {  	[simem:s6], [sflag:s4] =	dma.local [hbm:s3], $0xF7A  }
0x26: {  	[smem:$0x3F9F] =	sst s1;
	(tag) =	ssettag s2;
	_ =	strace s9  }
0x27: {  	s1 =	sld [smem:$0x3FAF]  }
0x28: {  	s2 =	sld [smem:$0x3FB0]  }
0x29: {  	s4 =	sld [smem:$0x3FB2]  }
0x2a: {  	p0 =	seq.s32 s5, $0x0;
	s5 =	sld [smem:$0x3FB3]  }
0x2b: {  	s6 =	sld [smem:$0x3FB4]  }
0x2c: {  	s7 =	sld [smem:$0x3FB5]  }
0x2d: {  	s3 =	simm.s32 $0x108;
	s8 =	sld [smem:$0x3FB6]  }
0x2e: {  	s3 =	simm.s32 @!p0 $0x1082;
	s9 =	sld [smem:$0x3FB7]  }
0x2f: {  	lr =	sadd.s32 s0, s3;
	s0 =	sld [smem:$0x3FAE]  }
0x30: {  	s3 =	sld [smem:$0x3FB1]  }
0x31: {  	[smem:$0x3FBA] =	sst s10  }
0x32: {  	s10 =	sld [smem:$0x3FB8];
	_ =	sdelay $0x3  }
0x33: {  	p0 =	seq.s32 s10, $0x1;
	s10 =	sld [smem:$0x3FBA];
	_ =	sdelay $0x3  }
0x34: {  	[smem:$0x3FBA] =	sst s10  }
0x35: {  	s10 =	sld [smem:$0x3FB9];
	_ =	sdelay $0x3  }
0x36: {  	p1 =	seq.s32 s10, $0x1;
	s10 =	sld [smem:$0x3FBA];
	_ =	sdelay $0x3  }
0x37: {  	[smem:$0x3FBA] =	sst s10  }
0x38: {  	s10 =	sld [smem:$0x3FBB]  }
0x39: {  	_ = 	snop;
	(pc) =	sbr.ind lr, $3  }
0x3a: {  	_ = 	snop  }
0x3b: {  	_ = 	snop  }
0x3c: {  	p2 =	seq.s32 s10, $0x1;
	s10 =	sld [smem:$0x3FBA]  }
0x3d: {  	_ =	shalt  }
0x3e: {  	_ =	shalt  }
0x3f: {  	_ =	shalt  }
0x40: {  	_ =	shalt  }
0x41: {  	_ =	shalt  }
0x42: {  	_ =	shalt  }
0x43: {  	_ =	shalt  }
0x44: {  	_ =	shalt  }
0x45: {  	_ =	shalt  }
0x46: {  	_ =	shalt  }
0x47: {  	_ =	shalt  }
0x48: {  	_ =	shalt  }
0x49: {  	_ =	shalt  }
0x4a: {  	_ =	shalt  }
0x4b: {  	_ =	shalt  }
0x4c: {  	_ =	shalt  }
0x4d: {  	_ =	shalt  }
0x4e: {  	_ =	shalt  }
0x4f: {  	_ =	shalt  }
0x50: {  	_ =	shalt  }
0x51: {  	_ =	shalt  }
0x52: {  	_ =	shalt  }
0x53: {  	_ =	shalt  }
0x54: {  	_ =	shalt  }
0x55: {  	_ =	shalt  }
0x56: {  	_ =	shalt  }
0x57: {  	_ =	shalt  }
0x58: {  	_ =	shalt  }
0x59: {  	_ =	shalt  }
0x5a: {  	_ =	shalt  }
0x5b: {  	_ =	shalt  }
0x5c: {  	_ =	shalt  }
0x5d: {  	_ =	shalt  }
0x5e: {  	_ =	shalt  }
0x5f: {  	_ =	shalt  }
0x60: {  	_ =	shalt  }
0x61: {  	_ =	shalt  }
0x62: {  	_ =	shalt  }
0x63: {  	_ =	shalt  }
0x64: {  	_ =	shalt  }
0x65: {  	_ =	shalt  }
0x66: {  	_ =	shalt  }
0x67: {  	_ =	shalt  }
0x68: {  	_ =	shalt  }
0x69: {  	_ =	shalt  }
0x6a: {  	_ =	shalt  }
0x6b: {  	_ =	shalt  }
0x6c: {  	_ =	shalt  }
0x6d: {  	_ =	shalt  }
0x6e: {  	_ =	shalt  }
0x6f: {  	_ =	shalt  }
0x70: {  	_ =	shalt  }
0x71: {  	_ =	shalt  }
0x72: {  	_ =	shalt  }
0x73: {  	_ =	shalt  }
0x74: {  	_ =	shalt  }
0x75: {  	_ =	shalt  }
0x76: {  	_ =	shalt  }
0x77: {  	_ =	shalt  }
0x78: {  	_ =	shalt  }
0x79: {  	_ =	shalt  }
0x7a: {  	_ =	shalt  }
0x7b: {  	_ =	shalt  }
0x7c: {  	_ =	shalt  }
0x7d: {  	_ =	shalt  }
0x7e: {  	_ =	shalt  }
0x7f: {  	_ =	shalt  }
0x80: {  	_ =	shalt  }
0x81: {  	_ =	shalt  }
0x82: {  	_ =	shalt  }
0x83: {  	_ =	shalt  }
0x84: {  	_ =	shalt  }
0x85: {  	_ =	shalt  }
0x86: {  	_ =	shalt  }
0x87: {  	_ =	shalt  }
.Lfunc_end0:
.L_simem_size_0:
called_computation_lowered:
.L_overlay_start_0:
0x88: {  	s2 =	sld [smem:$0x3FD9]  }
0x89: {  	s3 =	sld [smem:$0x3FFE];
	_ =	sdelay $0x1  }
0x8a: {  	s1 =	srdreg.scid  }
0x8b: {  	s0 =	sand.u32 $0x1, s1  }
0x8c: {  	s17 =	sshll.u32 s0, $0xA;
	s2 =	sadd.s32 s3, s2  }
0x8d: {  	s2 =	sadd.s32 s2, s17  }
0x8e: {  	[smem:$0x3FC6] =	sst s2  }
0x8f: {  	_ = 	snop  }
0x90: {  	s2 =	sld [smem:$0x3FD0];
	(tm) =	ssettm $0x1  }
0x91: {  	s18 =	sld [smem:$0x3FFB];
	_ =	sdelay $0x3  }
0x92: {  	_ =	strace s18  }
0x93: {  	s3 =	sld [smem:$0x3FFC];
	_ =	sdelay $0x3  }
0x94: {  	_ =	strace s3  }
0x95: {  	s3 =	sld [smem:$0x3FFD];
	_ =	sdelay $0x3  }
0x96: {  	_ =	strace s3  }
0x97: {  	_ =	strace $0x8FFFFFFF  }
0x98: {  	s19 =	sld [smem:$0x3FDB];
	_ =	sdelay $0x1  }
0x99: {  	s4 =	simm.s32 $_scs_section_size  }
0x9a: {  	s5 =	simm.s32 $_size__tile_overlayer_lowered;
	s6 =	simm.s32 $_tile_overlayer_lowered  }
0x9b: {  	s22 =	simm.s32 $0x1BFF;
	s21 =	sshll.u32 s6, $0x1;
	s3 =	sadd.s32 s4, s19  }
0x9c: {  	s7 =	simm.s32 $0x0;
	s20 =	sshll.u32 s5, $0x1;
	s5 =	sadd.s32 s21, s3  }
0x9d: {  	[timem:s7], [sflag:s22] =	dma.local [hbm:s5], s20  }
0x9e: {  	_ =	swait.ge [sflag:s22], s20  }
0x9f: {  	s4 =	ssub.s32 $0x0, s20;
	[sflag:s22] =	ssyncset.done $0x0  }
0xa0: {  	[sflag:s22] =	ssyncadd.s32 s4;
	_ =	sdelay $0x1  }
0xa1: {  	s23 =	simm.s32 $0x1B8B  }
0xa2: {  	_ =	swait.ge [sflag:s23], $0x1  }
0xa3: {  	[sflag:s23] =	ssyncset.done $0x0  }
0xa4: {  	s25 =	simm.s32 $0x1B8E;
	s24 =	sld [smem:$0x3FFE];
	[sflag:s23] =	ssyncadd.s32 $0xFFFFFFFF  }
0xa5: {  	s26 =	simm.s32 $execute0_lowered;
	[smem:$0x3FD2] =	sst s25  }
0xa6: {  	s5 =	sshll.u32 s26, $0x1;
	_ =	strace $0x80000046;
	[dreg:$0x1] =	wrdreg $0xFFFFFFFF  }
0xa7: {  	s28 =	simm.s32 $_size_execute0_lowered;
	s3 =	sadd.s32 s3, s5;
	[dreg:$0x0] =	wrdreg $0x0  }
0xa8: {  	s5 =	sshll.u32 s28, $0x1;
	[dreg:$0x2] =	wrdreg s3  }
0xa9: {  	[dreg:$0x3] =	wrdreg s5  }
0xaa: {  	[dreg:$0x4] =	wrdreg $0xC0  }
0xab: {  	_ =	task [dreg:s7], $0x5FFFF  }
0xac: {  	[dreg:$0x1] =	wrdreg $0xFFFFFFFF  }
0xad: {  	[dreg:$0x0] =	wrdreg $0x60  }
0xae: {  	[dreg:$0x2] =	wrdreg s24  }
0xaf: {  	[dreg:$0x3] =	wrdreg s2  }
0xb0: {  	[dreg:$0x4] =	wrdreg $0x9  }
0xb1: {  	_ =	task.clear_ibuf [dreg:s7], $0x5FFFF;
	_ =	strace $0x90000046  }
0xb2: {  	s29 =	simm.s32 $0x9;
	_ =	strace $0x80000048  }
0xb3: {  	_ =	swait.ge [sflag:s29], $0x1  }
0xb4: {  	[sflag:s29] =	ssyncadd.s32 $0xFFFFFFFF  }
0xb5: {  	_ =	strace $0x90000048  }
0xb6: {  	_ =	sfence  }
0xb7: {  	s30 =	sld [smem:$0x0];
	_ =	sdelay $0x2  }
0xb8: {  	s31 =	sshll.u32 s1, $0xD;
	s1 =	sshrl.u32 s1, $0x2  }
0xb9: {  	s3 =	sand.u32 $0x4000, s31;
	s1 =	sadd.s32 s1, s30  }
0xba: {  	s0 =	sor.u32 s3, s0;
	s1 =	sshll.u32 s1, $0x11  }
0xbb: {  	s0 =	sor.u32 s1, s0  }
0xbc: {  	s0 =	sadd.s32 $0x8F2B, s0  }
0xbd: {  	[sflag:s0] =	ssyncadd.remote.s32 $0x1  }
0xbe: {  	_ =	sfence.sel $0xFFFF  }
0xbf: {  	[dreg:$0x0] =	wrdreg $0xFFFFFFFF;
	(pc) =	sbr.abs _section_cstart, $3  }
0xc0: {  	[dreg:$0x1] =	wrdreg $0xFFFFFFFF  }
0xc1: {  	_ =	task.clear_ibuf [dreg:s7], $0x2FFFF;
	_ =	strace $0x9FFFFFFF  }
0xc2: {  	(tm) =	ssettm $0x7FFFFFFF  }
0xc3: {  	_ =	shalt  }
tec
execute0_lowered:
.L_overlay_start_1:
0x0: {  	(tag) =	ssettag $0x1  }
0x1: {  	s0 =	rddreg [dreg:$0x0]  }
0x2: {  	s1 =	srdreg.scid;
	s3 =	stileid.u32  }
0x3: {  	s2 =	rddreg [dreg:$0x1];
	s10 =	simm.s32 $0x9000;
	s11 =	simm.s32 $0x3  }
0x4: {  	s12 =	simm.s32 $0x9480;
	s13 =	simm.s32 $0x1;
	s14 =	simm.s32 $0x12480  }
0x5: {  	s15 =	simm.s32 $0x2;
	s1 =	sand.u32 $0x1, s1;
	s4 =	sshll.u32 s3, $0x1  }
0x6: {  	s16 =	simm.s32 $0x0;
	s3 =	simm.s32 $0x0;
	s5 =	sor.u32 s1, s4  }
0x7: {  	s30 =	sadd.s32 $0x1600, s0;
	[smem:$0x7FF] =	sst s3;
	s4 =	smul.u32 $0x90, s5  }
0x8: {  	s8 =	sadd.s32 $0x2200, s0;
	s1 =	ssub.s32 $0x2, s1;
	_ =	strace $0x80000047  }
0x9: {  	s6 =	sshrl.u32 s1, $0x1;
	[dreg:$0x3] =	wrdreg s30;
	s7 =	sadd.s32 s4, s0  }
0xa: {  	v0 =	vlaneseq.u32;
	s5 =	smul.u32 $0xC, s5;
	s1 =	ssub.s32 s1, s6;
	s31 =	sadd.s32 $0x400, s7  }
0xb: {  	v0 =	vmul.u32 $0x60, v0;
	s9 =	smax.u32 s1, $0x1;
	s7 =	sadd.s32 $0x1C00, s0;
	[dreg:$0x4] =	wrdreg s31  }
.LBB2_1:
0xc: {  	s0 =	rddreg [dreg:$0x4]  }
0xd: {  	[tilespmem:s10], [sflag:$0x3] =	stream.linear.gather [hbm4b:s0+s3], $0x480, $0x38;
	[tilespmem:$0x1B480] =	vst v63  }
0xe: {  	_ =	swait.ge [sflag:s11], $0x480  }
0xf: {  	[sflag:s11] =	ssyncset.done $0x0  }
0x10: {  	s29 =	simm.s32 $0x2;
	s28 =	rddreg [dreg:$0x3];
	[sflag:s11] =	ssyncadd.s32 $0xFFFFFB80  }
0x11: {  	v1 =	vadd.s32 s29, v0;
	[tilespmem:s12], [sflag:$0x1] =	stream.linear.gather [hbm4b:s28+s3], $0x3000, $0x38;
	[tilespmem:$0x1B480] =	vst v63  }
0x12: {  	_ =	swait.ge [sflag:s13], $0x3000  }
0x13: {  	[sflag:s13] =	ssyncset.done $0x0  }
0x14: {  	s30 =	simm.s32 $0x3;
	[sflag:s13] =	ssyncadd.s32 $0xFFFFD000  }
0x15: {  	[tilespmem:s14], [sflag:$0x2] =	stream.linear.gather [hbm4b:s7+s3], $0x3000, $0x38;
	[tilespmem:$0x1B480] =	vst v63  }
0x16: {  	s31 =	simm.s32 $0x602;
	v2 =	vadd.s32 s30, v0;
	v1 =	vld.idx.msk [tilespmem:v1+s12+$0x0], $0xffff  }
0x17: {  	s1 =	simm.s32 $0x1;
	v3 =	vadd.s32 s31, v0  }
0x18: {  	v4 =	vadd.s32 s1, v0;
	s1 =	simm.s32 $0x0  }
0x19: {  	s0 =	sand.u32 $0x3FFFF800, s1  }
0x1a: {  	v5 =	vadd.s32 s3, v0;
	s17 =	sadd.s32 $0x0, s0  }
0x1b: {  	s4 =	simm.s32 $0x603;
	v2 =	vld.idx.msk [tilespmem:v2+s12+$0x0], $0xffff;
	[tilespmem:s17+$0x100] =	vst v1  }
0x1c: {  	s6 =	simm.s32 $0xC02;
	v1 =	vadd.s32 s4, v0;
	v3 =	vld.idx.msk [tilespmem:v3+s12+$0x0], $0xffff  }
0x1d: {  	s18 =	simm.s32 $0x601;
	v6 =	vadd.s32 s6, v0;
	v4 =	vld.idx.msk [tilespmem:v4+s12+$0x0], $0xffff  }
0x1e: {  	s19 =	simm.s32 $0x0;
	v7 =	vadd.s32 s18, v0  }
0x1f: {  	s20 =	simm.s32 $0x600;
	s0 =	smul.u32 $0x18, s19;
	v5 =	vld.idx.msk [tilespmem:v5+s12+$0x0], $0xffff  }
0x20: {  	s18 =	sand.u32 $0x4, s3;
	[tilespmem:s17+$0x180] =	vst v2;
	v2 =	vadd.s32 s20, v0  }
0x21: {  	s21 =	simm.s32 $0xC03;
	s0 =	sor.u32 s18, s0;
	v1 =	vld.idx.msk [tilespmem:v1+s12+$0x0], $0xffff;
	[tilespmem:s17+$0x110] =	vst v3  }
0x22: {  	s22 =	simm.s32 $0x1202;
	s0 =	sshll.u32 s0, $0x7;
	[tilespmem:s17+$0x80] =	vst v4;
	v3 =	vadd.s32 s21, v0;
	v4 =	vld.idx.msk [tilespmem:v6+s12+$0x0], $0xffff  }
0x23: {  	s23 =	simm.s32 $0xC01;
	s18 =	sand.u32 $0x3FFFFE00, s0;
	v6 =	vld.idx.msk [tilespmem:v7+s12+$0x0], $0xffff;
	v7 =	vadd.s32 s22, v0  }
0x24: {  	[tilespmem:s18+$0x0] =	vst v5;
	v5 =	vadd.s32 s23, v0  }
0x25: {  	s24 =	simm.s32 $0xC00;
	v2 =	vld.idx.msk [tilespmem:v2+s12+$0x0], $0xffff  }
0x26: {  	[tilespmem:s17+$0x190] =	vst v1;
	v1 =	vadd.s32 s24, v0  }
0x27: {  	s25 =	simm.s32 $0x1203;
	v3 =	vld.idx.msk [tilespmem:v3+s12+$0x0], $0xffff;
	[tilespmem:s17+$0x120] =	vst v4  }
0x28: {  	s26 =	simm.s32 $0x1802;
	[tilespmem:s17+$0x90] =	vst v6;
	v4 =	vadd.s32 s25, v0;
	v6 =	vld.idx.msk [tilespmem:v7+s12+$0x0], $0xffff  }
0x29: {  	s28 =	simm.s32 $0x1201;
	v5 =	vld.idx.msk [tilespmem:v5+s12+$0x0], $0xffff;
	v7 =	vadd.s32 s26, v0  }
0x2a: {  	s29 =	simm.s32 $0x6;
	[tilespmem:s18+$0x10] =	vst v2;
	v2 =	vadd.s32 s28, v0  }
0x2b: {  	s31 =	simm.s32 $0x5;
	v8 =	vadd.s32 s29, v0;
	v1 =	vld.idx.msk [tilespmem:v1+s12+$0x0], $0xffff  }
0x2c: {  	s30 =	simm.s32 $0x1200;
	v9 =	vadd.s32 s31, v0;
	[tilespmem:s17+$0x1A0] =	vst v3  }
0x2d: {  	s1 =	simm.s32 $0x7;
	v3 =	vadd.s32 s30, v0;
	v4 =	vld.idx.msk [tilespmem:v4+s12+$0x0], $0xffff;
	[tilespmem:s17+$0x130] =	vst v6  }
0x2e: {  	s4 =	simm.s32 $0x1E02;
	[tilespmem:s17+$0xA0] =	vst v5;
	v5 =	vadd.s32 s1, v0;
	v6 =	vld.idx.msk [tilespmem:v7+s12+$0x0], $0xffff  }
0x2f: {  	s6 =	simm.s32 $0x1803;
	v2 =	vld.idx.msk [tilespmem:v2+s12+$0x0], $0xffff;
	v7 =	vadd.s32 s4, v0  }
0x30: {  	s19 =	simm.s32 $0x4;
	[tilespmem:s18+$0x20] =	vst v1;
	v1 =	vld.idx.msk [tilespmem:v8+s12+$0x0], $0xffff;
	v8 =	vadd.s32 s6, v0  }
0x31: {  	v10 =	vadd.s32 s19, v0;
	v9 =	vld.idx.msk [tilespmem:v9+s12+$0x0], $0xffff;
	s20 =	simm.s32 $0x606  }
0x32: {  	v11 =	vadd.s32 s20, v0;
	s20 =	simm.s32 $0x1800;
	v3 =	vld.idx.msk [tilespmem:v3+s12+$0x0], $0xffff;
	[tilespmem:s17+$0x1B0] =	vst v4  }
0x33: {  	s21 =	simm.s32 $0x1801;
	s22 =	simm.s32 $0x400;
	v4 =	vadd.s32 s20, v0;
	v5 =	vld.idx.msk [tilespmem:v5+s12+$0x0], $0xffff;
	[tilespmem:s17+$0x140] =	vst v6  }
0x34: {  	s23 =	sand.u32 $0x3FFFF800, s22;
	s24 =	simm.s32 $0x607;
	v6 =	vadd.s32 s21, v0;
	v7 =	vld.idx.msk [tilespmem:v7+s12+$0x0], $0xffff  }
0x35: {  	s25 =	simm.s32 $0x605;
	s20 =	sadd.s32 $0x200, s23;
	[tilespmem:s17+$0xB0] =	vst v2;
	v2 =	vadd.s32 s24, v0;
	v8 =	vld.idx.msk [tilespmem:v8+s12+$0x0], $0xffff  }
0x36: {  	s28 =	simm.s32 $0x1E03;
	s26 =	simm.s32 $0x0;
	[tilespmem:s20+$0x100] =	vst v1;
	v1 =	vld.idx.msk [tilespmem:v10+s12+$0x0], $0xffff;
	v10 =	vadd.s32 s25, v0  }
0x37: {  	s1 =	smul.u32 $0x18, s26;
	s21 =	simm.s32 $0x2402;
	[tilespmem:s18+$0x30] =	vst v3;
	v3 =	vld.idx.msk [tilespmem:v11+s12+$0x0], $0xffff;
	v11 =	vadd.s32 s28, v0  }
0x38: {  	s29 =	sand.u32 $0x4, s19;
	s22 =	simm.s32 $0xC06;
	[tilespmem:s20+$0x80] =	vst v9;
	v9 =	vadd.s32 s21, v0;
	v4 =	vld.idx.msk [tilespmem:v4+s12+$0x0], $0xffff  }
0x39: {  	v12 =	vadd.s32 s22, v0;
	s30 =	simm.s32 $0x1E01;
	s0 =	sor.u32 s29, s1;
	[tilespmem:s20+$0x180] =	vst v5;
	v6 =	vld.idx.msk [tilespmem:v6+s12+$0x0], $0xffff  }
0x3a: {  	s31 =	simm.s32 $0x604;
	s0 =	sshll.u32 s0, $0x7;
	v5 =	vadd.s32 s30, v0;
	v2 =	vld.idx.msk [tilespmem:v2+s12+$0x0], $0xffff;
	[tilespmem:s17+$0x150] =	vst v7  }
0x3b: {  	s1 =	simm.s32 $0xC07;
	s21 =	sand.u32 $0x3FFFFE00, s0;
	v7 =	vadd.s32 s31, v0;
	v10 =	vld.idx.msk [tilespmem:v10+s12+$0x0], $0xffff;
	[tilespmem:s17+$0x1C0] =	vst v8  }
0x3c: {  	s4 =	simm.s32 $0xC05;
	[tilespmem:s21+$0x0] =	vst v1;
	v1 =	vadd.s32 s1, v0;
	v8 =	vld.idx.msk [tilespmem:v11+s12+$0x0], $0xffff  }
0x3d: {  	s6 =	simm.s32 $0x1E00;
	v11 =	vadd.s32 s4, v0;
	[tilespmem:s20+$0x110] =	vst v3;
	v3 =	vld.idx.msk [tilespmem:v9+s12+$0x0], $0xffff  }
0x3e: {  	s23 =	simm.s32 $0x1206;
	v9 =	vadd.s32 s6, v0;
	v12 =	vld.idx.msk [tilespmem:v12+s12+$0x0], $0xffff;
	[tilespmem:s17+$0xC0] =	vst v6  }
0x3f: {  	s22 =	simm.s32 $0x2403;
	v13 =	vadd.s32 s23, v0;
	[tilespmem:s18+$0x40] =	vst v4;
	v4 =	vld.idx.msk [tilespmem:v5+s12+$0x0], $0xffff  }
0x40: {  	s24 =	simm.s32 $0x2401;
	[tilespmem:s20+$0x190] =	vst v2;
	v5 =	vadd.s32 s22, v0;
	v7 =	vld.idx.msk [tilespmem:v7+s12+$0x0], $0xffff  }
0x41: {  	s25 =	simm.s32 $0xC04;
	[tilespmem:s20+$0x90] =	vst v10;
	v2 =	vld.idx.msk [tilespmem:v1+s12+$0x0], $0xffff;
	v10 =	vadd.s32 s24, v0  }
0x42: {  	s26 =	simm.s32 $0x1207;
	v14 =	vadd.s32 s25, v0;
	v15 =	vld.idx.msk [tilespmem:v11+s12+$0x0], $0xffff;
	[tilespmem:s17+$0x1D0] =	vst v8  }
0x43: {  	v16 =	vadd.s32 s26, v0;
	v6 =	vld.idx.msk [tilespmem:v9+s12+$0x0], $0xffff;
	[tilespmem:s20+$0x120] =	vst v12  }
0x44: {  	s29 =	simm.s32 $0x2A02;
	v8 =	vld.idx.msk [tilespmem:v13+s12+$0x0], $0xffff;
	[tilespmem:s17+$0xD0] =	vst v4  }
0x45: {  	s28 =	simm.s32 $0x2400;
	v5 =	vld.idx.msk [tilespmem:v5+s12+$0x0], $0xffff;
	[tilespmem:s21+$0x10] =	vst v7;
	v7 =	vadd.s32 s29, v0  }
0x46: {  	s30 =	simm.s32 $0x2A03;
	v1 =	vadd.s32 s28, v0;
	[tilespmem:s17+$0x160] =	vst v3;
	v3 =	vld.idx.msk [tilespmem:v10+s12+$0x0], $0xffff  }
0x47: {  	s23 =	simm.s32 $0x2A01;
	s0 =	simm.s32 $0x8;
	s31 =	simm.s32 $0x1806;
	v4 =	vadd.s32 s30, v0;
	[tilespmem:s20+$0x1A0] =	vst v2;
	v11 =	vld.idx.msk [tilespmem:v14+s12+$0x0], $0xffff  }
0x48: {  	s25 =	simm.s32 $0x1205;
	s1 =	simm.s32 $0x2A00;
	s22 =	simm.s32 $0x200;
	v2 =	vadd.s32 s23, v0;
	v10 =	vadd.s32 s31, v0;
	[tilespmem:s20+$0xA0] =	vst v15;
	v9 =	vld.idx.msk [tilespmem:v16+s12+$0x0], $0xffff  }
.LBB2_2:
0x49: {  	s26 =	sadd.s32 $0x1, s0  }
0x4a: {  	v12 =	vadd.s32 s0, v0;
	s28 =	sadd.s32 $0x2, s0;
	v13 =	vadd.s32 s25, v0;
	[tilespmem:s18+$0x50] =	vst v6;
	v6 =	vld.idx.msk [tilespmem:v7+s12+$0x0], $0xffff;
	s23 =	smov.u32 s0;
	s24 =	sadd.s32 $0x4, s0  }
0x4b: {  	p0 =	slt.u32 s0, $0x5C;
	s0 =	sadd.s32 $0x1200, s19;
	v7 =	vadd.s32 s26, v0;
	v14 =	vadd.s32 s28, v0;
	v1 =	vld.idx.msk [tilespmem:v1+s12+$0x0], $0xffff;
	[tilespmem:s17+$0x1E0] =	vst v5  }
0x4c: {  	s25 =	sadd.s32 $0x3, s23;
	v5 =	vadd.s32 s0, v0;
	[tilespmem:s20+$0x130] =	vst v8;
	v4 =	vld.idx.msk [tilespmem:v4+s12+$0x0], $0xffff  }
0x4d: {  	v15 =	vadd.s32 s1, v0;
	v8 =	vadd.s32 s25, v0;
	v10 =	vld.idx.msk [tilespmem:v10+s12+$0x0], $0xffff;
	[tilespmem:s17+$0xE0] =	vst v3  }
0x4e: {  	[tilespmem:s21+$0x20] =	vst v11;
	v2 =	vld.idx.msk [tilespmem:v2+s12+$0x0], $0xffff  }
0x4f: {  	s0 =	sadd.s32 $0x1E02, s19;
	v3 =	vld.idx.msk [tilespmem:v13+s12+$0x0], $0xffff;
	[tilespmem:s20+$0x1B0] =	vst v9  }
0x50: {  	v11 =	vadd.s32 s0, v0;
	s0 =	sadd.s32 $0x1803, s19;
	v9 =	vld.idx.msk [tilespmem:v14+s12+$0x0], $0xffff;
	[tilespmem:s17+$0x170] =	vst v6  }
0x51: {  	v6 =	vadd.s32 s0, v0;
	v5 =	vld.idx.msk [tilespmem:v5+s12+$0x0], $0xffff;
	[tilespmem:s18+$0x60] =	vst v1  }
0x52: {  	s0 =	sadd.s32 $0x602, s23;
	v1 =	vld.idx.msk [tilespmem:v15+s12+$0x0], $0xffff;
	[tilespmem:s17+$0x1F0] =	vst v4  }
0x53: {  	s1 =	sshll.u32 s23, $0x8;
	v4 =	vld.idx.msk [tilespmem:v7+s12+$0x0], $0xffff;
	v7 =	vadd.s32 s0, v0;
	s0 =	sadd.s32 $0x1801, s19;
	[tilespmem:s20+$0x140] =	vst v10  }
0x54: {  	s22 =	sadd.s32 $0x200, s22;
	s1 =	sand.u32 $0x3FFFF800, s1;
	s25 =	sadd.s32 $0x1800, s19;
	v8 =	vld.idx.msk [tilespmem:v8+s12+$0x0], $0xffff;
	v10 =	vadd.s32 s0, v0;
	[tilespmem:s17+$0xF0] =	vst v2  }
0x55: {  	s0 =	sadd.s32 $0x603, s23;
	v2 =	vadd.s32 s25, v0;
	s17 =	smov.u32 s20;
	[tilespmem:s20+$0xB0] =	vst v3;
	v3 =	vld.idx.msk [tilespmem:v11+s12+$0x0], $0xffff;
	s20 =	sadd.s32 s1, s22  }
0x56: {  	s1 =	sadd.s32 $0x601, s23;
	[tilespmem:s20+$0x100] =	vst v9;
	v9 =	vadd.s32 s0, v0;
	v6 =	vld.idx.msk [tilespmem:v6+s12+$0x0], $0xffff  }
0x57: {  	s0 =	sshrl.u32 s23, $0x3;
	v11 =	vld.idx.msk [tilespmem:v12+s12+$0x0], $0xffff;
	v12 =	vadd.s32 s1, v0;
	[tilespmem:s21+$0x30] =	vst v5;
	s1 =	sadd.s32 $0x1E03, s19  }
0x58: {  	s25 =	sadd.s32 $0x2402, s19;
	s0 =	smul.u32 $0x18, s0;
	v5 =	vld.idx.msk [tilespmem:v7+s12+$0x0], $0xffff;
	v7 =	vadd.s32 s1, v0;
	[tilespmem:s18+$0x70] =	vst v1;
	s18 =	smov.u32 s21  }
0x59: {  	s1 =	sand.u32 $0x4, s23;
	s21 =	sadd.s32 $0xC02, s23;
	[tilespmem:s20+$0x80] =	vst v4;
	v1 =	vld.idx.msk [tilespmem:v10+s12+$0x0], $0xffff;
	v4 =	vadd.s32 s25, v0  }
0x5a: {  	s0 =	sor.u32 s1, s0;
	v10 =	vadd.s32 s21, v0;
	s1 =	sadd.s32 $0x1E01, s19;
	[tilespmem:s20+$0x180] =	vst v8;
	v2 =	vld.idx.msk [tilespmem:v2+s12+$0x0], $0xffff  }
0x5b: {  	s25 =	sadd.s32 $0x600, s23;
	s0 =	sshll.u32 s0, $0x7;
	v8 =	vld.idx.msk [tilespmem:v9+s12+$0x0], $0xffff;
	v9 =	vadd.s32 s1, v0;
	[tilespmem:s17+$0x150] =	vst v3  }
0x5c: {  	s21 =	sand.u32 $0x3FFFFE00, s0;
	v3 =	vadd.s32 s25, v0;
	s0 =	sadd.s32 $0xC03, s23;
	v12 =	vld.idx.msk [tilespmem:v12+s12+$0x0], $0xffff;
	[tilespmem:s17+$0x1C0] =	vst v6  }
0x5d: {  	s1 =	sadd.s32 $0xC01, s23;
	v6 =	vadd.s32 s0, v0;
	s0 =	sadd.s32 $0x1E00, s19;
	[tilespmem:s21+$0x0] =	vst v11;
	v7 =	vld.idx.msk [tilespmem:v7+s12+$0x0], $0xffff  }
0x5e: {  	v11 =	vadd.s32 s1, v0;
	[tilespmem:s20+$0x110] =	vst v5;
	v5 =	vadd.s32 s0, v0;
	v4 =	vld.idx.msk [tilespmem:v4+s12+$0x0], $0xffff  }
0x5f: {  	s0 =	sadd.s32 $0x2403, s19;
	v10 =	vld.idx.msk [tilespmem:v10+s12+$0x0], $0xffff;
	[tilespmem:s17+$0xC0] =	vst v1  }
0x60: {  	s1 =	sadd.s32 $0x1202, s23;
	[tilespmem:s18+$0x40] =	vst v2;
	v2 =	vld.idx.msk [tilespmem:v9+s12+$0x0], $0xffff;
	v9 =	vadd.s32 s0, v0  }
0x61: {  	v13 =	vadd.s32 s1, v0;
	s0 =	sadd.s32 $0x2401, s19;
	v3 =	vld.idx.msk [tilespmem:v3+s12+$0x0], $0xffff;
	[tilespmem:s20+$0x190] =	vst v8  }
0x62: {  	s1 =	sadd.s32 $0xC00, s23;
	v14 =	vadd.s32 s0, v0;
	[tilespmem:s20+$0x90] =	vst v12;
	v12 =	vld.idx.msk [tilespmem:v6+s12+$0x0], $0xffff  }
0x63: {  	v15 =	vadd.s32 s1, v0;
	s1 =	sadd.s32 $0x2400, s19;
	s0 =	sadd.s32 $0x1203, s23;
	v16 =	vld.idx.msk [tilespmem:v11+s12+$0x0], $0xffff;
	[tilespmem:s17+$0x1D0] =	vst v7  }
0x64: {  	v1 =	vadd.s32 s1, v0;
	v17 =	vadd.s32 s0, v0;
	s0 =	sadd.s32 $0x2A02, s19;
	v6 =	vld.idx.msk [tilespmem:v5+s12+$0x0], $0xffff;
	[tilespmem:s17+$0x160] =	vst v4  }
.Ltmp0:
0x65: {  	v7 =	vadd.s32 s0, v0;
	[tilespmem:s20+$0x120] =	vst v10;
	v5 =	vld.idx.msk [tilespmem:v9+s12+$0x0], $0xffff;
	(pc) =	sbr.rel @p0 .LBB2_2-.Ltmp0, $4  }
0x66: {  	s0 =	sadd.s32 $0x2A03, s19;
	v8 =	vld.idx.msk [tilespmem:v13+s12+$0x0], $0xffff;
	[tilespmem:s17+$0xD0] =	vst v2  }
0x67: {  	s1 =	sadd.s32 $0x1802, s23;
	v4 =	vadd.s32 s0, v0;
	[tilespmem:s21+$0x10] =	vst v3;
	v3 =	vld.idx.msk [tilespmem:v14+s12+$0x0], $0xffff  }
0x68: {  	s25 =	sadd.s32 $0x1201, s23;
	s0 =	sadd.s32 $0x2A01, s19;
	v10 =	vadd.s32 s1, v0;
	v11 =	vld.idx.msk [tilespmem:v15+s12+$0x0], $0xffff;
	[tilespmem:s20+$0x1A0] =	vst v12  }
0x69: {  	s1 =	sadd.s32 $0x2A00, s19;
	s19 =	smov.u32 s23;
	v2 =	vadd.s32 s0, v0;
	s0 =	smov.u32 s24;
	[tilespmem:s20+$0xA0] =	vst v16;
	v9 =	vld.idx.msk [tilespmem:v17+s12+$0x0], $0xffff  }
0x6a: {  	v12 =	vadd.s32 s25, v0;
	s0 =	sadd.s32 $0x1200, s19  }
0x6b: {  	v13 =	vadd.s32 s0, v0;
	_ =	sdelay $0x2  }
0x6c: {  	s4 =	sadd.s32 $0x1803, s19  }
0x6d: {  	s6 =	sadd.s32 $0x1801, s19;
	[tilespmem:s21+$0x20] =	vst v11;
	v11 =	vld.idx.msk [tilespmem:v12+s12+$0x0], $0xffff;
	v12 =	vadd.s32 s4, v0  }
0x6e: {  	s22 =	sadd.s32 $0x1800, s19;
	v14 =	vadd.s32 s6, v0;
	v13 =	vld.idx.msk [tilespmem:v13+s12+$0x0], $0xffff  }
0x6f: {  	v15 =	vadd.s32 s22, v0  }
0x70: {  	[tilespmem:s20+$0x130] =	vst v8  }
0x71: {  	s23 =	sadd.s32 $0x1E02, s19;
	v8 =	vld.idx.msk [tilespmem:v10+s12+$0x0], $0xffff;
	[tilespmem:s20+$0x1B0] =	vst v9  }
0x72: {  	s24 =	sadd.s32 $0x1E03, s19;
	v9 =	vadd.s32 s23, v0;
	[tilespmem:s20+$0xB0] =	vst v11;
	v10 =	vld.idx.msk [tilespmem:v12+s12+$0x0], $0xffff  }
0x73: {  	s25 =	sadd.s32 $0x1E01, s19;
	v11 =	vadd.s32 s24, v0;
	[tilespmem:s21+$0x30] =	vst v13;
	v12 =	vld.idx.msk [tilespmem:v14+s12+$0x0], $0xffff  }
0x74: {  	[tilespmem:s18+$0x50] =	vst v6;
	s26 =	sadd.s32 $0x1E00, s19;
	v13 =	vadd.s32 s25, v0;
	v6 =	vld.idx.msk [tilespmem:v15+s12+$0x0], $0xffff  }
0x75: {  	[tilespmem:s17+$0x1E0] =	vst v5;
	v5 =	vadd.s32 s26, v0  }
0x76: {  	v7 =	vld.idx.msk [tilespmem:v7+s12+$0x0], $0xffff;
	[tilespmem:s20+$0x140] =	vst v8  }
0x77: {  	s28 =	sadd.s32 $0x2402, s19;
	v8 =	vld.idx.msk [tilespmem:v9+s12+$0x0], $0xffff;
	[tilespmem:s20+$0x1C0] =	vst v10  }
0x78: {  	s29 =	sadd.s32 $0x2403, s19;
	v9 =	vadd.s32 s28, v0;
	v10 =	vld.idx.msk [tilespmem:v11+s12+$0x0], $0xffff;
	[tilespmem:s20+$0xC0] =	vst v12  }
0x79: {  	s30 =	sadd.s32 $0x2401, s19;
	v11 =	vadd.s32 s29, v0;
	[tilespmem:s21+$0x40] =	vst v6;
	v6 =	vld.idx.msk [tilespmem:v13+s12+$0x0], $0xffff  }
0x7a: {  	s31 =	sadd.s32 $0x2400, s19;
	[tilespmem:s17+$0xE0] =	vst v3;
	v3 =	vadd.s32 s30, v0;
	v5 =	vld.idx.msk [tilespmem:v5+s12+$0x0], $0xffff  }
0x7b: {  	v1 =	vld.idx.msk [tilespmem:v1+s12+$0x0], $0xffff;
	[tilespmem:s17+$0x170] =	vst v7;
	v7 =	vadd.s32 s31, v0  }
0x7c: {  	v4 =	vld.idx.msk [tilespmem:v4+s12+$0x0], $0xffff;
	[tilespmem:s20+$0x150] =	vst v8  }
0x7d: {  	v8 =	vadd.s32 s1, v0;
	s1 =	sadd.s32 $0x2A02, s19;
	v9 =	vld.idx.msk [tilespmem:v9+s12+$0x0], $0xffff;
	[tilespmem:s20+$0x1D0] =	vst v10  }
0x7e: {  	s4 =	sadd.s32 $0x2A03, s19;
	v10 =	vadd.s32 s1, v0;
	v11 =	vld.idx.msk [tilespmem:v11+s12+$0x0], $0xffff;
	[tilespmem:s20+$0xD0] =	vst v6  }
0x7f: {  	s6 =	sadd.s32 $0x2A01, s19;
	v6 =	vadd.s32 s4, v0;
	v3 =	vld.idx.msk [tilespmem:v3+s12+$0x0], $0xffff;
	[tilespmem:s21+$0x50] =	vst v5  }
0x80: {  	[tilespmem:s18+$0x60] =	vst v1;
	v1 =	vadd.s32 s6, v0;
	s19 =	sadd.s32 $0x2A00, s19;
	v5 =	vld.idx.msk [tilespmem:v7+s12+$0x0], $0xffff  }
0x81: {  	v2 =	vld.idx.msk [tilespmem:v2+s12+$0x0], $0xffff;
	[tilespmem:s17+$0x1F0] =	vst v4;
	v4 =	vadd.s32 s19, v0  }
0x82: {  	[tilespmem:s20+$0x160] =	vst v9;
	v7 =	vld.idx.msk [tilespmem:v8+s12+$0x0], $0xffff  }
0x83: {  	v8 =	vld.idx.msk [tilespmem:v10+s12+$0x0], $0xffff;
	[tilespmem:s20+$0x1E0] =	vst v11  }
0x84: {  	v6 =	vld.idx.msk [tilespmem:v6+s12+$0x0], $0xffff;
	[tilespmem:s20+$0xE0] =	vst v3  }
0x85: {  	v1 =	vld.idx.msk [tilespmem:v1+s12+$0x0], $0xffff;
	[tilespmem:s21+$0x60] =	vst v5  }
0x86: {  	[tilespmem:s17+$0xF0] =	vst v2;
	v2 =	vld.idx.msk [tilespmem:v4+s12+$0x0], $0xffff  }
0x87: {  	[tilespmem:s18+$0x70] =	vst v7  }
0x88: {  	[tilespmem:s20+$0x170] =	vst v8  }
0x89: {  	[tilespmem:s20+$0x1F0] =	vst v6  }
0x8a: {  	s22 =	simm.s32 $0x3;
	[tilespmem:s20+$0xF0] =	vst v1  }
0x8b: {  	s23 =	simm.s32 $0x1;
	v1 =	vadd.s32 s22, v0;
	[tilespmem:s21+$0x70] =	vst v2  }
0x8c: {  	s24 =	simm.s32 $0x2;
	v2 =	vadd.s32 s23, v0;
	_ =	swait.ge [sflag:s15], $0x3000  }
0x8d: {  	s25 =	simm.s32 $0x0;
	v3 =	vadd.s32 s24, v0;
	[sflag:s15] =	ssyncset.done $0x0  }
0x8e: {  	v4 =	vadd.s32 s25, v0;
	[sflag:s15] =	ssyncadd.s32 $0xFFFFD000  }
0x8f: {  	[tilespmem:s12], [sflag:$0x1] =	stream.linear.gather [hbm4b:s8+s25], $0x3000, $0x38;
	[tilespmem:$0x1B480] =	vst v63  }
0x90: {  	s26 =	simm.s32 $0x603;
	v1 =	vld.idx.msk [tilespmem:v1+s14+$0x0], $0xffff  }
0x91: {  	s28 =	simm.s32 $0x0;
	s29 =	simm.s32 $0x601;
	v5 =	vadd.s32 s26, v0;
	v2 =	vld.idx.msk [tilespmem:v2+s14+$0x0], $0xffff  }
0x92: {  	s31 =	simm.s32 $0x602;
	s30 =	smul.u32 $0x18, s28;
	s4 =	simm.s32 $0x0;
	v6 =	vadd.s32 s29, v0;
	v3 =	vld.idx.msk [tilespmem:v3+s14+$0x0], $0xffff  }
0x93: {  	s6 =	simm.s32 $0x600;
	s1 =	sand.u32 $0x4, s25;
	v7 =	vadd.s32 s31, v0;
	s18 =	sand.u32 $0x3FFFF800, s4;
	v4 =	vld.idx.msk [tilespmem:v4+s14+$0x0], $0xffff  }
0x94: {  	s0 =	sor.u32 s1, s30;
	v8 =	vadd.s32 s6, v0;
	s22 =	sadd.s32 $0x0, s18  }
0x95: {  	s0 =	sshll.u32 s0, $0x7;
	[tilespmem:s22+$0x580] =	vst v1  }
0x96: {  	s0 =	sadd.s32 $0x400, s0;
	s20 =	simm.s32 $0xC03;
	[tilespmem:s22+$0x480] =	vst v2;
	v1 =	vld.idx.msk [tilespmem:v5+s14+$0x0], $0xffff  }
0x97: {  	s21 =	sand.u32 $0x3FFFFE00, s0;
	s23 =	simm.s32 $0xC01;
	[tilespmem:s22+$0x500] =	vst v3;
	v3 =	vadd.s32 s20, v0;
	v2 =	vld.idx.msk [tilespmem:v6+s14+$0x0], $0xffff  }
0x98: {  	s24 =	simm.s32 $0xC02;
	[tilespmem:s21+$0x0] =	vst v4;
	v4 =	vld.idx.msk [tilespmem:v7+s14+$0x0], $0xffff;
	v5 =	vadd.s32 s23, v0  }
0x99: {  	s25 =	simm.s32 $0xC00;
	v6 =	vld.idx.msk [tilespmem:v8+s14+$0x0], $0xffff;
	v7 =	vadd.s32 s24, v0  }
0x9a: {  	v8 =	vadd.s32 s25, v0  }
0x9b: {  	[tilespmem:s22+$0x590] =	vst v1  }
0x9c: {  	s17 =	simm.s32 $0x4;
	[tilespmem:s22+$0x490] =	vst v2;
	v3 =	vld.idx.msk [tilespmem:v3+s14+$0x0], $0xffff  }
0x9d: {  	v9 =	vadd.s32 s17, v0;
	s26 =	simm.s32 $0x6;
	[tilespmem:s22+$0x510] =	vst v4;
	v2 =	vld.idx.msk [tilespmem:v5+s14+$0x0], $0xffff  }
0x9e: {  	s31 =	simm.s32 $0x7;
	v1 =	vadd.s32 s26, v0;
	[tilespmem:s21+$0x10] =	vst v6;
	v5 =	vld.idx.msk [tilespmem:v7+s14+$0x0], $0xffff  }
0x9f: {  	s28 =	simm.s32 $0x1203;
	v10 =	vadd.s32 s31, v0;
	v7 =	vld.idx.msk [tilespmem:v8+s14+$0x0], $0xffff  }
0xa0: {  	s29 =	simm.s32 $0x1201;
	v4 =	vadd.s32 s28, v0  }
0xa1: {  	s30 =	simm.s32 $0x1202;
	s6 =	simm.s32 $0x0;
	v6 =	vadd.s32 s29, v0  }
0xa2: {  	s1 =	simm.s32 $0x1200;
	s18 =	smul.u32 $0x18, s6;
	v9 =	vld.idx.msk [tilespmem:v9+s14+$0x0], $0xffff;
	v8 =	vadd.s32 s30, v0  }
0xa3: {  	v11 =	vadd.s32 s1, v0;
	s20 =	sand.u32 $0x4, s17;
	s24 =	simm.s32 $0x604;
	v1 =	vld.idx.msk [tilespmem:v1+s14+$0x0], $0xffff;
	[tilespmem:s22+$0x5A0] =	vst v3  }
0xa4: {  	s4 =	simm.s32 $0x5;
	s0 =	sor.u32 s20, s18;
	v12 =	vadd.s32 s24, v0;
	[tilespmem:s21+$0x20] =	vst v7;
	v7 =	vld.idx.msk [tilespmem:v10+s14+$0x0], $0xffff  }
0xa5: {  	s19 =	simm.s32 $0x1803;
	s23 =	simm.s32 $0x1801;
	s0 =	sshll.u32 s0, $0x7;
	v3 =	vadd.s32 s4, v0;
	[tilespmem:s22+$0x4A0] =	vst v2;
	v2 =	vld.idx.msk [tilespmem:v4+s14+$0x0], $0xffff  }
0xa6: {  	s25 =	simm.s32 $0x607;
	s0 =	sadd.s32 $0x400, s0;
	s29 =	simm.s32 $0x400;
	[tilespmem:s22+$0x520] =	vst v5;
	v5 =	vadd.s32 s19, v0;
	v4 =	vld.idx.msk [tilespmem:v6+s14+$0x0], $0xffff  }
0xa7: {  	s30 =	sand.u32 $0x3FFFF800, s29;
	s19 =	sand.u32 $0x3FFFFE00, s0;
	v6 =	vld.idx.msk [tilespmem:v8+s14+$0x0], $0xffff;
	v8 =	vadd.s32 s23, v0  }
0xa8: {  	s20 =	simm.s32 $0x1802;
	s18 =	sadd.s32 $0x200, s30;
	v10 =	vadd.s32 s25, v0;
	v11 =	vld.idx.msk [tilespmem:v11+s14+$0x0], $0xffff;
	[tilespmem:s19+$0x0] =	vst v9  }
0xa9: {  	s26 =	simm.s32 $0x606;
	v9 =	vld.idx.msk [tilespmem:v12+s14+$0x0], $0xffff;
	v12 =	vadd.s32 s20, v0;
	[tilespmem:s18+$0x500] =	vst v1  }
0xaa: {  	s28 =	simm.s32 $0x605;
	v13 =	vadd.s32 s26, v0;
	[tilespmem:s22+$0x5B0] =	vst v2;
	v2 =	vld.idx.msk [tilespmem:v3+s14+$0x0], $0xffff  }
0xab: {  	s31 =	simm.s32 $0x1E03;
	v3 =	vadd.s32 s28, v0;
	[tilespmem:s22+$0x4B0] =	vst v4;
	v4 =	vld.idx.msk [tilespmem:v5+s14+$0x0], $0xffff  }
0xac: {  	s6 =	simm.s32 $0xC04;
	[tilespmem:s18+$0x580] =	vst v7;
	v5 =	vld.idx.msk [tilespmem:v8+s14+$0x0], $0xffff;
	v8 =	vadd.s32 s31, v0  }
0xad: {  	s4 =	simm.s32 $0x1E01;
	v1 =	vld.idx.msk [tilespmem:v10+s14+$0x0], $0xffff;
	v10 =	vadd.s32 s6, v0;
	[tilespmem:s22+$0x530] =	vst v6  }
0xae: {  	s20 =	simm.s32 $0x8;
	v7 =	vadd.s32 s4, v0;
	[tilespmem:s19+$0x10] =	vst v9;
	v12 =	vld.idx.msk [tilespmem:v12+s14+$0x0], $0xffff  }
0xaf: {  	s23 =	simm.s32 $0xC07;
	[tilespmem:s18+$0x480] =	vst v2;
	v2 =	vld.idx.msk [tilespmem:v13+s14+$0x0], $0xffff;
	v13 =	vadd.s32 s20, v0  }
0xb0: {  	s24 =	simm.s32 $0x1800;
	v3 =	vld.idx.msk [tilespmem:v3+s14+$0x0], $0xffff;
	[tilespmem:s22+$0x5C0] =	vst v4;
	v4 =	vadd.s32 s23, v0  }
0xb1: {  	s25 =	simm.s32 $0xC05;
	[tilespmem:s22+$0x4C0] =	vst v5;
	v5 =	vld.idx.msk [tilespmem:v8+s14+$0x0], $0xffff;
	v8 =	vadd.s32 s24, v0  }
0xb2: {  	s26 =	simm.s32 $0xC06;
	v9 =	vadd.s32 s25, v0;
	v6 =	vld.idx.msk [tilespmem:v10+s14+$0x0], $0xffff  }
0xb3: {  	s28 =	simm.s32 $0x2401;
	v10 =	vadd.s32 s26, v0;
	[tilespmem:s18+$0x590] =	vst v1;
	v7 =	vld.idx.msk [tilespmem:v7+s14+$0x0], $0xffff  }
0xb4: {  	s29 =	simm.s32 $0xA;
	v1 =	vadd.s32 s28, v0;
	[tilespmem:s22+$0x540] =	vst v12;
	v12 =	vld.idx.msk [tilespmem:v13+s14+$0x0], $0xffff  }
0xb5: {  	[tilespmem:s21+$0x30] =	vst v11;
	v11 =	vadd.s32 s29, v0;
	s26 =	simm.s32 $0x1204;
	v4 =	vld.idx.msk [tilespmem:v4+s14+$0x0], $0xffff  }
0xb6: {  	s30 =	simm.s32 $0x1E02;
	v13 =	vadd.s32 s26, v0;
	[tilespmem:s18+$0x490] =	vst v3;
	v3 =	vld.idx.msk [tilespmem:v8+s14+$0x0], $0xffff  }
0xb7: {  	s31 =	simm.s32 $0x1207;
	[tilespmem:s18+$0x510] =	vst v2;
	v2 =	vld.idx.msk [tilespmem:v9+s14+$0x0], $0xffff;
	v8 =	vadd.s32 s30, v0  }
0xb8: {  	s4 =	simm.s32 $0x1205;
	[tilespmem:s22+$0x4D0] =	vst v7;
	v7 =	vld.idx.msk [tilespmem:v10+s14+$0x0], $0xffff;
	v9 =	vadd.s32 s31, v0  }
0xb9: {  	s6 =	simm.s32 $0x1206;
	s24 =	simm.s32 $0x1;
	[tilespmem:s19+$0x20] =	vst v6;
	v10 =	vadd.s32 s4, v0;
	v14 =	vld.idx.msk [tilespmem:v1+s14+$0x0], $0xffff  }
0xba: {  	s23 =	simm.s32 $0x1E00;
	s25 =	smul.u32 $0x18, s24;
	[tilespmem:s22+$0x5D0] =	vst v5;
	v1 =	vld.idx.msk [tilespmem:v11+s14+$0x0], $0xffff;
	v11 =	vadd.s32 s6, v0  }
0xbb: {  	s28 =	simm.s32 $0xB;
	s24 =	sand.u32 $0x4, s20;
	v6 =	vadd.s32 s23, v0;
	v5 =	vld.idx.msk [tilespmem:v13+s14+$0x0], $0xffff;
	[tilespmem:s18+$0x5A0] =	vst v4  }
0xbc: {  	s29 =	simm.s32 $0x608;
	s0 =	sor.u32 s24, s25;
	v4 =	vld.idx.msk [tilespmem:v8+s14+$0x0], $0xffff;
	v8 =	vadd.s32 s28, v0;
	[tilespmem:s18+$0x4A0] =	vst v2  }
0xbd: {  	s0 =	sshll.u32 s0, $0x7;
	s30 =	simm.s32 $0x2402;
	v2 =	vld.idx.msk [tilespmem:v9+s14+$0x0], $0xffff;
	v9 =	vadd.s32 s29, v0;
	[tilespmem:s18+$0x520] =	vst v7  }
0xbe: {  	s31 =	simm.s32 $0x9;
	s0 =	sadd.s32 $0x400, s0;
	[tilespmem:s21+$0x40] =	vst v3;
	v3 =	vadd.s32 s30, v0;
	v10 =	vld.idx.msk [tilespmem:v10+s14+$0x0], $0xffff  }
0xbf: {  	s4 =	simm.s32 $0x1807;
	s23 =	sand.u32 $0x3FFFFE00, s0;
	v7 =	vld.idx.msk [tilespmem:v11+s14+$0x0], $0xffff;
	v11 =	vadd.s32 s31, v0  }
0xc0: {  	s1 =	simm.s32 $0x1805;
	[tilespmem:s23+$0x0] =	vst v12;
	v13 =	vadd.s32 s4, v0;
	v6 =	vld.idx.msk [tilespmem:v6+s14+$0x0], $0xffff  }
0xc1: {  	s6 =	simm.s32 $0x2403;
	v12 =	vadd.s32 s1, v0;
	v8 =	vld.idx.msk [tilespmem:v8+s14+$0x0], $0xffff;
	[tilespmem:s22+$0x550] =	vst v4  }
0xc2: {  	s24 =	simm.s32 $0x2400;
	v15 =	vld.idx.msk [tilespmem:v9+s14+$0x0], $0xffff;
	[tilespmem:s18+$0x5B0] =	vst v2;
	v2 =	vadd.s32 s6, v0  }
0xc3: {  	s25 =	simm.s32 $0x60B;
	v4 =	vadd.s32 s24, v0;
	[tilespmem:s18+$0x4B0] =	vst v10;
	v3 =	vld.idx.msk [tilespmem:v3+s14+$0x0], $0xffff  }
0xc4: {  	s26 =	simm.s32 $0x60A;
	s28 =	simm.s32 $0x800;
	v9 =	vadd.s32 s25, v0;
	v10 =	vld.idx.msk [tilespmem:v11+s14+$0x0], $0xffff;
	[tilespmem:s18+$0x530] =	vst v7  }
0xc5: {  	s30 =	simm.s32 $0x2A02;
	s29 =	sand.u32 $0x3FFFF800, s28;
	v7 =	vadd.s32 s26, v0;
	[tilespmem:s21+$0x50] =	vst v6;
	v6 =	vld.idx.msk [tilespmem:v13+s14+$0x0], $0xffff  }
0xc6: {  	s31 =	simm.s32 $0x609;
	[tilespmem:s19+$0x30] =	vst v5;
	v5 =	vadd.s32 s30, v0;
	s24 =	sadd.s32 $0x400, s29;
	v11 =	vld.idx.msk [tilespmem:v12+s14+$0x0], $0xffff  }
0xc7: {  	s1 =	simm.s32 $0x1E07;
	v12 =	vadd.s32 s31, v0;
	[tilespmem:s24+$0x580] =	vst v8;
	v8 =	vld.idx.msk [tilespmem:v2+s14+$0x0], $0xffff  }
0xc8: {  	s4 =	simm.s32 $0x1E05;
	[tilespmem:s24+$0x500] =	vst v1;
	v1 =	vadd.s32 s1, v0;
	v13 =	vld.idx.msk [tilespmem:v4+s14+$0x0], $0xffff  }
0xc9: {  	s6 =	simm.s32 $0x2A00;
	v2 =	vld.idx.msk [tilespmem:v9+s14+$0x0], $0xffff;
	v9 =	vadd.s32 s4, v0;
	[tilespmem:s22+$0x560] =	vst v3  }
0xca: {  	s25 =	simm.s32 $0x2A03;
	[tilespmem:s24+$0x480] =	vst v10;
	v16 =	vld.idx.msk [tilespmem:v7+s14+$0x0], $0xffff;
	v3 =	vadd.s32 s6, v0  }
0xcb: {  	s26 =	simm.s32 $0xC08;
	v7 =	vadd.s32 s25, v0;
	[tilespmem:s18+$0x5C0] =	vst v6;
	v5 =	vld.idx.msk [tilespmem:v5+s14+$0x0], $0xffff  }
0xcc: {  	v17 =	vadd.s32 s26, v0;
	[tilespmem:s18+$0x4C0] =	vst v11;
	v4 =	vld.idx.msk [tilespmem:v12+s14+$0x0], $0xffff  }
0xcd: {  	s28 =	simm.s32 $0x2A01;
	v1 =	vld.idx.msk [tilespmem:v1+s14+$0x0], $0xffff;
	[tilespmem:s22+$0x5E0] =	vst v8  }
0xce: {  	s29 =	simm.s32 $0x1806;
	v12 =	vadd.s32 s28, v0;
	[tilespmem:s21+$0x60] =	vst v13;
	v8 =	vld.idx.msk [tilespmem:v9+s14+$0x0], $0xffff  }
0xcf: {  	[tilespmem:s22+$0x4E0] =	vst v14;
	s30 =	simm.s32 $0xC0B;
	v11 =	vadd.s32 s29, v0;
	v6 =	vld.idx.msk [tilespmem:v3+s14+$0x0], $0xffff  }
0xd0: {  	s31 =	simm.s32 $0x1804;
	s26 =	simm.s32 $0xC09;
	[tilespmem:s23+$0x10] =	vst v15;
	v9 =	vadd.s32 s30, v0;
	v7 =	vld.idx.msk [tilespmem:v7+s14+$0x0], $0xffff  }
0xd1: {  	s0 =	simm.s32 $0xC;
	s1 =	simm.s32 $0xC0A;
	s25 =	simm.s32 $0x400;
	v10 =	vadd.s32 s31, v0;
	v13 =	vadd.s32 s26, v0;
	v3 =	vld.idx.msk [tilespmem:v17+s14+$0x0], $0xffff;
	[tilespmem:s24+$0x510] =	vst v16  }
.LBB2_4:
0xd2: {  	s29 =	sadd.s32 $0x1, s0  }
0xd3: {  	v14 =	vadd.s32 s0, v0;
	v15 =	vadd.s32 s1, v0;
	s1 =	sadd.s32 $0x2401, s17;
	v12 =	vld.idx.msk [tilespmem:v12+s14+$0x0], $0xffff;
	[tilespmem:s22+$0x570] =	vst v5;
	s28 =	smov.u32 s0;
	s26 =	sadd.s32 $0x4, s0  }
0xd4: {  	p0 =	slt.u32 s0, $0x5C;
	v5 =	vadd.s32 s29, v0;
	s29 =	sadd.s32 $0x2, s28;
	[tilespmem:s24+$0x590] =	vst v2;
	v2 =	vadd.s32 s1, v0;
	v11 =	vld.idx.msk [tilespmem:v11+s14+$0x0], $0xffff  }
0xd5: {  	s0 =	sadd.s32 $0x3, s28;
	v16 =	vadd.s32 s29, v0;
	v9 =	vld.idx.msk [tilespmem:v9+s14+$0x0], $0xffff;
	[tilespmem:s18+$0x4D0] =	vst v8  }
0xd6: {  	v8 =	vadd.s32 s0, v0;
	s0 =	sadd.s32 $0x1E02, s17;
	[tilespmem:s24+$0x490] =	vst v4;
	v4 =	vld.idx.msk [tilespmem:v10+s14+$0x0], $0xffff  }
0xd7: {  	s1 =	sshrl.u32 s28, $0x3;
	s29 =	sadd.s32 $0x1203, s20;
	v10 =	vld.idx.msk [tilespmem:v13+s14+$0x0], $0xffff;
	v13 =	vadd.s32 s0, v0;
	[tilespmem:s21+$0x70] =	vst v6;
	s21 =	smov.u32 s19  }
0xd8: {  	s0 =	smul.u32 $0x18, s1;
	s1 =	sadd.s32 $0x1201, s20;
	s19 =	sadd.s32 $0x1E00, s17;
	v6 =	vld.idx.msk [tilespmem:v15+s14+$0x0], $0xffff;
	v15 =	vadd.s32 s29, v0;
	[tilespmem:s22+$0x5F0] =	vst v7  }
0xd9: {  	s30 =	sadd.s32 $0x600, s28;
	s29 =	sand.u32 $0x4, s28;
	v7 =	vadd.s32 s1, v0;
	s1 =	sadd.s32 $0x1202, s20;
	v17 =	vld.idx.msk [tilespmem:v2+s14+$0x0], $0xffff;
	[tilespmem:s22+$0x4F0] =	vst v12  }
0xda: {  	s25 =	sadd.s32 $0x200, s25;
	s0 =	sor.u32 s29, s0;
	v2 =	vadd.s32 s30, v0;
	s22 =	sadd.s32 $0x601, s28;
	v12 =	vld.idx.msk [tilespmem:v16+s14+$0x0], $0xffff;
	v16 =	vadd.s32 s1, v0;
	[tilespmem:s18+$0x540] =	vst v11  }
0xdb: {  	s0 =	sshll.u32 s0, $0x7;
	s1 =	sadd.s32 $0x602, s28;
	v11 =	vld.idx.msk [tilespmem:v14+s14+$0x0], $0xffff;
	v14 =	vadd.s32 s22, v0;
	[tilespmem:s23+$0x20] =	vst v3;
	s22 =	sadd.s32 $0x1200, s20;
	v3 =	vadd.s32 s19, v0  }
0xdc: {  	s0 =	sadd.s32 $0x400, s0;
	s19 =	sshll.u32 s28, $0x8;
	v18 =	vadd.s32 s1, v0;
	s1 =	sadd.s32 $0x603, s28;
	v19 =	vadd.s32 s22, v0;
	[tilespmem:s24+$0x5A0] =	vst v9;
	v9 =	vld.idx.msk [tilespmem:v13+s14+$0x0], $0xffff  }
0xdd: {  	s22 =	sand.u32 $0x3FFFF800, s19;
	v13 =	vadd.s32 s1, v0;
	s19 =	smov.u32 s23;
	s23 =	sand.u32 $0x3FFFFE00, s0;
	[tilespmem:s24+$0x4A0] =	vst v10;
	v10 =	vld.idx.msk [tilespmem:v15+s14+$0x0], $0xffff  }
0xde: {  	s1 =	sadd.s32 $0x2402, s17;
	s0 =	sadd.s32 s22, s25;
	s22 =	smov.u32 s18;
	v7 =	vld.idx.msk [tilespmem:v7+s14+$0x0], $0xffff;
	[tilespmem:s24+$0x520] =	vst v6  }
0xdf: {  	s18 =	smov.u32 s24;
	s24 =	smov.u32 s0;
	v6 =	vld.idx.msk [tilespmem:v16+s14+$0x0], $0xffff;
	[tilespmem:s21+$0x40] =	vst v4;
	v4 =	vadd.s32 s1, v0  }
0xe0: {  	s0 =	sadd.s32 $0x1801, s20;
	v3 =	vld.idx.msk [tilespmem:v3+s14+$0x0], $0xffff;
	[tilespmem:s22+$0x5D0] =	vst v1  }
0xe1: {  	[tilespmem:s23+$0x0] =	vst v11;
	v1 =	vld.idx.msk [tilespmem:v19+s14+$0x0], $0xffff;
	v11 =	vadd.s32 s0, v0;
	s0 =	sadd.s32 $0x1803, s20  }
0xe2: {  	v8 =	vld.idx.msk [tilespmem:v8+s14+$0x0], $0xffff;
	v15 =	vadd.s32 s0, v0;
	[tilespmem:s22+$0x550] =	vst v9;
	s0 =	sadd.s32 $0x2403, s17  }
0xe3: {  	s1 =	sadd.s32 $0x2400, s17;
	v16 =	vld.idx.msk [tilespmem:v2+s14+$0x0], $0xffff;
	[tilespmem:s18+$0x5B0] =	vst v10;
	v2 =	vadd.s32 s0, v0  }
0xe4: {  	[tilespmem:s18+$0x4B0] =	vst v7;
	v7 =	vadd.s32 s1, v0;
	v4 =	vld.idx.msk [tilespmem:v4+s14+$0x0], $0xffff  }
0xe5: {  	v5 =	vld.idx.msk [tilespmem:v5+s14+$0x0], $0xffff;
	[tilespmem:s18+$0x530] =	vst v6  }
0xe6: {  	s0 =	sadd.s32 $0x2A02, s17;
	v6 =	vld.idx.msk [tilespmem:v11+s14+$0x0], $0xffff;
	[tilespmem:s21+$0x50] =	vst v3  }
0xe7: {  	v3 =	vadd.s32 s0, v0;
	[tilespmem:s19+$0x30] =	vst v1;
	v1 =	vld.idx.msk [tilespmem:v15+s14+$0x0], $0xffff  }
0xe8: {  	s0 =	sadd.s32 $0x1E03, s20;
	[tilespmem:s24+$0x580] =	vst v8;
	v8 =	vld.idx.msk [tilespmem:v2+s14+$0x0], $0xffff  }
0xe9: {  	s1 =	sadd.s32 $0x1E01, s20;
	v9 =	vadd.s32 s0, v0;
	[tilespmem:s24+$0x500] =	vst v12;
	v7 =	vld.idx.msk [tilespmem:v7+s14+$0x0], $0xffff  }
0xea: {  	v10 =	vadd.s32 s1, v0;
	s0 =	sadd.s32 $0x2A00, s17;
	v2 =	vld.idx.msk [tilespmem:v13+s14+$0x0], $0xffff;
	[tilespmem:s22+$0x560] =	vst v4  }
0xeb: {  	v13 =	vadd.s32 s0, v0;
	s0 =	sadd.s32 $0x2A03, s17;
	[tilespmem:s24+$0x480] =	vst v5;
	v15 =	vld.idx.msk [tilespmem:v18+s14+$0x0], $0xffff  }
0xec: {  	s1 =	sadd.s32 $0xC00, s28;
	[tilespmem:s18+$0x4C0] =	vst v6;
	v5 =	vld.idx.msk [tilespmem:v3+s14+$0x0], $0xffff;
	v3 =	vadd.s32 s0, v0  }
0xed: {  	v18 =	vadd.s32 s1, v0;
	s0 =	sadd.s32 $0x2A01, s17;
	s17 =	smov.u32 s20;
	s20 =	smov.u32 s28;
	v4 =	vld.idx.msk [tilespmem:v14+s14+$0x0], $0xffff;
	[tilespmem:s18+$0x5C0] =	vst v1  }
.Ltmp1:
0xee: {  	s1 =	sadd.s32 $0x1802, s17;
	v12 =	vadd.s32 s0, v0;
	v1 =	vld.idx.msk [tilespmem:v9+s14+$0x0], $0xffff;
	[tilespmem:s22+$0x5E0] =	vst v8;
	(pc) =	sbr.rel @p0 .LBB2_4-.Ltmp1, $4  }
0xef: {  	s0 =	sadd.s32 $0xC03, s20;
	v11 =	vadd.s32 s1, v0;
	v8 =	vld.idx.msk [tilespmem:v10+s14+$0x0], $0xffff;
	[tilespmem:s21+$0x60] =	vst v7  }
0xf0: {  	v9 =	vadd.s32 s0, v0;
	s0 =	sadd.s32 $0x1800, s17;
	v6 =	vld.idx.msk [tilespmem:v13+s14+$0x0], $0xffff;
	[tilespmem:s22+$0x4E0] =	vst v17  }
0xf1: {  	s1 =	sadd.s32 $0xC01, s20;
	v10 =	vadd.s32 s0, v0;
	[tilespmem:s23+$0x10] =	vst v16;
	v7 =	vld.idx.msk [tilespmem:v3+s14+$0x0], $0xffff  }
0xf2: {  	s0 =	smov.u32 s26;
	v13 =	vadd.s32 s1, v0;
	s1 =	sadd.s32 $0xC02, s20;
	v3 =	vld.idx.msk [tilespmem:v18+s14+$0x0], $0xffff;
	[tilespmem:s24+$0x510] =	vst v15  }
0xf3: {  	_ =	sdelay $0x2  }
0xf4: {  	v14 =	vadd.s32 s1, v0;
	[tilespmem:s22+$0x570] =	vst v5  }
0xf5: {  	v5 =	vld.idx.msk [tilespmem:v12+s14+$0x0], $0xffff;
	[tilespmem:s24+$0x590] =	vst v2  }
0xf6: {  	v2 =	vld.idx.msk [tilespmem:v11+s14+$0x0], $0xffff;
	[tilespmem:s24+$0x490] =	vst v4  }
0xf7: {  	s0 =	sadd.s32 $0x1E02, s17;
	[tilespmem:s18+$0x4D0] =	vst v8  }
0xf8: {  	s30 =	sadd.s32 $0x1201, s20;
	v4 =	vld.idx.msk [tilespmem:v13+s14+$0x0], $0xffff;
	v8 =	vadd.s32 s0, v0;
	[tilespmem:s21+$0x70] =	vst v6  }
0xf9: {  	s31 =	sadd.s32 $0x1202, s20;
	[tilespmem:s22+$0x5F0] =	vst v7;
	v7 =	vadd.s32 s30, v0;
	v6 =	vld.idx.msk [tilespmem:v14+s14+$0x0], $0xffff  }
0xfa: {  	s1 =	sadd.s32 $0x1200, s20;
	[tilespmem:s22+$0x4F0] =	vst v5;
	v5 =	vadd.s32 s31, v0  }
0xfb: {  	s4 =	sadd.s32 $0x1203, s20;
	v9 =	vld.idx.msk [tilespmem:v9+s14+$0x0], $0xffff;
	[tilespmem:s18+$0x540] =	vst v2;
	v2 =	vadd.s32 s1, v0  }
0xfc: {  	v10 =	vld.idx.msk [tilespmem:v10+s14+$0x0], $0xffff;
	s6 =	sadd.s32 $0x1E00, s17;
	v11 =	vadd.s32 s4, v0;
	[tilespmem:s23+$0x20] =	vst v3  }
0xfd: {  	s21 =	sadd.s32 $0x2402, s17;
	v3 =	vadd.s32 s6, v0;
	v8 =	vld.idx.msk [tilespmem:v8+s14+$0x0], $0xffff;
	[tilespmem:s24+$0x4A0] =	vst v4  }
0xfe: {  	s22 =	sadd.s32 $0x1801, s20;
	v4 =	vld.idx.msk [tilespmem:v7+s14+$0x0], $0xffff;
	[tilespmem:s24+$0x520] =	vst v6;
	v6 =	vadd.s32 s21, v0  }
0xff: {  	s25 =	sadd.s32 $0x1802, s20;
	[tilespmem:s18+$0x5D0] =	vst v1;
	v7 =	vadd.s32 s22, v0;
	v5 =	vld.idx.msk [tilespmem:v5+s14+$0x0], $0xffff  }
0x100: {  	s26 =	sadd.s32 $0x1800, s20;
	[tilespmem:s24+$0x5A0] =	vst v9;
	v9 =	vadd.s32 s25, v0;
	v2 =	vld.idx.msk [tilespmem:v2+s14+$0x0], $0xffff  }
0x101: {  	s28 =	sadd.s32 $0x1803, s20;
	v1 =	vadd.s32 s26, v0;
	[tilespmem:s19+$0x40] =	vst v10;
	v10 =	vld.idx.msk [tilespmem:v11+s14+$0x0], $0xffff  }
0x102: {  	s29 =	sadd.s32 $0x2403, s17;
	v11 =	vadd.s32 s28, v0;
	v3 =	vld.idx.msk [tilespmem:v3+s14+$0x0], $0xffff;
	[tilespmem:s18+$0x550] =	vst v8  }
0x103: {  	s30 =	sadd.s32 $0x2400, s17;
	v8 =	vadd.s32 s29, v0;
	[tilespmem:s24+$0x4B0] =	vst v4;
	v4 =	vld.idx.msk [tilespmem:v6+s14+$0x0], $0xffff  }
0x104: {  	s31 =	sadd.s32 $0x2401, s17;
	v6 =	vadd.s32 s30, v0;
	[tilespmem:s24+$0x530] =	vst v5;
	v5 =	vld.idx.msk [tilespmem:v7+s14+$0x0], $0xffff  }
0x105: {  	s4 =	sadd.s32 $0x1E02, s20;
	[tilespmem:s23+$0x30] =	vst v2;
	v7 =	vadd.s32 s31, v0;
	v2 =	vld.idx.msk [tilespmem:v9+s14+$0x0], $0xffff  }
0x106: {  	s6 =	sadd.s32 $0x1E00, s20;
	[tilespmem:s24+$0x5B0] =	vst v10;
	v1 =	vld.idx.msk [tilespmem:v1+s14+$0x0], $0xffff;
	v9 =	vadd.s32 s4, v0  }
0x107: {  	s21 =	sadd.s32 $0x1E03, s20;
	v10 =	vadd.s32 s6, v0;
	[tilespmem:s19+$0x50] =	vst v3;
	v3 =	vld.idx.msk [tilespmem:v11+s14+$0x0], $0xffff  }
0x108: {  	s22 =	sadd.s32 $0x1E01, s20;
	v11 =	vadd.s32 s21, v0;
	v8 =	vld.idx.msk [tilespmem:v8+s14+$0x0], $0xffff;
	[tilespmem:s18+$0x560] =	vst v4  }
0x109: {  	s25 =	sadd.s32 $0x2A02, s17;
	v4 =	vld.idx.msk [tilespmem:v6+s14+$0x0], $0xffff;
	v6 =	vadd.s32 s22, v0;
	[tilespmem:s24+$0x4C0] =	vst v5  }
0x10a: {  	s26 =	sadd.s32 $0x2A00, s17;
	v5 =	vld.idx.msk [tilespmem:v7+s14+$0x0], $0xffff;
	v7 =	vadd.s32 s25, v0;
	[tilespmem:s24+$0x540] =	vst v2  }
0x10b: {  	s28 =	sadd.s32 $0x2402, s20;
	[tilespmem:s23+$0x40] =	vst v1;
	v2 =	vadd.s32 s26, v0;
	v9 =	vld.idx.msk [tilespmem:v9+s14+$0x0], $0xffff  }
0x10c: {  	s29 =	sadd.s32 $0x2400, s20;
	[tilespmem:s24+$0x5C0] =	vst v3;
	v1 =	vadd.s32 s28, v0;
	v3 =	vld.idx.msk [tilespmem:v10+s14+$0x0], $0xffff  }
0x10d: {  	s30 =	sadd.s32 $0x2403, s20;
	[tilespmem:s18+$0x5E0] =	vst v8;
	v8 =	vadd.s32 s29, v0;
	v10 =	vld.idx.msk [tilespmem:v11+s14+$0x0], $0xffff  }
0x10e: {  	s31 =	sadd.s32 $0x2401, s20;
	v6 =	vld.idx.msk [tilespmem:v6+s14+$0x0], $0xffff;
	[tilespmem:s19+$0x60] =	vst v4;
	v4 =	vadd.s32 s30, v0  }
0x10f: {  	s4 =	sadd.s32 $0x2A03, s17;
	v7 =	vld.idx.msk [tilespmem:v7+s14+$0x0], $0xffff;
	[tilespmem:s18+$0x4E0] =	vst v5;
	v5 =	vadd.s32 s31, v0  }
0x110: {  	s6 =	sadd.s32 $0x2A01, s17;
	v11 =	vadd.s32 s4, v0;
	v2 =	vld.idx.msk [tilespmem:v2+s14+$0x0], $0xffff;
	[tilespmem:s24+$0x550] =	vst v9  }
0x111: {  	s17 =	sadd.s32 $0x2A02, s20;
	[tilespmem:s23+$0x50] =	vst v3;
	v9 =	vadd.s32 s6, v0;
	v1 =	vld.idx.msk [tilespmem:v1+s14+$0x0], $0xffff  }
0x112: {  	s21 =	sadd.s32 $0x2A00, s20;
	[tilespmem:s24+$0x5D0] =	vst v10;
	v3 =	vadd.s32 s17, v0;
	v8 =	vld.idx.msk [tilespmem:v8+s14+$0x0], $0xffff  }
0x113: {  	s22 =	sadd.s32 $0x2A03, s20;
	[tilespmem:s24+$0x4D0] =	vst v6;
	v4 =	vld.idx.msk [tilespmem:v4+s14+$0x0], $0xffff;
	v6 =	vadd.s32 s21, v0  }
0x114: {  	s25 =	sadd.s32 $0x2A01, s20;
	[tilespmem:s18+$0x570] =	vst v7;
	v5 =	vld.idx.msk [tilespmem:v5+s14+$0x0], $0xffff;
	v7 =	vadd.s32 s22, v0  }
0x115: {  	v10 =	vld.idx.msk [tilespmem:v11+s14+$0x0], $0xffff;
	[tilespmem:s19+$0x70] =	vst v2;
	v2 =	vadd.s32 s25, v0  }
0x116: {  	v9 =	vld.idx.msk [tilespmem:v9+s14+$0x0], $0xffff;
	[tilespmem:s24+$0x560] =	vst v1  }
0x117: {  	[tilespmem:s23+$0x60] =	vst v8;
	v1 =	vld.idx.msk [tilespmem:v3+s14+$0x0], $0xffff  }
0x118: {  	[tilespmem:s24+$0x5E0] =	vst v4;
	v3 =	vld.idx.msk [tilespmem:v6+s14+$0x0], $0xffff  }
0x119: {  	[tilespmem:s24+$0x4E0] =	vst v5;
	v4 =	vld.idx.msk [tilespmem:v7+s14+$0x0], $0xffff  }
0x11a: {  	[tilespmem:s18+$0x5F0] =	vst v10;
	v2 =	vld.idx.msk [tilespmem:v2+s14+$0x0], $0xffff  }
0x11b: {  	[tilespmem:s18+$0x4F0] =	vst v9  }
0x11c: {  	[tilespmem:s24+$0x570] =	vst v1  }
0x11d: {  	s26 =	simm.s32 $0x3;
	[tilespmem:s23+$0x70] =	vst v3  }
0x11e: {  	s28 =	simm.s32 $0x1;
	v1 =	vadd.s32 s26, v0;
	[tilespmem:s24+$0x5F0] =	vst v4  }
0x11f: {  	s29 =	simm.s32 $0x2;
	[tilespmem:s24+$0x4F0] =	vst v2;
	v2 =	vadd.s32 s28, v0  }
0x120: {  	s17 =	simm.s32 $0x0;
	v3 =	vadd.s32 s29, v0;
	_ =	swait.ge [sflag:s13], $0x3000  }
0x121: {  	v4 =	vadd.s32 s17, v0;
	[sflag:s13] =	ssyncset.done $0x0  }
0x122: {  	[sflag:s13] =	ssyncadd.s32 $0xFFFFD000  }
0x123: {  	s30 =	simm.s32 $0x603;
	v1 =	vld.idx.msk [tilespmem:v1+s12+$0x0], $0xffff  }
0x124: {  	s4 =	simm.s32 $0x601;
	s31 =	simm.s32 $0x0;
	v5 =	vadd.s32 s30, v0;
	v2 =	vld.idx.msk [tilespmem:v2+s12+$0x0], $0xffff  }
0x125: {  	s20 =	simm.s32 $0x0;
	s6 =	smul.u32 $0x18, s31;
	s19 =	simm.s32 $0x602;
	v6 =	vadd.s32 s4, v0;
	v3 =	vld.idx.msk [tilespmem:v3+s12+$0x0], $0xffff  }
0x126: {  	s21 =	sand.u32 $0x4, s17;
	s22 =	simm.s32 $0x600;
	v7 =	vadd.s32 s19, v0;
	s23 =	sand.u32 $0x3FFFF800, s20;
	v4 =	vld.idx.msk [tilespmem:v4+s12+$0x0], $0xffff  }
0x127: {  	s0 =	sor.u32 s21, s6;
	v8 =	vadd.s32 s22, v0;
	s23 =	sadd.s32 $0x0, s23  }
0x128: {  	s0 =	sshll.u32 s0, $0x7;
	[tilespmem:s23+$0x980] =	vst v1  }
0x129: {  	s0 =	sadd.s32 $0x800, s0;
	s24 =	simm.s32 $0xC03;
	v1 =	vld.idx.msk [tilespmem:v5+s12+$0x0], $0xffff;
	[tilespmem:s23+$0x880] =	vst v2  }
0x12a: {  	s25 =	simm.s32 $0xC01;
	s22 =	sand.u32 $0x3FFFFE00, s0;
	[tilespmem:s23+$0x900] =	vst v3;
	v3 =	vadd.s32 s24, v0;
	v2 =	vld.idx.msk [tilespmem:v6+s12+$0x0], $0xffff  }
0x12b: {  	s26 =	simm.s32 $0xC02;
	[tilespmem:s22+$0x0] =	vst v4;
	v4 =	vld.idx.msk [tilespmem:v7+s12+$0x0], $0xffff;
	v5 =	vadd.s32 s25, v0  }
0x12c: {  	s28 =	simm.s32 $0xC00;
	v7 =	vadd.s32 s26, v0;
	v6 =	vld.idx.msk [tilespmem:v8+s12+$0x0], $0xffff  }
0x12d: {  	v8 =	vadd.s32 s28, v0  }
0x12e: {  	s18 =	simm.s32 $0x4;
	[tilespmem:s23+$0x990] =	vst v1  }
0x12f: {  	v9 =	vadd.s32 s18, v0;
	s29 =	simm.s32 $0x6;
	v3 =	vld.idx.msk [tilespmem:v3+s12+$0x0], $0xffff;
	[tilespmem:s23+$0x890] =	vst v2  }
0x130: {  	s30 =	simm.s32 $0x1203;
	v1 =	vadd.s32 s29, v0;
	[tilespmem:s23+$0x910] =	vst v4;
	v2 =	vld.idx.msk [tilespmem:v5+s12+$0x0], $0xffff  }
0x131: {  	s6 =	simm.s32 $0x7;
	v4 =	vadd.s32 s30, v0;
	[tilespmem:s22+$0x10] =	vst v6;
	v5 =	vld.idx.msk [tilespmem:v7+s12+$0x0], $0xffff  }
0x132: {  	s31 =	simm.s32 $0x1201;
	v10 =	vadd.s32 s6, v0;
	v7 =	vld.idx.msk [tilespmem:v8+s12+$0x0], $0xffff  }
0x133: {  	s21 =	simm.s32 $0x0;
	s4 =	simm.s32 $0x1202;
	v6 =	vadd.s32 s31, v0  }
0x134: {  	s19 =	simm.s32 $0x1200;
	v9 =	vld.idx.msk [tilespmem:v9+s12+$0x0], $0xffff;
	s24 =	smul.u32 $0x18, s21;
	v8 =	vadd.s32 s4, v0  }
0x135: {  	v11 =	vadd.s32 s19, v0;
	s26 =	sand.u32 $0x4, s18;
	s29 =	simm.s32 $0x604;
	v1 =	vld.idx.msk [tilespmem:v1+s12+$0x0], $0xffff;
	[tilespmem:s23+$0x9A0] =	vst v3  }
0x136: {  	s20 =	simm.s32 $0x5;
	s0 =	sor.u32 s26, s24;
	v12 =	vadd.s32 s29, v0;
	[tilespmem:s23+$0x8A0] =	vst v2;
	v2 =	vld.idx.msk [tilespmem:v4+s12+$0x0], $0xffff  }
0x137: {  	s6 =	simm.s32 $0x400;
	s25 =	simm.s32 $0x1803;
	s0 =	sshll.u32 s0, $0x7;
	v3 =	vadd.s32 s20, v0;
	[tilespmem:s22+$0x20] =	vst v7;
	v7 =	vld.idx.msk [tilespmem:v10+s12+$0x0], $0xffff  }
0x138: {  	s21 =	sand.u32 $0x3FFFF800, s6;
	s28 =	simm.s32 $0x1801;
	s0 =	sadd.s32 $0x800, s0;
	[tilespmem:s23+$0x920] =	vst v5;
	v5 =	vadd.s32 s25, v0;
	v4 =	vld.idx.msk [tilespmem:v6+s12+$0x0], $0xffff  }
0x139: {  	s30 =	simm.s32 $0x607;
	s20 =	sand.u32 $0x3FFFFE00, s0;
	v6 =	vld.idx.msk [tilespmem:v8+s12+$0x0], $0xffff;
	v8 =	vadd.s32 s28, v0  }
0x13a: {  	s19 =	sadd.s32 $0x200, s21;
	v10 =	vadd.s32 s30, v0;
	[tilespmem:s20+$0x0] =	vst v9;
	v11 =	vld.idx.msk [tilespmem:v11+s12+$0x0], $0xffff;
	s28 =	simm.s32 $0x1802  }
0x13b: {  	s31 =	simm.s32 $0x606;
	v9 =	vld.idx.msk [tilespmem:v12+s12+$0x0], $0xffff;
	v12 =	vadd.s32 s28, v0;
	[tilespmem:s19+$0x900] =	vst v1  }
0x13c: {  	s4 =	simm.s32 $0x605;
	v13 =	vadd.s32 s31, v0;
	[tilespmem:s23+$0x9B0] =	vst v2;
	v2 =	vld.idx.msk [tilespmem:v3+s12+$0x0], $0xffff  }
0x13d: {  	s24 =	simm.s32 $0x1E03;
	v3 =	vadd.s32 s4, v0;
	[tilespmem:s23+$0x8B0] =	vst v4;
	v4 =	vld.idx.msk [tilespmem:v5+s12+$0x0], $0xffff  }
0x13e: {  	s26 =	simm.s32 $0xC04;
	[tilespmem:s19+$0x980] =	vst v7;
	v5 =	vld.idx.msk [tilespmem:v8+s12+$0x0], $0xffff;
	v8 =	vadd.s32 s24, v0  }
0x13f: {  	s25 =	simm.s32 $0x1E01;
	v1 =	vld.idx.msk [tilespmem:v10+s12+$0x0], $0xffff;
	v10 =	vadd.s32 s26, v0;
	[tilespmem:s23+$0x930] =	vst v6  }
0x140: {  	s21 =	simm.s32 $0x8;
	v7 =	vadd.s32 s25, v0;
	[tilespmem:s20+$0x10] =	vst v9;
	v12 =	vld.idx.msk [tilespmem:v12+s12+$0x0], $0xffff  }
0x141: {  	s29 =	simm.s32 $0xC07;
	[tilespmem:s19+$0x880] =	vst v2;
	v2 =	vld.idx.msk [tilespmem:v13+s12+$0x0], $0xffff;
	v13 =	vadd.s32 s21, v0  }
0x142: {  	s30 =	simm.s32 $0x1800;
	v3 =	vld.idx.msk [tilespmem:v3+s12+$0x0], $0xffff;
	[tilespmem:s23+$0x9C0] =	vst v4;
	v4 =	vadd.s32 s29, v0  }
0x143: {  	s31 =	simm.s32 $0xC05;
	[tilespmem:s23+$0x8C0] =	vst v5;
	v5 =	vld.idx.msk [tilespmem:v8+s12+$0x0], $0xffff;
	v8 =	vadd.s32 s30, v0  }
0x144: {  	s1 =	simm.s32 $0xC06;
	v9 =	vadd.s32 s31, v0;
	v6 =	vld.idx.msk [tilespmem:v10+s12+$0x0], $0xffff  }
0x145: {  	s4 =	simm.s32 $0x2401;
	v10 =	vadd.s32 s1, v0;
	[tilespmem:s19+$0x990] =	vst v1;
	v7 =	vld.idx.msk [tilespmem:v7+s12+$0x0], $0xffff  }
0x146: {  	s6 =	simm.s32 $0xA;
	v1 =	vadd.s32 s4, v0;
	[tilespmem:s23+$0x940] =	vst v12;
	v12 =	vld.idx.msk [tilespmem:v13+s12+$0x0], $0xffff  }
0x147: {  	[tilespmem:s22+$0x30] =	vst v11;
	v11 =	vadd.s32 s6, v0;
	s4 =	simm.s32 $0x1204;
	v4 =	vld.idx.msk [tilespmem:v4+s12+$0x0], $0xffff  }
0x148: {  	s24 =	simm.s32 $0x1E02;
	v13 =	vadd.s32 s4, v0;
	[tilespmem:s19+$0x890] =	vst v3;
	v3 =	vld.idx.msk [tilespmem:v8+s12+$0x0], $0xffff  }
0x149: {  	s25 =	simm.s32 $0x1207;
	[tilespmem:s19+$0x910] =	vst v2;
	v2 =	vld.idx.msk [tilespmem:v9+s12+$0x0], $0xffff;
	v8 =	vadd.s32 s24, v0  }
0x14a: {  	s26 =	simm.s32 $0x1205;
	v9 =	vadd.s32 s25, v0;
	[tilespmem:s23+$0x8D0] =	vst v7;
	v7 =	vld.idx.msk [tilespmem:v10+s12+$0x0], $0xffff  }
0x14b: {  	s29 =	simm.s32 $0x1;
	s30 =	simm.s32 $0x1E00;
	v10 =	vadd.s32 s26, v0;
	v14 =	vld.idx.msk [tilespmem:v1+s12+$0x0], $0xffff  }
0x14c: {  	s28 =	simm.s32 $0x1206;
	s31 =	smul.u32 $0x18, s29;
	[tilespmem:s20+$0x20] =	vst v6;
	v6 =	vadd.s32 s30, v0;
	v1 =	vld.idx.msk [tilespmem:v11+s12+$0x0], $0xffff  }
0x14d: {  	s6 =	simm.s32 $0xB;
	s25 =	sand.u32 $0x4, s21;
	[tilespmem:s23+$0x9D0] =	vst v5;
	v11 =	vadd.s32 s28, v0;
	v5 =	vld.idx.msk [tilespmem:v13+s12+$0x0], $0xffff  }
0x14e: {  	s26 =	simm.s32 $0x608;
	s0 =	sor.u32 s25, s31;
	[tilespmem:s19+$0x9A0] =	vst v4;
	v4 =	vld.idx.msk [tilespmem:v8+s12+$0x0], $0xffff;
	v8 =	vadd.s32 s6, v0  }
0x14f: {  	s0 =	sshll.u32 s0, $0x7;
	s28 =	simm.s32 $0x2402;
	[tilespmem:s19+$0x8A0] =	vst v2;
	v2 =	vld.idx.msk [tilespmem:v9+s12+$0x0], $0xffff;
	v9 =	vadd.s32 s26, v0  }
0x150: {  	s31 =	simm.s32 $0x1807;
	s0 =	sadd.s32 $0x800, s0;
	[tilespmem:s22+$0x40] =	vst v3;
	v3 =	vadd.s32 s28, v0;
	v10 =	vld.idx.msk [tilespmem:v10+s12+$0x0], $0xffff  }
0x151: {  	s29 =	simm.s32 $0x9;
	v13 =	vadd.s32 s31, v0;
	s24 =	sand.u32 $0x3FFFFE00, s0;
	[tilespmem:s19+$0x920] =	vst v7;
	v6 =	vld.idx.msk [tilespmem:v6+s12+$0x0], $0xffff  }
0x152: {  	s30 =	simm.s32 $0x1805;
	[tilespmem:s24+$0x0] =	vst v12;
	v7 =	vld.idx.msk [tilespmem:v11+s12+$0x0], $0xffff;
	v11 =	vadd.s32 s29, v0  }
0x153: {  	s1 =	simm.s32 $0x2403;
	v12 =	vadd.s32 s30, v0;
	v8 =	vld.idx.msk [tilespmem:v8+s12+$0x0], $0xffff;
	[tilespmem:s23+$0x950] =	vst v4  }
0x154: {  	s4 =	simm.s32 $0x2400;
	v15 =	vld.idx.msk [tilespmem:v9+s12+$0x0], $0xffff;
	[tilespmem:s19+$0x9B0] =	vst v2;
	v2 =	vadd.s32 s1, v0  }
0x155: {  	s6 =	simm.s32 $0x60B;
	v4 =	vadd.s32 s4, v0;
	[tilespmem:s19+$0x8B0] =	vst v10;
	v3 =	vld.idx.msk [tilespmem:v3+s12+$0x0], $0xffff  }
0x156: {  	s25 =	simm.s32 $0x60A;
	s26 =	simm.s32 $0x800;
	v9 =	vadd.s32 s6, v0;
	[tilespmem:s22+$0x50] =	vst v6;
	v6 =	vld.idx.msk [tilespmem:v13+s12+$0x0], $0xffff  }
0x157: {  	s28 =	sand.u32 $0x3FFFF800, s26;
	s29 =	simm.s32 $0x2A02;
	v10 =	vld.idx.msk [tilespmem:v11+s12+$0x0], $0xffff;
	[tilespmem:s19+$0x930] =	vst v7;
	v7 =	vadd.s32 s25, v0  }
0x158: {  	s26 =	simm.s32 $0x609;
	[tilespmem:s20+$0x30] =	vst v5;
	v5 =	vadd.s32 s29, v0;
	v11 =	vld.idx.msk [tilespmem:v12+s12+$0x0], $0xffff;
	s25 =	sadd.s32 $0x400, s28  }
0x159: {  	s30 =	simm.s32 $0x1E07;
	v12 =	vadd.s32 s26, v0;
	[tilespmem:s25+$0x980] =	vst v8;
	v8 =	vld.idx.msk [tilespmem:v2+s12+$0x0], $0xffff  }
0x15a: {  	s31 =	simm.s32 $0x1E05;
	[tilespmem:s25+$0x900] =	vst v1;
	v1 =	vadd.s32 s30, v0;
	v13 =	vld.idx.msk [tilespmem:v4+s12+$0x0], $0xffff  }
0x15b: {  	s4 =	simm.s32 $0x2A00;
	v2 =	vld.idx.msk [tilespmem:v9+s12+$0x0], $0xffff;
	v9 =	vadd.s32 s31, v0;
	[tilespmem:s23+$0x960] =	vst v3  }
0x15c: {  	s26 =	simm.s32 $0xC08;
	v3 =	vadd.s32 s4, v0;
	[tilespmem:s19+$0x9C0] =	vst v6;
	v16 =	vld.idx.msk [tilespmem:v7+s12+$0x0], $0xffff  }
0x15d: {  	s6 =	simm.s32 $0x2A03;
	v17 =	vadd.s32 s26, v0;
	[tilespmem:s25+$0x880] =	vst v10;
	v5 =	vld.idx.msk [tilespmem:v5+s12+$0x0], $0xffff  }
0x15e: {  	[tilespmem:s19+$0x8C0] =	vst v11;
	v7 =	vadd.s32 s6, v0;
	v4 =	vld.idx.msk [tilespmem:v12+s12+$0x0], $0xffff  }
0x15f: {  	s28 =	simm.s32 $0x2A01;
	v1 =	vld.idx.msk [tilespmem:v1+s12+$0x0], $0xffff;
	[tilespmem:s23+$0x9E0] =	vst v8  }
0x160: {  	s29 =	simm.s32 $0x1806;
	v12 =	vadd.s32 s28, v0;
	[tilespmem:s22+$0x60] =	vst v13;
	v8 =	vld.idx.msk [tilespmem:v9+s12+$0x0], $0xffff  }
0x161: {  	s30 =	simm.s32 $0xC0B;
	[tilespmem:s24+$0x10] =	vst v15;
	v11 =	vadd.s32 s29, v0;
	v6 =	vld.idx.msk [tilespmem:v3+s12+$0x0], $0xffff  }
0x162: {  	[tilespmem:s23+$0x8E0] =	vst v14;
	s31 =	simm.s32 $0x1804;
	s28 =	simm.s32 $0xC09;
	v9 =	vadd.s32 s30, v0;
	v3 =	vld.idx.msk [tilespmem:v17+s12+$0x0], $0xffff  }
0x163: {  	s0 =	simm.s32 $0xC;
	s1 =	simm.s32 $0xC0A;
	s26 =	simm.s32 $0x400;
	v10 =	vadd.s32 s31, v0;
	v13 =	vadd.s32 s28, v0;
	v7 =	vld.idx.msk [tilespmem:v7+s12+$0x0], $0xffff;
	[tilespmem:s25+$0x910] =	vst v16  }
.LBB2_6:
0x164: {  	s30 =	sadd.s32 $0x1, s0  }
0x165: {  	v14 =	vadd.s32 s0, v0;
	v15 =	vadd.s32 s1, v0;
	s1 =	sadd.s32 $0x2401, s18;
	v12 =	vld.idx.msk [tilespmem:v12+s12+$0x0], $0xffff;
	[tilespmem:s23+$0x970] =	vst v5;
	s29 =	smov.u32 s0;
	s28 =	sadd.s32 $0x4, s0  }
0x166: {  	p0 =	slt.u32 s0, $0x5C;
	v5 =	vadd.s32 s30, v0;
	s30 =	sadd.s32 $0x2, s29;
	[tilespmem:s25+$0x990] =	vst v2;
	v2 =	vadd.s32 s1, v0;
	v11 =	vld.idx.msk [tilespmem:v11+s12+$0x0], $0xffff  }
0x167: {  	s0 =	sadd.s32 $0x3, s29;
	v16 =	vadd.s32 s30, v0;
	v9 =	vld.idx.msk [tilespmem:v9+s12+$0x0], $0xffff;
	[tilespmem:s19+$0x8D0] =	vst v8  }
0x168: {  	v8 =	vadd.s32 s0, v0;
	s0 =	sadd.s32 $0x1E02, s18;
	[tilespmem:s25+$0x890] =	vst v4;
	v4 =	vld.idx.msk [tilespmem:v10+s12+$0x0], $0xffff  }
0x169: {  	s1 =	sshrl.u32 s29, $0x3;
	s30 =	sadd.s32 $0x1203, s21;
	v10 =	vld.idx.msk [tilespmem:v13+s12+$0x0], $0xffff;
	v13 =	vadd.s32 s0, v0;
	[tilespmem:s22+$0x70] =	vst v6;
	s22 =	smov.u32 s20  }
0x16a: {  	s0 =	smul.u32 $0x18, s1;
	s1 =	sadd.s32 $0x1201, s21;
	s20 =	sadd.s32 $0x1E00, s18;
	v6 =	vld.idx.msk [tilespmem:v15+s12+$0x0], $0xffff;
	v15 =	vadd.s32 s30, v0;
	[tilespmem:s23+$0x9F0] =	vst v7  }
0x16b: {  	s31 =	sadd.s32 $0x600, s29;
	s30 =	sand.u32 $0x4, s29;
	v7 =	vadd.s32 s1, v0;
	s1 =	sadd.s32 $0x1202, s21;
	v17 =	vld.idx.msk [tilespmem:v2+s12+$0x0], $0xffff;
	[tilespmem:s23+$0x8F0] =	vst v12  }
0x16c: {  	s26 =	sadd.s32 $0x200, s26;
	s0 =	sor.u32 s30, s0;
	v2 =	vadd.s32 s31, v0;
	s23 =	sadd.s32 $0x601, s29;
	v12 =	vld.idx.msk [tilespmem:v16+s12+$0x0], $0xffff;
	v16 =	vadd.s32 s1, v0;
	[tilespmem:s19+$0x940] =	vst v11  }
0x16d: {  	s0 =	sshll.u32 s0, $0x7;
	s1 =	sadd.s32 $0x602, s29;
	v11 =	vld.idx.msk [tilespmem:v14+s12+$0x0], $0xffff;
	v14 =	vadd.s32 s23, v0;
	[tilespmem:s24+$0x20] =	vst v3;
	s23 =	sadd.s32 $0x1200, s21;
	v3 =	vadd.s32 s20, v0  }
0x16e: {  	s0 =	sadd.s32 $0x800, s0;
	s20 =	sshll.u32 s29, $0x8;
	v18 =	vadd.s32 s1, v0;
	s1 =	sadd.s32 $0x603, s29;
	v19 =	vadd.s32 s23, v0;
	[tilespmem:s25+$0x9A0] =	vst v9;
	v9 =	vld.idx.msk [tilespmem:v13+s12+$0x0], $0xffff  }
0x16f: {  	s23 =	sand.u32 $0x3FFFF800, s20;
	v13 =	vadd.s32 s1, v0;
	s20 =	smov.u32 s24;
	s24 =	sand.u32 $0x3FFFFE00, s0;
	[tilespmem:s25+$0x8A0] =	vst v10;
	v10 =	vld.idx.msk [tilespmem:v15+s12+$0x0], $0xffff  }
0x170: {  	s1 =	sadd.s32 $0x2402, s18;
	s0 =	sadd.s32 s23, s26;
	s23 =	smov.u32 s19;
	v7 =	vld.idx.msk [tilespmem:v7+s12+$0x0], $0xffff;
	[tilespmem:s25+$0x920] =	vst v6  }
0x171: {  	s19 =	smov.u32 s25;
	s25 =	smov.u32 s0;
	v6 =	vld.idx.msk [tilespmem:v16+s12+$0x0], $0xffff;
	[tilespmem:s22+$0x40] =	vst v4;
	v4 =	vadd.s32 s1, v0  }
0x172: {  	s0 =	sadd.s32 $0x1801, s21;
	v3 =	vld.idx.msk [tilespmem:v3+s12+$0x0], $0xffff;
	[tilespmem:s23+$0x9D0] =	vst v1  }
0x173: {  	[tilespmem:s24+$0x0] =	vst v11;
	v1 =	vld.idx.msk [tilespmem:v19+s12+$0x0], $0xffff;
	v11 =	vadd.s32 s0, v0;
	s0 =	sadd.s32 $0x1803, s21  }
0x174: {  	v8 =	vld.idx.msk [tilespmem:v8+s12+$0x0], $0xffff;
	v15 =	vadd.s32 s0, v0;
	[tilespmem:s23+$0x950] =	vst v9;
	s0 =	sadd.s32 $0x2403, s18  }
0x175: {  	s1 =	sadd.s32 $0x2400, s18;
	v16 =	vld.idx.msk [tilespmem:v2+s12+$0x0], $0xffff;
	[tilespmem:s19+$0x9B0] =	vst v10;
	v2 =	vadd.s32 s0, v0  }
0x176: {  	[tilespmem:s19+$0x8B0] =	vst v7;
	v7 =	vadd.s32 s1, v0;
	v4 =	vld.idx.msk [tilespmem:v4+s12+$0x0], $0xffff  }
0x177: {  	v5 =	vld.idx.msk [tilespmem:v5+s12+$0x0], $0xffff;
	[tilespmem:s19+$0x930] =	vst v6  }
0x178: {  	s0 =	sadd.s32 $0x2A02, s18;
	v6 =	vld.idx.msk [tilespmem:v11+s12+$0x0], $0xffff;
	[tilespmem:s22+$0x50] =	vst v3  }
0x179: {  	v3 =	vadd.s32 s0, v0;
	[tilespmem:s20+$0x30] =	vst v1;
	v1 =	vld.idx.msk [tilespmem:v15+s12+$0x0], $0xffff  }
0x17a: {  	s0 =	sadd.s32 $0x1E03, s21;
	[tilespmem:s25+$0x980] =	vst v8;
	v8 =	vld.idx.msk [tilespmem:v2+s12+$0x0], $0xffff  }
0x17b: {  	s1 =	sadd.s32 $0x1E01, s21;
	v9 =	vadd.s32 s0, v0;
	[tilespmem:s25+$0x900] =	vst v12;
	v7 =	vld.idx.msk [tilespmem:v7+s12+$0x0], $0xffff  }
0x17c: {  	v10 =	vadd.s32 s1, v0;
	s0 =	sadd.s32 $0x2A00, s18;
	v2 =	vld.idx.msk [tilespmem:v13+s12+$0x0], $0xffff;
	[tilespmem:s23+$0x960] =	vst v4  }
0x17d: {  	v13 =	vadd.s32 s0, v0;
	s0 =	sadd.s32 $0x2A03, s18;
	[tilespmem:s25+$0x880] =	vst v5;
	v15 =	vld.idx.msk [tilespmem:v18+s12+$0x0], $0xffff  }
0x17e: {  	s1 =	sadd.s32 $0xC00, s29;
	[tilespmem:s19+$0x8C0] =	vst v6;
	v5 =	vld.idx.msk [tilespmem:v3+s12+$0x0], $0xffff;
	v3 =	vadd.s32 s0, v0  }
0x17f: {  	v18 =	vadd.s32 s1, v0;
	s0 =	sadd.s32 $0x2A01, s18;
	s18 =	smov.u32 s21;
	s21 =	smov.u32 s29;
	v4 =	vld.idx.msk [tilespmem:v14+s12+$0x0], $0xffff;
	[tilespmem:s19+$0x9C0] =	vst v1  }
.Ltmp2:
0x180: {  	s1 =	sadd.s32 $0x1802, s18;
	v12 =	vadd.s32 s0, v0;
	v1 =	vld.idx.msk [tilespmem:v9+s12+$0x0], $0xffff;
	[tilespmem:s23+$0x9E0] =	vst v8;
	(pc) =	sbr.rel @p0 .LBB2_6-.Ltmp2, $4  }
0x181: {  	s0 =	sadd.s32 $0xC03, s21;
	v11 =	vadd.s32 s1, v0;
	v8 =	vld.idx.msk [tilespmem:v10+s12+$0x0], $0xffff;
	[tilespmem:s22+$0x60] =	vst v7  }
0x182: {  	v9 =	vadd.s32 s0, v0;
	s0 =	sadd.s32 $0x1800, s18;
	v6 =	vld.idx.msk [tilespmem:v13+s12+$0x0], $0xffff;
	[tilespmem:s23+$0x8E0] =	vst v17  }
0x183: {  	s1 =	sadd.s32 $0xC01, s21;
	v10 =	vadd.s32 s0, v0;
	[tilespmem:s24+$0x10] =	vst v16;
	v7 =	vld.idx.msk [tilespmem:v3+s12+$0x0], $0xffff  }
0x184: {  	s0 =	smov.u32 s28;
	v13 =	vadd.s32 s1, v0;
	s1 =	sadd.s32 $0xC02, s21;
	v3 =	vld.idx.msk [tilespmem:v18+s12+$0x0], $0xffff;
	[tilespmem:s25+$0x910] =	vst v15  }
0x185: {  	_ =	sdelay $0x2  }
0x186: {  	v14 =	vadd.s32 s1, v0;
	[tilespmem:s23+$0x970] =	vst v5  }
0x187: {  	v32 =	vld.idx.msk [tilespmem:v12+s12+$0x0], $0xffff;
	[tilespmem:s25+$0x990] =	vst v2  }
0x188: {  	[tilespmem:s25+$0x890] =	vst v4  }
0x189: {  	v2 =	vld.idx.msk [tilespmem:v11+s12+$0x0], $0xffff;
	s0 =	sadd.s32 $0x1E02, s18;
	[tilespmem:s19+$0x8D0] =	vst v8  }
0x18a: {  	v33 =	vadd.s32 s0, v0;
	v9 =	vld.idx.msk [tilespmem:v9+s12+$0x0], $0xffff;
	[tilespmem:s22+$0x70] =	vst v6;
	s22 =	sadd.s32 $0x1203, s21  }
0x18b: {  	s4 =	sadd.s32 $0x1202, s21;
	[tilespmem:s23+$0x9F0] =	vst v7;
	v37 =	vadd.s32 s22, v0;
	v34 =	vld.idx.msk [tilespmem:v14+s12+$0x0], $0xffff  }
0x18c: {  	v10 =	vld.idx.msk [tilespmem:v10+s12+$0x0], $0xffff;
	v36 =	vadd.s32 s4, v0;
	[tilespmem:s23+$0x8F0] =	vst v32;
	s23 =	sadd.s32 $0x1E00, s18  }
0x18d: {  	s6 =	sadd.s32 $0x1200, s21;
	[tilespmem:s24+$0x20] =	vst v3;
	v3 =	vadd.s32 s23, v0  }
0x18e: {  	s1 =	sadd.s32 $0x1201, s21;
	v4 =	vld.idx.msk [tilespmem:v13+s12+$0x0], $0xffff;
	[tilespmem:s19+$0x940] =	vst v2;
	v2 =	vadd.s32 s6, v0  }
0x18f: {  	v35 =	vadd.s32 s1, v0;
	s22 =	sadd.s32 $0x2401, s18;
	v8 =	vld.idx.msk [tilespmem:v33+s12+$0x0], $0xffff;
	[tilespmem:s25+$0x9A0] =	vst v9  }
0x190: {  	s4 =	sadd.s32 $0x2403, s18;
	v47 =	vadd.s32 s22, v0;
	v41 =	vld.idx.msk [tilespmem:v37+s12+$0x0], $0xffff;
	[tilespmem:s25+$0x920] =	vst v34  }
0x191: {  	s31 =	sadd.s32 $0x1803, s21;
	v43 =	vadd.s32 s4, v0;
	[tilespmem:s20+$0x40] =	vst v10;
	v5 =	vld.idx.msk [tilespmem:v36+s12+$0x0], $0xffff  }
0x192: {  	s29 =	sadd.s32 $0x1802, s21;
	[tilespmem:s19+$0x9D0] =	vst v1;
	v42 =	vadd.s32 s31, v0;
	v3 =	vld.idx.msk [tilespmem:v3+s12+$0x0], $0xffff  }
0x193: {  	s30 =	sadd.s32 $0x1800, s21;
	v40 =	vadd.s32 s29, v0;
	[tilespmem:s25+$0x8A0] =	vst v4;
	v2 =	vld.idx.msk [tilespmem:v2+s12+$0x0], $0xffff  }
0x194: {  	s28 =	sadd.s32 $0x1801, s21;
	v1 =	vadd.s32 s30, v0;
	v4 =	vld.idx.msk [tilespmem:v35+s12+$0x0], $0xffff;
	[tilespmem:s19+$0x950] =	vst v8  }
0x195: {  	s26 =	sadd.s32 $0x2402, s18;
	v39 =	vadd.s32 s28, v0;
	v53 =	vld.idx.msk [tilespmem:v47+s12+$0x0], $0xffff;
	[tilespmem:s25+$0x9B0] =	vst v41  }
0x196: {  	v38 =	vadd.s32 s26, v0;
	s6 =	sadd.s32 $0x2400, s18;
	v8 =	vld.idx.msk [tilespmem:v43+s12+$0x0], $0xffff;
	[tilespmem:s25+$0x930] =	vst v5  }
0x197: {  	s28 =	sadd.s32 $0x1E03, s21;
	v45 =	vadd.s32 s6, v0;
	[tilespmem:s20+$0x50] =	vst v3;
	v3 =	vld.idx.msk [tilespmem:v42+s12+$0x0], $0xffff  }
0x198: {  	v50 =	vadd.s32 s28, v0;
	s23 =	sadd.s32 $0x1E02, s21;
	[tilespmem:s24+$0x30] =	vst v2;
	v2 =	vld.idx.msk [tilespmem:v40+s12+$0x0], $0xffff  }
0x199: {  	s26 =	sadd.s32 $0x1E00, s21;
	v48 =	vadd.s32 s23, v0;
	[tilespmem:s25+$0x8B0] =	vst v4;
	v1 =	vld.idx.msk [tilespmem:v1+s12+$0x0], $0xffff  }
0x19a: {  	s29 =	sadd.s32 $0x1E01, s21;
	v49 =	vadd.s32 s26, v0;
	v46 =	vld.idx.msk [tilespmem:v39+s12+$0x0], $0xffff;
	[tilespmem:s19+$0x8E0] =	vst v53  }
0x19b: {  	v52 =	vadd.s32 s29, v0;
	s23 =	sadd.s32 $0x2A03, s18;
	v44 =	vld.idx.msk [tilespmem:v38+s12+$0x0], $0xffff;
	[tilespmem:s19+$0x9E0] =	vst v8  }
0x19c: {  	s31 =	sadd.s32 $0x2A00, s18;
	v59 =	vadd.s32 s23, v0;
	v51 =	vld.idx.msk [tilespmem:v45+s12+$0x0], $0xffff;
	[tilespmem:s25+$0x9C0] =	vst v3  }
0x19d: {  	s6 =	sadd.s32 $0x2403, s21;
	[tilespmem:s25+$0x940] =	vst v2;
	v2 =	vadd.s32 s31, v0;
	v55 =	vld.idx.msk [tilespmem:v50+s12+$0x0], $0xffff  }
0x19e: {  	s1 =	sadd.s32 $0x2402, s21;
	v57 =	vadd.s32 s6, v0;
	[tilespmem:s24+$0x40] =	vst v1;
	v9 =	vld.idx.msk [tilespmem:v48+s12+$0x0], $0xffff  }
0x19f: {  	s4 =	sadd.s32 $0x2400, s21;
	[tilespmem:s25+$0x8C0] =	vst v46;
	v1 =	vadd.s32 s1, v0;
	v3 =	vld.idx.msk [tilespmem:v49+s12+$0x0], $0xffff  }
0x1a0: {  	v56 =	vadd.s32 s4, v0;
	s22 =	sadd.s32 $0x2401, s21;
	[tilespmem:s19+$0x960] =	vst v44;
	v6 =	vld.idx.msk [tilespmem:v52+s12+$0x0], $0xffff  }
0x1a1: {  	s30 =	sadd.s32 $0x2A02, s18;
	v58 =	vadd.s32 s22, v0;
	v63 =	vld.idx.msk [tilespmem:v59+s12+$0x0], $0xffff;
	[tilespmem:s20+$0x60] =	vst v51  }
0x1a2: {  	v54 =	vadd.s32 s30, v0;
	s26 =	sadd.s32 $0x2A01, s18;
	v2 =	vld.idx.msk [tilespmem:v2+s12+$0x0], $0xffff;
	[tilespmem:s25+$0x9D0] =	vst v55  }
0x1a3: {  	s30 =	sadd.s32 $0x2A03, s21;
	v60 =	vadd.s32 s26, v0;
	[tilespmem:s25+$0x950] =	vst v9;
	v4 =	vld.idx.msk [tilespmem:v57+s12+$0x0], $0xffff  }
0x1a4: {  	s28 =	sadd.s32 $0x2A02, s21;
	v62 =	vadd.s32 s30, v0;
	[tilespmem:s24+$0x50] =	vst v3;
	v1 =	vld.idx.msk [tilespmem:v1+s12+$0x0], $0xffff  }
0x1a5: {  	s29 =	sadd.s32 $0x2A00, s21;
	[tilespmem:s25+$0x8D0] =	vst v6;
	v3 =	vadd.s32 s28, v0;
	v8 =	vld.idx.msk [tilespmem:v56+s12+$0x0], $0xffff  }
0x1a6: {  	v61 =	vadd.s32 s29, v0;
	s31 =	sadd.s32 $0x2A01, s21;
	[tilespmem:s19+$0x9F0] =	vst v63;
	v5 =	vld.idx.msk [tilespmem:v58+s12+$0x0], $0xffff  }
0x1a7: {  	v7 =	vld.idx.msk [tilespmem:v54+s12+$0x0], $0xffff;
	[tilespmem:s20+$0x70] =	vst v2;
	v2 =	vadd.s32 s31, v0  }
0x1a8: {  	v9 =	vld.idx.msk [tilespmem:v60+s12+$0x0], $0xffff;
	[tilespmem:s25+$0x9E0] =	vst v4  }
0x1a9: {  	[tilespmem:s25+$0x960] =	vst v1;
	v4 =	vld.idx.msk [tilespmem:v62+s12+$0x0], $0xffff  }
0x1aa: {  	[tilespmem:s24+$0x60] =	vst v8;
	v1 =	vld.idx.msk [tilespmem:v3+s12+$0x0], $0xffff  }
0x1ab: {  	[tilespmem:s25+$0x8E0] =	vst v5;
	v3 =	vld.idx.msk [tilespmem:v61+s12+$0x0], $0xffff  }
0x1ac: {  	[tilespmem:s19+$0x970] =	vst v7;
	v2 =	vld.idx.msk [tilespmem:v2+s12+$0x0], $0xffff  }
0x1ad: {  	[tilespmem:s19+$0x8F0] =	vst v9  }
0x1ae: {  	[tilespmem:s25+$0x9F0] =	vst v4  }
0x1af: {  	[tilespmem:s25+$0x970] =	vst v1  }
0x1b0: {  	[tilespmem:s24+$0x70] =	vst v3  }
0x1b1: {  	s18 =	simm.s32 $0x0;
	[tilespmem:s25+$0x8F0] =	vst v2  }
.LBB2_8:
0x1b2: {  	s0 =	sadd.s32 $0x0, s17  }
0x1b3: {  	s1 =	sadd.s32 $0x3, s0  }
0x1b4: {  	p0 =	seq.s32 s18, $0x0;
	v1 =	vmov s1  }
0x1b5: {  	s1 =	simm.s32 @!p0 $0x1  }
0x1b6: {  	_ =	swait.ge @!p0 [sflag:s1], $0x9000  }
0x1b7: {  	s19 =	simm.s32 $0x0;
	[sflag:s1] =	ssyncset.done @!p0 $0x0  }
0x1b8: {  	s23 =	sand.u32 $0x3FFFF800, s19;
	[sflag:s1] =	ssyncadd.s32 @!p0 $0xFFFF7000  }
0x1b9: {  	s19 =	sadd.s32 $0x0, s23;
	v10 =	vld.idx.msk [tilespmem:v1+s10+$0x0], $0xffff  }
0x1ba: {  	v1 =	vld [tilespmem:s19+$0x180];
	_ =	sdelay $0x4  }
0x1bb: {  	v1 =	vadd.f32 v1, v10  }
0x1bc: {  	s20 =	sadd.s32 $0x9480, s23  }
0x1bd: {  	[tilespmem:s20+$0x180] =	vst v1  }
0x1be: {  	v1 =	vld [tilespmem:s19+$0x190];
	_ =	sdelay $0x4  }
0x1bf: {  	s24 =	sadd.s32 $0x1, s0;
	v1 =	vadd.f32 v1, v10  }
0x1c0: {  	v2 =	vmov s24  }
0x1c1: {  	[tilespmem:s20+$0x190] =	vst v1;
	v1 =	vand.u32 $0xFFFFFFFD, v2  }
0x1c2: {  	v2 =	vld [tilespmem:s19+$0x1A0];
	v1 =	vbroadcast v1, $0x0;
	_ =	sdelay $0x3  }
0x1c3: {  	s25 =	sadd.s32 $0x2, s0  }
0x1c4: {  	v3 =	vmov s25;
	v4 =	vld [tilespmem:s19+$0x80];
	v2 =	vadd.f32 v2, v10  }
0x1c5: {  	v3 =	vand.u32 $0xFFFFFFFE, v3;
	v9 =	vld.idx.msk [tilespmem:v1+s10+$0x0], $0xffff  }
0x1c6: {  	v1 =	vbroadcast v3, $0x0;
	[tilespmem:s20+$0x1A0] =	vst v2  }
0x1c7: {  	v2 =	vld [tilespmem:s19+$0x1B0];
	_ =	sdelay $0x2  }
0x1c8: {  	v3 =	vadd.f32 v4, v9;
	_ =	sdelay $0x1  }
0x1c9: {  	v8 =	vld.idx.msk [tilespmem:v1+s10+$0x0], $0xffff;
	v2 =	vadd.f32 v2, v10;
	[tilespmem:s20+$0x80] =	vst v3  }
0x1ca: {  	v1 =	vld [tilespmem:s19+$0x90]  }
0x1cb: {  	[tilespmem:s20+$0x1B0] =	vst v2  }
0x1cc: {  	v2 =	vld [tilespmem:s19+$0x1C0]  }
0x1cd: {  	v3 =	vld [tilespmem:s19+$0x100];
	_ =	sdelay $0x1  }
0x1ce: {  	v1 =	vadd.f32 v1, v9;
	_ =	sdelay $0x1  }
0x1cf: {  	v2 =	vadd.f32 v2, v10;
	[tilespmem:s20+$0x90] =	vst v1  }
0x1d0: {  	v3 =	vadd.f32 v3, v8;
	v1 =	vld [tilespmem:s19+$0xA0]  }
0x1d1: {  	[tilespmem:s20+$0x1C0] =	vst v2  }
0x1d2: {  	[tilespmem:s20+$0x100] =	vst v3;
	v2 =	vld [tilespmem:s19+$0x1D0]  }
0x1d3: {  	v3 =	vld [tilespmem:s19+$0x110];
	_ =	sdelay $0x1  }
0x1d4: {  	v1 =	vadd.f32 v1, v9;
	_ =	sdelay $0x1  }
0x1d5: {  	v2 =	vadd.f32 v2, v10;
	[tilespmem:s20+$0xA0] =	vst v1  }
0x1d6: {  	v3 =	vadd.f32 v3, v8;
	v1 =	vld [tilespmem:s19+$0xB0]  }
0x1d7: {  	[tilespmem:s20+$0x1D0] =	vst v2  }
0x1d8: {  	[tilespmem:s20+$0x110] =	vst v3;
	v2 =	vld [tilespmem:s19+$0x1E0]  }
0x1d9: {  	v3 =	vld [tilespmem:s19+$0x120];
	_ =	sdelay $0x1  }
0x1da: {  	v1 =	vadd.f32 v1, v9;
	_ =	sdelay $0x1  }
0x1db: {  	v2 =	vadd.f32 v2, v10;
	[tilespmem:s20+$0xB0] =	vst v1  }
0x1dc: {  	v3 =	vadd.f32 v3, v8;
	v1 =	vld [tilespmem:s19+$0xC0]  }
0x1dd: {  	[tilespmem:s20+$0x1E0] =	vst v2  }
0x1de: {  	[tilespmem:s20+$0x120] =	vst v3;
	v2 =	vld [tilespmem:s19+$0x1F0]  }
0x1df: {  	v3 =	vld [tilespmem:s19+$0x130];
	_ =	sdelay $0x1  }
0x1e0: {  	v1 =	vadd.f32 v1, v9  }
0x1e1: {  	s4 =	simm.s32 $0x400  }
0x1e2: {  	s6 =	sand.u32 $0x3FFFF800, s4;
	v2 =	vadd.f32 v2, v10;
	[tilespmem:s20+$0xC0] =	vst v1  }
0x1e3: {  	s26 =	simm.s32 $0x0;
	s21 =	sadd.s32 $0x200, s6;
	v3 =	vadd.f32 v3, v8;
	v1 =	vld [tilespmem:s19+$0xD0]  }
0x1e4: {  	s30 =	simm.s32 $0x0;
	v51 =	vld [tilespmem:s21+$0x180];
	v4 =	vmov s0;
	s0 =	smul.u32 $0x18, s26;
	[tilespmem:s20+$0x1F0] =	vst v2  }
0x1e5: {  	s1 =	sand.u32 $0x4, s30;
	[tilespmem:s20+$0x130] =	vst v3;
	v2 =	vld [tilespmem:s19+$0x580]  }
0x1e6: {  	s0 =	sor.u32 s1, s0;
	v3 =	vld [tilespmem:s19+$0x140]  }
0x1e7: {  	v54 =	vld [tilespmem:s21+$0x100];
	s23 =	sshll.u32 s0, $0x7  }
0x1e8: {  	v11 =	vld [tilespmem:s23+$0x20];
	v1 =	vadd.f32 v1, v9  }
0x1e9: {  	v5 =	vld [tilespmem:s23+$0x10]  }
0x1ea: {  	v12 =	vld [tilespmem:s23+$0x40];
	v2 =	vadd.f32 v2, v10;
	[tilespmem:s20+$0xD0] =	vst v1  }
0x1eb: {  	v3 =	vadd.f32 v3, v8;
	v1 =	vld [tilespmem:s19+$0xE0]  }
0x1ec: {  	v13 =	vld [tilespmem:s23+$0x840];
	[tilespmem:s20+$0x580] =	vst v2  }
0x1ed: {  	[tilespmem:s20+$0x140] =	vst v3;
	v2 =	vld [tilespmem:s19+$0x590]  }
0x1ee: {  	v3 =	vld [tilespmem:s19+$0x150]  }
0x1ef: {  	v14 =	vld [tilespmem:s23+$0x420]  }
0x1f0: {  	v15 =	vld [tilespmem:s23+$0x60];
	v1 =	vadd.f32 v1, v9  }
0x1f1: {  	v4 =	vand.u32 $0xFFFFFFFC, v4;
	v16 =	vld [tilespmem:s23+$0x30]  }
0x1f2: {  	v4 =	vbroadcast v4, $0x0;
	v17 =	vld [tilespmem:s23+$0x870];
	v2 =	vadd.f32 v2, v10;
	[tilespmem:s20+$0xE0] =	vst v1  }
0x1f3: {  	v3 =	vadd.f32 v3, v8;
	v1 =	vld [tilespmem:s19+$0xF0]  }
0x1f4: {  	v18 =	vld [tilespmem:s23+$0x400];
	[tilespmem:s20+$0x590] =	vst v2  }
0x1f5: {  	[tilespmem:s20+$0x150] =	vst v3;
	v2 =	vld [tilespmem:s19+$0x5A0]  }
0x1f6: {  	v3 =	vld [tilespmem:s19+$0x160]  }
0x1f7: {  	v19 =	vld [tilespmem:s23+$0x50]  }
0x1f8: {  	v4 =	vld.idx.msk [tilespmem:v4+s10+$0x0], $0xffff;
	v1 =	vadd.f32 v1, v9  }
0x1f9: {  	v20 =	vld [tilespmem:s23+$0x70]  }
0x1fa: {  	v7 =	vld [tilespmem:s23+$0x0];
	v2 =	vadd.f32 v2, v10;
	[tilespmem:s20+$0xF0] =	vst v1  }
0x1fb: {  	s24 =	sadd.s32 $0x4, s17;
	v3 =	vadd.f32 v3, v8;
	v1 =	vld [tilespmem:s19+$0x480]  }
0x1fc: {  	s31 =	sadd.s32 $0x3, s24;
	v21 =	vld [tilespmem:s23+$0x410];
	[tilespmem:s20+$0x5A0] =	vst v2  }
0x1fd: {  	v24 =	vadd.f32 v5, v4;
	[tilespmem:s20+$0x160] =	vst v3;
	v3 =	vmov s31;
	v2 =	vld [tilespmem:s19+$0x5B0]  }
0x1fe: {  	v11 =	vadd.f32 v11, v4;
	v22 =	vld [tilespmem:s19+$0x170]  }
0x1ff: {  	v23 =	vld [tilespmem:s23+$0x430];
	v14 =	vadd.f32 v14, v4;
	[tilespmem:s23+$0x9490] =	vst v24  }
0x200: {  	s1 =	sadd.s32 $0x2, s24;
	v6 =	vld [tilespmem:s23+$0x440];
	[tilespmem:s23+$0x94A0] =	vst v11;
	v1 =	vadd.f32 v1, v9  }
0x201: {  	v25 =	vmov s1;
	v58 =	vld [tilespmem:s23+$0x820];
	v13 =	vadd.f32 v13, v4;
	[tilespmem:s23+$0x98A0] =	vst v14  }
0x202: {  	v49 =	vand.u32 $0xFFFFFFFE, v25;
	v50 =	vadd.f32 v2, v10;
	v2 =	vld.idx.msk [tilespmem:v3+s10+$0x0], $0xffff;
	[tilespmem:s20+$0x480] =	vst v1  }
0x203: {  	[tilespmem:s23+$0x9CC0] =	vst v13;
	v3 =	vadd.f32 v22, v8;
	v1 =	vbroadcast v49, $0x0;
	v52 =	vld [tilespmem:s19+$0x490]  }
0x204: {  	v61 =	vld [tilespmem:s23+$0x830];
	v12 =	vadd.f32 v12, v4;
	[tilespmem:s20+$0x5B0] =	vst v50  }
0x205: {  	v15 =	vadd.f32 v15, v4;
	[tilespmem:s20+$0x170] =	vst v3;
	v3 =	vld [tilespmem:s19+$0x5C0]  }
0x206: {  	s22 =	sadd.s32 $0x1, s24;
	v14 =	vadd.f32 v16, v4;
	[tilespmem:s23+$0x94C0] =	vst v12;
	v11 =	vld [tilespmem:s19+$0x500]  }
0x207: {  	s25 =	simm.s32 $0x0;
	v53 =	vmov s22;
	v63 =	vld [tilespmem:s23+$0x850];
	[tilespmem:s23+$0x94E0] =	vst v15;
	v22 =	vadd.f32 v51, v2  }
0x208: {  	s22 =	sadd.s32 $0x9680, s6;
	s26 =	simm.s32 $0x4;
	s0 =	smul.u32 $0x18, s25;
	v28 =	vld [tilespmem:s23+$0x860];
	[tilespmem:s23+$0x94B0] =	vst v14;
	v14 =	vand.u32 $0xFFFFFFFD, v53;
	v24 =	vadd.f32 v52, v9  }
0x209: {  	s1 =	sand.u32 $0x4, s26;
	v18 =	vadd.f32 v18, v4;
	v14 =	vbroadcast v14, $0x0;
	v1 =	vld.idx.msk [tilespmem:v1+s10+$0x0], $0xffff;
	[tilespmem:s22+$0x180] =	vst v22  }
0x20a: {  	s0 =	sor.u32 s1, s0;
	v3 =	vadd.f32 v3, v10;
	[tilespmem:s20+$0x490] =	vst v24;
	v22 =	vld [tilespmem:s21+$0x190]  }
0x20b: {  	s26 =	sshll.u32 s0, $0x7;
	[tilespmem:s23+$0x9880] =	vst v18;
	v11 =	vadd.f32 v11, v8;
	v24 =	vld [tilespmem:s19+$0x4A0]  }
0x20c: {  	v30 =	vld [tilespmem:s26+$0x10];
	v17 =	vadd.f32 v17, v4;
	[tilespmem:s20+$0x5C0] =	vst v3  }
0x20d: {  	v3 =	vadd.f32 v19, v4;
	[tilespmem:s20+$0x500] =	vst v11;
	v11 =	vld [tilespmem:s19+$0x5D0]  }
0x20e: {  	[tilespmem:s23+$0x9CF0] =	vst v17;
	v19 =	vld [tilespmem:s21+$0x80];
	v25 =	vadd.f32 v54, v1  }
0x20f: {  	[tilespmem:s23+$0x94D0] =	vst v3;
	v3 =	vld.idx.msk [tilespmem:v14+s10+$0x0], $0xffff;
	v14 =	vadd.f32 v22, v2  }
0x210: {  	v32 =	vld [tilespmem:s26+$0x30];
	[tilespmem:s22+$0x100] =	vst v25;
	v55 =	vadd.f32 v24, v9  }
0x211: {  	v59 =	vadd.f32 v23, v4;
	v56 =	vld [tilespmem:s21+$0x110];
	[tilespmem:s22+$0x190] =	vst v14  }
0x212: {  	v11 =	vadd.f32 v11, v10;
	[tilespmem:s20+$0x4A0] =	vst v55;
	v57 =	vld [tilespmem:s21+$0x1A0]  }
0x213: {  	[tilespmem:s23+$0x98B0] =	vst v59;
	v14 =	vadd.f32 v20, v4;
	v22 =	vld [tilespmem:s19+$0x4B0]  }
0x214: {  	v16 =	vld [tilespmem:s23+$0x460];
	[tilespmem:s20+$0x5D0] =	vst v11;
	v11 =	vadd.f32 v19, v3  }
0x215: {  	v7 =	vadd.f32 v7, v4;
	[tilespmem:s23+$0x94F0] =	vst v14;
	v14 =	vld [tilespmem:s19+$0x5E0]  }
0x216: {  	v12 =	vld [tilespmem:s19+$0x510];
	[tilespmem:s22+$0x80] =	vst v11;
	v11 =	vadd.f32 v56, v1  }
0x217: {  	[tilespmem:s23+$0x9480] =	vst v7;
	v18 =	vld [tilespmem:s21+$0x90];
	v20 =	vadd.f32 v57, v2  }
0x218: {  	v13 =	vld [tilespmem:s23+$0x470];
	v22 =	vadd.f32 v22, v9;
	[tilespmem:s22+$0x110] =	vst v11  }
0x219: {  	v6 =	vadd.f32 v6, v4;
	v11 =	vld [tilespmem:s21+$0x120];
	[tilespmem:s22+$0x1A0] =	vst v20  }
0x21a: {  	v14 =	vadd.f32 v14, v10;
	[tilespmem:s20+$0x4B0] =	vst v22;
	v20 =	vld [tilespmem:s21+$0x1B0]  }
0x21b: {  	[tilespmem:s23+$0x98C0] =	vst v6;
	v12 =	vadd.f32 v12, v8;
	v60 =	vld [tilespmem:s19+$0x4C0]  }
0x21c: {  	v62 =	vmov s24;
	v15 =	vld [tilespmem:s23+$0x800];
	[tilespmem:s20+$0x5E0] =	vst v14;
	v14 =	vadd.f32 v18, v3  }
0x21d: {  	v19 =	vld [tilespmem:s23+$0x810];
	[tilespmem:s20+$0x510] =	vst v12;
	v22 =	vand.u32 $0xFFFFFFFC, v62;
	v18 =	vadd.f32 v21, v4  }
0x21e: {  	v17 =	vld [tilespmem:s19+$0x5F0];
	v11 =	vadd.f32 v11, v1;
	[tilespmem:s22+$0x90] =	vst v14;
	v14 =	vbroadcast v22, $0x0  }
0x21f: {  	v12 =	vld [tilespmem:s19+$0x520];
	[tilespmem:s23+$0x9890] =	vst v18;
	v20 =	vadd.f32 v20, v2  }
0x220: {  	v18 =	vld [tilespmem:s21+$0xA0];
	[tilespmem:s22+$0x120] =	vst v11;
	v11 =	vadd.f32 v60, v9  }
0x221: {  	v16 =	vadd.f32 v16, v4;
	v29 =	vld [tilespmem:s21+$0x130];
	[tilespmem:s22+$0x1B0] =	vst v20  }
0x222: {  	v20 =	vld [tilespmem:s21+$0x1C0];
	[tilespmem:s20+$0x4C0] =	vst v11;
	v11 =	vadd.f32 v13, v4  }
0x223: {  	[tilespmem:s23+$0x98E0] =	vst v16;
	v17 =	vadd.f32 v17, v10;
	v13 =	vld [tilespmem:s19+$0x4D0]  }
0x224: {  	v12 =	vadd.f32 v12, v8;
	[tilespmem:s23+$0x98F0] =	vst v11;
	v11 =	vld.idx.msk [tilespmem:v14+s10+$0x0], $0xffff  }
0x225: {  	[tilespmem:s20+$0x5F0] =	vst v17;
	v16 =	vadd.f32 v18, v3;
	v14 =	vld [tilespmem:s26+$0x20]  }
0x226: {  	v15 =	vadd.f32 v15, v4;
	[tilespmem:s20+$0x520] =	vst v12;
	v17 =	vld [tilespmem:s19+$0x980]  }
0x227: {  	v12 =	vld [tilespmem:s26+$0x40];
	v18 =	vadd.f32 v29, v1;
	[tilespmem:s22+$0xA0] =	vst v16  }
0x228: {  	[tilespmem:s23+$0x9C80] =	vst v15;
	v15 =	vld [tilespmem:s21+$0xB0];
	v16 =	vadd.f32 v20, v2  }
0x229: {  	v6 =	vld [tilespmem:s26+$0x60];
	[tilespmem:s22+$0x130] =	vst v18;
	v13 =	vadd.f32 v13, v9  }
0x22a: {  	v18 =	vld [tilespmem:s21+$0x140];
	[tilespmem:s22+$0x1C0] =	vst v16;
	v14 =	vadd.f32 v14, v11  }
0x22b: {  	v16 =	vadd.f32 v17, v10;
	v17 =	vadd.f32 v19, v4;
	v19 =	vld [tilespmem:s21+$0x1D0];
	[tilespmem:s20+$0x4D0] =	vst v13  }
0x22c: {  	v12 =	vadd.f32 v12, v11;
	v13 =	vld [tilespmem:s19+$0x4E0];
	[tilespmem:s26+$0x94A0] =	vst v14  }
0x22d: {  	v33 =	vld [tilespmem:s26+$0x870];
	[tilespmem:s20+$0x980] =	vst v16;
	v15 =	vadd.f32 v15, v3  }
0x22e: {  	v6 =	vadd.f32 v6, v11;
	[tilespmem:s26+$0x94C0] =	vst v12;
	v16 =	vld [tilespmem:s19+$0x990]  }
0x22f: {  	v38 =	vld [tilespmem:s26+$0x430];
	v18 =	vadd.f32 v18, v1;
	[tilespmem:s22+$0xB0] =	vst v15  }
0x230: {  	[tilespmem:s26+$0x94E0] =	vst v6;
	v7 =	vld [tilespmem:s21+$0xC0];
	v15 =	vadd.f32 v19, v2  }
0x231: {  	v40 =	vld [tilespmem:s26+$0x810];
	[tilespmem:s22+$0x140] =	vst v18;
	v13 =	vadd.f32 v13, v9  }
0x232: {  	v23 =	vadd.f32 v33, v11;
	v18 =	vld [tilespmem:s21+$0x150];
	[tilespmem:s22+$0x1D0] =	vst v15  }
0x233: {  	v15 =	vadd.f32 v16, v10;
	v31 =	vld [tilespmem:s21+$0x1E0];
	[tilespmem:s20+$0x4E0] =	vst v13  }
0x234: {  	[tilespmem:s26+$0x9CF0] =	vst v23;
	v16 =	vadd.f32 v58, v4;
	v13 =	vld [tilespmem:s19+$0x4F0]  }
0x235: {  	v41 =	vld [tilespmem:s26+$0x820];
	[tilespmem:s20+$0x990] =	vst v15;
	v7 =	vadd.f32 v7, v3  }
0x236: {  	[tilespmem:s23+$0x9CA0] =	vst v16;
	v16 =	vadd.f32 v61, v4;
	v15 =	vld [tilespmem:s19+$0x9A0]  }
0x237: {  	v5 =	vld [tilespmem:s23+$0x450];
	v18 =	vadd.f32 v18, v1;
	[tilespmem:s22+$0xC0] =	vst v7  }
0x238: {  	[tilespmem:s23+$0x9CB0] =	vst v16;
	v7 =	vld [tilespmem:s21+$0xD0];
	v16 =	vadd.f32 v31, v2  }
0x239: {  	v56 =	vld [tilespmem:s26+$0x850];
	[tilespmem:s22+$0x150] =	vst v18;
	v13 =	vadd.f32 v13, v9  }
0x23a: {  	v18 =	vld [tilespmem:s21+$0x160];
	[tilespmem:s22+$0x1E0] =	vst v16  }
0x23b: {  	v15 =	vadd.f32 v15, v10;
	v34 =	vld [tilespmem:s21+$0x1F0];
	[tilespmem:s20+$0x4F0] =	vst v13  }
0x23c: {  	[tilespmem:s23+$0x9C90] =	vst v17;
	v16 =	vadd.f32 v28, v4;
	v35 =	vld [tilespmem:s19+$0x880]  }
0x23d: {  	v14 =	vld [tilespmem:s26+$0x0];
	[tilespmem:s20+$0x9A0] =	vst v15;
	v7 =	vadd.f32 v7, v3  }
0x23e: {  	v13 =	vadd.f32 v63, v4;
	v4 =	vadd.f32 v5, v4;
	[tilespmem:s23+$0x9CE0] =	vst v16;
	v15 =	vld [tilespmem:s19+$0x9B0]  }
0x23f: {  	v19 =	vld [tilespmem:s26+$0x420];
	v16 =	vadd.f32 v18, v1;
	[tilespmem:s22+$0xD0] =	vst v7  }
0x240: {  	[tilespmem:s23+$0x98D0] =	vst v4;
	v4 =	vld [tilespmem:s21+$0xE0];
	v7 =	vadd.f32 v34, v2  }
0x241: {  	v18 =	vld [tilespmem:s26+$0x70];
	[tilespmem:s22+$0x160] =	vst v16;
	v16 =	vadd.f32 v35, v9  }
0x242: {  	v14 =	vadd.f32 v14, v11;
	v36 =	vld [tilespmem:s21+$0x170];
	[tilespmem:s22+$0x1F0] =	vst v7  }
0x243: {  	v7 =	vadd.f32 v15, v10;
	v37 =	vld [tilespmem:s21+$0x580];
	[tilespmem:s20+$0x880] =	vst v16  }
0x244: {  	[tilespmem:s26+$0x9480] =	vst v14;
	v15 =	vadd.f32 v30, v11;
	v16 =	vld [tilespmem:s19+$0x890]  }
0x245: {  	v17 =	vld [tilespmem:s26+$0x840];
	[tilespmem:s20+$0x9B0] =	vst v7;
	v4 =	vadd.f32 v4, v3  }
0x246: {  	[tilespmem:s26+$0x9490] =	vst v15;
	v15 =	vadd.f32 v19, v11;
	v7 =	vld [tilespmem:s19+$0x9C0]  }
0x247: {  	v5 =	vld [tilespmem:s26+$0x400];
	v22 =	vadd.f32 v36, v1;
	[tilespmem:s22+$0xE0] =	vst v4  }
0x248: {  	[tilespmem:s26+$0x98A0] =	vst v15;
	v4 =	vld [tilespmem:s21+$0xF0];
	v15 =	vadd.f32 v37, v2  }
0x249: {  	v6 =	vadd.f32 v18, v11;
	v18 =	vld [tilespmem:s26+$0x800];
	[tilespmem:s22+$0x170] =	vst v22;
	v16 =	vadd.f32 v16, v9  }
0x24a: {  	v22 =	vld [tilespmem:s21+$0x500];
	[tilespmem:s22+$0x580] =	vst v15  }
0x24b: {  	v15 =	vadd.f32 v17, v11;
	v7 =	vadd.f32 v7, v10;
	v17 =	vld [tilespmem:s21+$0x590];
	[tilespmem:s20+$0x890] =	vst v16  }
0x24c: {  	s25 =	simm.s32 $0x800;
	[tilespmem:s23+$0x9CD0] =	vst v13;
	v39 =	vld [tilespmem:s19+$0x8A0]  }
0x24d: {  	s1 =	sand.u32 $0x3FFFF800, s25;
	v13 =	vld [tilespmem:s26+$0x50];
	[tilespmem:s20+$0x9C0] =	vst v7;
	v4 =	vadd.f32 v4, v3  }
0x24e: {  	s23 =	sadd.s32 $0x400, s1;
	[tilespmem:s26+$0x94F0] =	vst v6;
	v18 =	vadd.f32 v18, v11;
	v7 =	vld [tilespmem:s19+$0x9D0]  }
0x24f: {  	v47 =	vld [tilespmem:s23+$0x180];
	v22 =	vadd.f32 v22, v1;
	[tilespmem:s22+$0xF0] =	vst v4  }
0x250: {  	[tilespmem:s26+$0x9C80] =	vst v18;
	v4 =	vld [tilespmem:s21+$0x480];
	v12 =	vadd.f32 v17, v2  }
0x251: {  	v19 =	vld [tilespmem:s26+$0x410];
	[tilespmem:s22+$0x500] =	vst v22;
	v21 =	vadd.f32 v39, v9  }
0x252: {  	v22 =	vld [tilespmem:s21+$0x510];
	[tilespmem:s22+$0x590] =	vst v12;
	v12 =	vadd.f32 v13, v11  }
0x253: {  	v7 =	vadd.f32 v7, v10;
	v13 =	vld [tilespmem:s21+$0x5A0];
	[tilespmem:s20+$0x8A0] =	vst v21  }
0x254: {  	v21 =	vld [tilespmem:s19+$0x8B0];
	[tilespmem:s26+$0x94D0] =	vst v12  }
0x255: {  	v12 =	vld [tilespmem:s19+$0x530];
	[tilespmem:s20+$0x9D0] =	vst v7;
	v4 =	vadd.f32 v4, v3  }
0x256: {  	v16 =	vadd.f32 v32, v11;
	[tilespmem:s26+$0x9CC0] =	vst v15;
	v7 =	vld [tilespmem:s19+$0x9E0]  }
0x257: {  	v15 =	vld [tilespmem:s26+$0x440];
	v22 =	vadd.f32 v22, v1;
	[tilespmem:s22+$0x480] =	vst v4  }
0x258: {  	[tilespmem:s26+$0x94B0] =	vst v16;
	v4 =	vadd.f32 v5, v11;
	v5 =	vld [tilespmem:s21+$0x490]  }
0x259: {  	s30 =	sadd.s32 $0x8, s17;
	v16 =	vld [tilespmem:s26+$0x460];
	v6 =	vadd.f32 v13, v2;
	[tilespmem:s22+$0x510] =	vst v22  }
0x25a: {  	s31 =	sadd.s32 $0x1, s30;
	v17 =	vld [tilespmem:s26+$0x470];
	[tilespmem:s26+$0x9880] =	vst v4;
	v4 =	vadd.f32 v21, v9  }
0x25b: {  	s4 =	sadd.s32 $0x2, s30;
	s6 =	sadd.s32 $0x3, s30;
	v12 =	vadd.f32 v12, v8;
	v13 =	vld [tilespmem:s21+$0x520];
	[tilespmem:s22+$0x5A0] =	vst v6;
	v6 =	vadd.f32 v7, v10;
	v7 =	vmov s31  }
0x25c: {  	v42 =	vmov s4;
	v43 =	vld [tilespmem:s21+$0x5B0];
	[tilespmem:s20+$0x8B0] =	vst v4;
	v4 =	vand.u32 $0xFFFFFFFD, v7;
	v7 =	vmov s6  }
0x25d: {  	v22 =	vand.u32 $0xFFFFFFFE, v42;
	[tilespmem:s20+$0x530] =	vst v12;
	v12 =	vld [tilespmem:s19+$0x8C0];
	v4 =	vbroadcast v4, $0x0;
	v5 =	vadd.f32 v5, v3  }
0x25e: {  	v15 =	vadd.f32 v15, v11;
	v22 =	vbroadcast v22, $0x0;
	v26 =	vld [tilespmem:s19+$0x540];
	[tilespmem:s20+$0x9E0] =	vst v6  }
0x25f: {  	v6 =	vadd.f32 v38, v11;
	v44 =	vld [tilespmem:s19+$0x9F0];
	[tilespmem:s22+$0x490] =	vst v5  }
0x260: {  	[tilespmem:s26+$0x98C0] =	vst v15;
	v5 =	vadd.f32 v19, v11;
	v19 =	vld [tilespmem:s21+$0x4A0]  }
0x261: {  	v16 =	vadd.f32 v16, v11;
	[tilespmem:s26+$0x98B0] =	vst v6;
	v6 =	vld.idx.msk [tilespmem:v7+s10+$0x0], $0xffff  }
0x262: {  	[tilespmem:s26+$0x9890] =	vst v5;
	v5 =	vadd.f32 v17, v11;
	v7 =	vmov s30;
	v17 =	vld [tilespmem:s23+$0x80];
	s30 =	simm.s32 $0x1  }
0x263: {  	[tilespmem:s26+$0x98E0] =	vst v16;
	s31 =	simm.s32 $0x8;
	v16 =	vadd.f32 v26, v8;
	v7 =	vand.u32 $0xFFFFFFFC, v7;
	s0 =	smul.u32 $0x18, s30;
	v4 =	vld.idx.msk [tilespmem:v4+s10+$0x0], $0xffff  }
0x264: {  	v21 =	vadd.f32 v41, v11;
	s24 =	sand.u32 $0x4, s31;
	[tilespmem:s26+$0x98F0] =	vst v5;
	v7 =	vbroadcast v7, $0x0;
	v5 =	vld.idx.msk [tilespmem:v22+s10+$0x0], $0xffff  }
0x265: {  	v13 =	vadd.f32 v13, v1;
	[tilespmem:s20+$0x540] =	vst v16;
	v16 =	vld [tilespmem:s23+$0x100];
	s0 =	sor.u32 s24, s0  }
0x266: {  	[tilespmem:s26+$0x9CA0] =	vst v21;
	v45 =	vadd.f32 v43, v2;
	v18 =	vadd.f32 v19, v3;
	v19 =	vld [tilespmem:s19+$0x550];
	s24 =	sshll.u32 s0, $0x7  }
0x267: {  	[tilespmem:s22+$0x520] =	vst v13;
	v14 =	vld [tilespmem:s24+$0x20]  }
0x268: {  	v12 =	vadd.f32 v12, v9;
	[tilespmem:s22+$0x5B0] =	vst v45;
	v15 =	vld [tilespmem:s24+$0x40]  }
0x269: {  	v10 =	vadd.f32 v44, v10;
	[tilespmem:s22+$0x4A0] =	vst v18;
	v18 =	vld [tilespmem:s21+$0x5C0]  }
0x26a: {  	[tilespmem:s20+$0x8C0] =	vst v12;
	v13 =	vadd.f32 v16, v5;
	v7 =	vld.idx.msk [tilespmem:v7+s10+$0x0], $0xffff  }
0x26b: {  	s25 =	sadd.s32 $0x9880, s1;
	[tilespmem:s20+$0x9F0] =	vst v10;
	v10 =	vld [tilespmem:s24+$0x420];
	v17 =	vadd.f32 v17, v4  }
0x26c: {  	v12 =	vld [tilespmem:s24+$0x840];
	v16 =	vadd.f32 v19, v8;
	[tilespmem:s25+$0x100] =	vst v13  }
0x26d: {  	v13 =	vld [tilespmem:s24+$0x10];
	v19 =	vadd.f32 v47, v6;
	[tilespmem:s25+$0x80] =	vst v17  }
0x26e: {  	[tilespmem:s20+$0x550] =	vst v16;
	v16 =	vld [tilespmem:s23+$0x110];
	v18 =	vadd.f32 v18, v2  }
0x26f: {  	[tilespmem:s25+$0x180] =	vst v19;
	v19 =	vld [tilespmem:s19+$0x560];
	v14 =	vadd.f32 v14, v7  }
0x270: {  	[tilespmem:s22+$0x5C0] =	vst v18;
	v18 =	vld [tilespmem:s23+$0x190];
	v10 =	vadd.f32 v10, v7  }
0x271: {  	v12 =	vadd.f32 v12, v7;
	v49 =	vld [tilespmem:s21+$0x5D0];
	[tilespmem:s24+$0x94A0] =	vst v14  }
0x272: {  	v17 =	vld [tilespmem:s24+$0x400];
	v13 =	vadd.f32 v13, v7;
	[tilespmem:s24+$0x98A0] =	vst v10  }
0x273: {  	v51 =	vld [tilespmem:s24+$0x30];
	[tilespmem:s24+$0x9CC0] =	vst v12;
	v16 =	vadd.f32 v16, v5  }
0x274: {  	v48 =	vld [tilespmem:s21+$0x4B0];
	[tilespmem:s24+$0x9490] =	vst v13;
	v19 =	vadd.f32 v19, v8  }
0x275: {  	v14 =	vld [tilespmem:s24+$0x870];
	[tilespmem:s25+$0x110] =	vst v16;
	v16 =	vadd.f32 v18, v6  }
0x276: {  	v18 =	vld [tilespmem:s23+$0x120];
	[tilespmem:s20+$0x560] =	vst v19;
	v19 =	vadd.f32 v49, v2  }
0x277: {  	v17 =	vadd.f32 v17, v7;
	[tilespmem:s25+$0x190] =	vst v16;
	v16 =	vld [tilespmem:s19+$0x570]  }
0x278: {  	v12 =	vadd.f32 v15, v7;
	[tilespmem:s22+$0x5D0] =	vst v19;
	v19 =	vld [tilespmem:s23+$0x1A0]  }
0x279: {  	v13 =	vadd.f32 v48, v3;
	[tilespmem:s24+$0x9880] =	vst v17;
	v17 =	vld [tilespmem:s24+$0x430]  }
0x27a: {  	v21 =	vadd.f32 v51, v7;
	[tilespmem:s24+$0x94C0] =	vst v12;
	v52 =	vld [tilespmem:s21+$0x5E0]  }
0x27b: {  	v12 =	vld [tilespmem:s24+$0x50];
	[tilespmem:s22+$0x4B0] =	vst v13;
	v13 =	vadd.f32 v18, v5  }
0x27c: {  	[tilespmem:s24+$0x94B0] =	vst v21;
	v10 =	vadd.f32 v16, v8;
	v16 =	vld [tilespmem:s26+$0x830]  }
0x27d: {  	v18 =	vld [tilespmem:s23+$0x90];
	[tilespmem:s25+$0x120] =	vst v13;
	v13 =	vadd.f32 v19, v6  }
0x27e: {  	v14 =	vadd.f32 v14, v7;
	[tilespmem:s20+$0x570] =	vst v10;
	v10 =	vld [tilespmem:s23+$0x130]  }
0x27f: {  	[tilespmem:s25+$0x1A0] =	vst v13;
	v13 =	vadd.f32 v52, v2;
	v19 =	vld [tilespmem:s19+$0x900]  }
0x280: {  	v17 =	vadd.f32 v17, v7;
	[tilespmem:s24+$0x9CF0] =	vst v14;
	v15 =	vld [tilespmem:s23+$0x1B0]  }
0x281: {  	v12 =	vadd.f32 v12, v7;
	[tilespmem:s22+$0x5E0] =	vst v13;
	v13 =	vadd.f32 v16, v11;
	v16 =	vld [tilespmem:s21+$0x4C0]  }
0x282: {  	[tilespmem:s24+$0x98B0] =	vst v17;
	v18 =	vadd.f32 v18, v4;
	v53 =	vld [tilespmem:s21+$0x5F0]  }
0x283: {  	v50 =	vld [tilespmem:s24+$0x60];
	[tilespmem:s24+$0x94D0] =	vst v12;
	v10 =	vadd.f32 v10, v5  }
0x284: {  	[tilespmem:s25+$0x90] =	vst v18;
	v18 =	vadd.f32 v19, v8;
	v19 =	vld [tilespmem:s26+$0x860]  }
0x285: {  	[tilespmem:s25+$0x130] =	vst v10;
	v10 =	vadd.f32 v15, v6;
	v15 =	vld [tilespmem:s23+$0xA0]  }
0x286: {  	v16 =	vadd.f32 v16, v3;
	[tilespmem:s20+$0x900] =	vst v18;
	v18 =	vld [tilespmem:s23+$0x140]  }
0x287: {  	[tilespmem:s25+$0x1B0] =	vst v10;
	v10 =	vadd.f32 v53, v2;
	v54 =	vld [tilespmem:s19+$0x910]  }
0x288: {  	[tilespmem:s22+$0x4C0] =	vst v16;
	v55 =	vld [tilespmem:s23+$0x1C0]  }
0x289: {  	v16 =	vadd.f32 v50, v7;
	[tilespmem:s22+$0x5F0] =	vst v10;
	v10 =	vadd.f32 v19, v11;
	v19 =	vld [tilespmem:s21+$0x4D0]  }
0x28a: {  	[tilespmem:s26+$0x9CB0] =	vst v13;
	v12 =	vadd.f32 v15, v4;
	v15 =	vld [tilespmem:s21+$0x980]  }
0x28b: {  	[tilespmem:s24+$0x94E0] =	vst v16;
	v16 =	vld [tilespmem:s24+$0x70];
	v18 =	vadd.f32 v18, v5  }
0x28c: {  	v17 =	vld [tilespmem:s24+$0x450];
	[tilespmem:s25+$0xA0] =	vst v12;
	v12 =	vadd.f32 v54, v8  }
0x28d: {  	[tilespmem:s25+$0x140] =	vst v18;
	v18 =	vadd.f32 v55, v6;
	v57 =	vld [tilespmem:s23+$0xB0]  }
0x28e: {  	v19 =	vadd.f32 v19, v3;
	[tilespmem:s20+$0x910] =	vst v12;
	v12 =	vld [tilespmem:s23+$0x150]  }
0x28f: {  	[tilespmem:s25+$0x1C0] =	vst v18;
	v15 =	vadd.f32 v15, v2;
	v18 =	vld [tilespmem:s19+$0x920]  }
0x290: {  	v16 =	vadd.f32 v16, v7;
	[tilespmem:s22+$0x4D0] =	vst v19;
	v19 =	vld [tilespmem:s23+$0x1D0]  }
0x291: {  	[tilespmem:s22+$0x980] =	vst v15;
	v58 =	vld [tilespmem:s21+$0x4E0]  }
0x292: {  	[tilespmem:s24+$0x94F0] =	vst v16;
	v16 =	vadd.f32 v57, v4;
	v59 =	vld [tilespmem:s21+$0x990]  }
0x293: {  	v13 =	vld [tilespmem:s26+$0x450];
	[tilespmem:s26+$0x9CE0] =	vst v10;
	v12 =	vadd.f32 v12, v5  }
0x294: {  	v10 =	vld [tilespmem:s24+$0x0];
	[tilespmem:s25+$0xB0] =	vst v16;
	v16 =	vadd.f32 v18, v8  }
0x295: {  	v18 =	vld [tilespmem:s23+$0xC0];
	[tilespmem:s25+$0x150] =	vst v12;
	v12 =	vadd.f32 v19, v6  }
0x296: {  	v19 =	vld [tilespmem:s23+$0x160];
	v21 =	vadd.f32 v58, v3;
	[tilespmem:s20+$0x920] =	vst v16  }
0x297: {  	v46 =	vadd.f32 v40, v11;
	[tilespmem:s25+$0x1D0] =	vst v12;
	v12 =	vadd.f32 v59, v2;
	v16 =	vld [tilespmem:s19+$0x930]  }
0x298: {  	v15 =	vadd.f32 v56, v11;
	v11 =	vadd.f32 v13, v11;
	v13 =	vld [tilespmem:s23+$0x1E0];
	[tilespmem:s22+$0x4E0] =	vst v21  }
0x299: {  	v60 =	vld [tilespmem:s21+$0x4F0];
	[tilespmem:s22+$0x990] =	vst v12  }
0x29a: {  	[tilespmem:s26+$0x98D0] =	vst v11;
	v11 =	vadd.f32 v18, v4;
	v12 =	vld [tilespmem:s21+$0x9A0]  }
0x29b: {  	[tilespmem:s26+$0x9CD0] =	vst v15;
	v18 =	vld [tilespmem:s19+$0x8D0];
	v14 =	vadd.f32 v19, v5  }
0x29c: {  	v15 =	vld [tilespmem:s24+$0x410];
	[tilespmem:s25+$0xC0] =	vst v11;
	v11 =	vadd.f32 v16, v8  }
0x29d: {  	v16 =	vld [tilespmem:s23+$0xD0];
	[tilespmem:s25+$0x160] =	vst v14;
	v13 =	vadd.f32 v13, v6  }
0x29e: {  	v14 =	vld [tilespmem:s23+$0x170];
	v20 =	vadd.f32 v60, v3;
	[tilespmem:s20+$0x930] =	vst v11  }
0x29f: {  	[tilespmem:s25+$0x1E0] =	vst v13;
	v11 =	vadd.f32 v12, v2;
	v12 =	vld [tilespmem:s19+$0x940]  }
0x2a0: {  	v13 =	vadd.f32 v18, v9;
	v18 =	vld [tilespmem:s23+$0x1F0];
	[tilespmem:s22+$0x4F0] =	vst v20  }
0x2a1: {  	v20 =	vld [tilespmem:s21+$0x880];
	[tilespmem:s22+$0x9A0] =	vst v11  }
0x2a2: {  	[tilespmem:s20+$0x8D0] =	vst v13;
	v11 =	vadd.f32 v16, v4;
	v13 =	vld [tilespmem:s21+$0x9B0]  }
0x2a3: {  	[tilespmem:s26+$0x9C90] =	vst v46;
	v19 =	vld [tilespmem:s24+$0x440];
	v14 =	vadd.f32 v14, v5  }
0x2a4: {  	v16 =	vld [tilespmem:s19+$0x8E0];
	[tilespmem:s25+$0xD0] =	vst v11;
	v11 =	vadd.f32 v12, v8  }
0x2a5: {  	v12 =	vld [tilespmem:s23+$0xE0];
	[tilespmem:s25+$0x170] =	vst v14;
	v14 =	vadd.f32 v18, v6  }
0x2a6: {  	v18 =	vld [tilespmem:s23+$0x500];
	v20 =	vadd.f32 v20, v3;
	[tilespmem:s20+$0x940] =	vst v11  }
0x2a7: {  	[tilespmem:s25+$0x1F0] =	vst v14;
	v11 =	vadd.f32 v13, v2;
	v13 =	vld [tilespmem:s19+$0x950]  }
0x2a8: {  	v14 =	vadd.f32 v15, v7;
	v15 =	vld [tilespmem:s23+$0x580];
	[tilespmem:s22+$0x880] =	vst v20  }
0x2a9: {  	v16 =	vadd.f32 v16, v9;
	v20 =	vld [tilespmem:s21+$0x890];
	[tilespmem:s22+$0x9B0] =	vst v11  }
0x2aa: {  	[tilespmem:s24+$0x9890] =	vst v14;
	v14 =	vld [tilespmem:s24+$0x460];
	v11 =	vadd.f32 v12, v4  }
0x2ab: {  	[tilespmem:s20+$0x8E0] =	vst v16;
	v12 =	vld [tilespmem:s21+$0x9C0];
	v16 =	vadd.f32 v18, v5  }
0x2ac: {  	v18 =	vld [tilespmem:s24+$0x470];
	[tilespmem:s25+$0xE0] =	vst v11;
	v11 =	vadd.f32 v13, v8  }
0x2ad: {  	v13 =	vld [tilespmem:s19+$0x8F0];
	[tilespmem:s25+$0x500] =	vst v16;
	v15 =	vadd.f32 v15, v6  }
0x2ae: {  	v16 =	vld [tilespmem:s23+$0xF0];
	v20 =	vadd.f32 v20, v3;
	[tilespmem:s20+$0x950] =	vst v11  }
0x2af: {  	v11 =	vld [tilespmem:s23+$0x510];
	v14 =	vadd.f32 v14, v7;
	[tilespmem:s25+$0x580] =	vst v15  }
0x2b0: {  	v12 =	vadd.f32 v12, v2;
	v15 =	vld [tilespmem:s19+$0x960];
	[tilespmem:s22+$0x890] =	vst v20  }
0x2b1: {  	v61 =	vld [tilespmem:s23+$0x590];
	v18 =	vadd.f32 v18, v7;
	[tilespmem:s24+$0x98E0] =	vst v14  }
0x2b2: {  	[tilespmem:s22+$0x9C0] =	vst v12;
	v9 =	vadd.f32 v13, v9;
	v12 =	vld [tilespmem:s21+$0x8A0]  }
0x2b3: {  	v13 =	vadd.f32 v16, v4;
	v14 =	vld [tilespmem:s21+$0x9D0];
	[tilespmem:s24+$0x98F0] =	vst v18  }
0x2b4: {  	[tilespmem:s20+$0x8F0] =	vst v9;
	v9 =	vld [tilespmem:s24+$0x800];
	v11 =	vadd.f32 v11, v5  }
0x2b5: {  	v16 =	vld [tilespmem:s24+$0x810];
	[tilespmem:s25+$0xF0] =	vst v13;
	v13 =	vadd.f32 v15, v8  }
0x2b6: {  	v15 =	vld [tilespmem:s23+$0x480];
	[tilespmem:s25+$0x510] =	vst v11;
	v11 =	vadd.f32 v61, v6  }
0x2b7: {  	v18 =	vld [tilespmem:s23+$0x520];
	v12 =	vadd.f32 v12, v3;
	[tilespmem:s20+$0x960] =	vst v13  }
0x2b8: {  	[tilespmem:s25+$0x590] =	vst v11;
	v11 =	vadd.f32 v14, v2;
	v62 =	vld [tilespmem:s19+$0x970]  }
0x2b9: {  	v9 =	vadd.f32 v9, v7;
	v63 =	vld [tilespmem:s23+$0x5A0];
	[tilespmem:s22+$0x8A0] =	vst v12  }
0x2ba: {  	v12 =	vadd.f32 v16, v7;
	v16 =	vld [tilespmem:s21+$0x530];
	[tilespmem:s22+$0x9D0] =	vst v11  }
0x2bb: {  	v14 =	vld [tilespmem:s21+$0x8B0];
	[tilespmem:s24+$0x9C80] =	vst v9;
	v15 =	vadd.f32 v15, v4  }
0x2bc: {  	v10 =	vadd.f32 v10, v7;
	v13 =	vld [tilespmem:s21+$0x9E0];
	[tilespmem:s24+$0x9C90] =	vst v12;
	v18 =	vadd.f32 v18, v5  }
0x2bd: {  	s28 =	simm.s32 $0x400;
	v11 =	vadd.f32 v19, v7;
	v9 =	vadd.f32 v17, v7;
	v12 =	vld [tilespmem:s24+$0x820];
	[tilespmem:s25+$0x480] =	vst v15  }
0x2be: {  	s29 =	simm.s32 $0x9880;
	s26 =	simm.s32 $0xC;
	s19 =	sshll.u32 s18, $0x1;
	v15 =	vadd.f32 v62, v8;
	v8 =	vld [tilespmem:s23+$0x490];
	[tilespmem:s25+$0x520] =	vst v18;
	v17 =	vadd.f32 v63, v6  }
.LBB2_9:
0x2bf: {  	s0 =	sadd.s32 s26, s17;
	p1 =	slt.u32 s26, $0x5C;
	s1 =	smov.u32 s26  }
0x2c0: {  	v18 =	vld [tilespmem:s24+$0x830];
	v14 =	vadd.f32 v14, v3;
	[tilespmem:s20+$0x970] =	vst v15;
	s26 =	sadd.s32 $0x4, s26;
	s20 =	smov.u32 s22;
	s22 =	smov.u32 s25  }
0x2c1: {  	v15 =	vmov s0;
	s25 =	sadd.s32 $0x1, s0;
	s30 =	sadd.s32 $0x2, s0;
	s0 =	sadd.s32 $0x3, s0;
	v19 =	vld [tilespmem:s24+$0x850];
	[tilespmem:s22+$0x5A0] =	vst v17;
	v13 =	vadd.f32 v13, v2  }
0x2c2: {  	v17 =	vmov s25;
	v20 =	vmov s30;
	v21 =	vld [tilespmem:s23+$0x5B0];
	[tilespmem:s20+$0x8B0] =	vst v14;
	v14 =	vadd.f32 v16, v1  }
0x2c3: {  	v16 =	vand.u32 $0xFFFFFFFD, v17;
	v17 =	vand.u32 $0xFFFFFFFE, v20;
	v20 =	vmov s0;
	v22 =	vld [tilespmem:s21+$0x8C0];
	[tilespmem:s20+$0x9E0] =	vst v13  }
0x2c4: {  	v13 =	vand.u32 $0xFFFFFFFC, v15;
	v15 =	vbroadcast v16, $0x0;
	v8 =	vadd.f32 v8, v4;
	[tilespmem:s20+$0x530] =	vst v14;
	v14 =	vld [tilespmem:s21+$0x9F0]  }
0x2c5: {  	v16 =	vbroadcast v17, $0x0;
	[tilespmem:s24+$0x9480] =	vst v10;
	v10 =	vadd.f32 v12, v7;
	v17 =	vadd.f32 v18, v7;
	v18 =	vld [tilespmem:s21+$0x540]  }
0x2c6: {  	s0 =	sshll.u32 s1, $0x8;
	v19 =	vadd.f32 v19, v7;
	v23 =	vld [tilespmem:s24+$0x860];
	[tilespmem:s22+$0x490] =	vst v8  }
0x2c7: {  	s28 =	sadd.s32 $0x200, s28;
	s0 =	sand.u32 $0x3FFFF800, s0;
	[tilespmem:s24+$0x9CA0] =	vst v10;
	v10 =	vld [tilespmem:s23+$0x4A0];
	v8 =	vadd.f32 v21, v6  }
0x2c8: {  	s30 =	sadd.s32 s0, s28;
	v20 =	vld.idx.msk [tilespmem:v20+s10+$0x0], $0xffff;
	[tilespmem:s24+$0x98C0] =	vst v11;
	v11 =	vadd.f32 v22, v3  }
0x2c9: {  	v21 =	vld [tilespmem:s30+$0x80];
	[tilespmem:s22+$0x5B0] =	vst v8;
	v14 =	vadd.f32 v14, v2;
	v2 =	vmov v6  }
0x2ca: {  	v12 =	vld.idx.msk [tilespmem:v15+s10+$0x0], $0xffff;
	[tilespmem:s20+$0x8C0] =	vst v11;
	v6 =	vadd.f32 v18, v1  }
0x2cb: {  	v11 =	vbroadcast v13, $0x0;
	v8 =	vld.idx.msk [tilespmem:v16+s10+$0x0], $0xffff;
	v7 =	vadd.f32 v23, v7;
	[tilespmem:s20+$0x9F0] =	vst v14  }
0x2cc: {  	v13 =	vld [tilespmem:s30+$0x100];
	v10 =	vadd.f32 v10, v4;
	[tilespmem:s20+$0x540] =	vst v6  }
0x2cd: {  	s25 =	sshrl.u32 s1, $0x3;
	[tilespmem:s24+$0x9CB0] =	vst v17;
	v14 =	vld [tilespmem:s21+$0x550]  }
0x2ce: {  	s25 =	smul.u32 $0x18, s25;
	v15 =	vld [tilespmem:s30+$0x180];
	[tilespmem:s22+$0x4A0] =	vst v10;
	v6 =	vmov v20  }
0x2cf: {  	s1 =	sand.u32 $0x4, s1;
	[tilespmem:s24+$0x9CE0] =	vst v7;
	v10 =	vld [tilespmem:s23+$0x4B0]  }
0x2d0: {  	s29 =	sadd.s32 $0x200, s29;
	s1 =	sor.u32 s1, s25;
	v16 =	vadd.f32 v21, v12;
	[tilespmem:s24+$0x9CD0] =	vst v19;
	v17 =	vld [tilespmem:s23+$0x5C0]  }
0x2d1: {  	s25 =	sadd.s32 s0, s29;
	v7 =	vld.idx.msk [tilespmem:v11+s10+$0x0], $0xffff;
	v11 =	vadd.f32 v13, v8;
	[tilespmem:s24+$0x98D0] =	vst v9;
	s24 =	sshll.u32 s1, $0x7  }
0x2d2: {  	v9 =	vld [tilespmem:s24+$0x20];
	[tilespmem:s25+$0x80] =	vst v16;
	v13 =	vadd.f32 v14, v1  }
0x2d3: {  	v14 =	vld [tilespmem:s24+$0x10];
	[tilespmem:s25+$0x100] =	vst v11;
	v11 =	vadd.f32 v15, v6  }
0x2d4: {  	v15 =	vld [tilespmem:s30+$0x110];
	v10 =	vadd.f32 v10, v4;
	[tilespmem:s20+$0x550] =	vst v13  }
0x2d5: {  	[tilespmem:s25+$0x180] =	vst v11;
	v11 =	vadd.f32 v17, v2;
	v13 =	vld [tilespmem:s21+$0x560]  }
0x2d6: {  	v16 =	vld [tilespmem:s30+$0x190];
	[tilespmem:s22+$0x4B0] =	vst v10  }
0x2d7: {  	v10 =	vld [tilespmem:s24+$0x40];
	[tilespmem:s22+$0x5C0] =	vst v11  }
0x2d8: {  	v11 =	vld [tilespmem:s23+$0x5D0]  }
0x2d9: {  	v17 =	vld [tilespmem:s24+$0x840];
	v15 =	vadd.f32 v15, v8  }
0x2da: {  	v18 =	vld [tilespmem:s24+$0x420];
	v13 =	vadd.f32 v13, v1  }
0x2db: {  	v19 =	vld [tilespmem:s24+$0x60];
	[tilespmem:s25+$0x110] =	vst v15;
	v15 =	vadd.f32 v16, v6  }
0x2dc: {  	v10 =	vadd.f32 v10, v7;
	v16 =	vld [tilespmem:s30+$0x120];
	[tilespmem:s20+$0x560] =	vst v13  }
0x2dd: {  	[tilespmem:s25+$0x190] =	vst v15;
	v11 =	vadd.f32 v11, v2;
	v13 =	vld [tilespmem:s21+$0x570]  }
0x2de: {  	v14 =	vadd.f32 v14, v7;
	v15 =	vadd.f32 v17, v7;
	v17 =	vld [tilespmem:s30+$0x1A0]  }
0x2df: {  	v9 =	vadd.f32 v9, v7;
	v20 =	vld [tilespmem:s24+$0x30];
	v18 =	vadd.f32 v18, v7;
	[tilespmem:s22+$0x5D0] =	vst v11  }
0x2e0: {  	[tilespmem:s24+$0x9490] =	vst v14;
	v11 =	vadd.f32 v19, v7;
	v14 =	vld [tilespmem:s23+$0x5E0]  }
0x2e1: {  	[tilespmem:s24+$0x94A0] =	vst v9;
	v9 =	vld [tilespmem:s24+$0x870];
	v16 =	vadd.f32 v16, v8  }
0x2e2: {  	v19 =	vld [tilespmem:s24+$0x400];
	[tilespmem:s24+$0x98A0] =	vst v18;
	v13 =	vadd.f32 v13, v1  }
0x2e3: {  	v18 =	vld [tilespmem:s30+$0x90];
	[tilespmem:s25+$0x120] =	vst v16;
	v16 =	vadd.f32 v17, v6  }
0x2e4: {  	v17 =	vld [tilespmem:s30+$0x130];
	[tilespmem:s20+$0x570] =	vst v13  }
0x2e5: {  	[tilespmem:s25+$0x1A0] =	vst v16;
	v13 =	vadd.f32 v14, v2;
	v14 =	vld [tilespmem:s21+$0x900]  }
0x2e6: {  	v16 =	vadd.f32 v20, v7;
	[tilespmem:s24+$0x9CC0] =	vst v15;
	v9 =	vadd.f32 v9, v7;
	v15 =	vld [tilespmem:s30+$0x1B0]  }
0x2e7: {  	v19 =	vadd.f32 v19, v7;
	v20 =	vld [tilespmem:s23+$0x4C0];
	[tilespmem:s22+$0x5E0] =	vst v13  }
0x2e8: {  	[tilespmem:s24+$0x94B0] =	vst v16;
	v13 =	vadd.f32 v18, v12;
	v16 =	vld [tilespmem:s23+$0x5F0]  }
0x2e9: {  	[tilespmem:s24+$0x94C0] =	vst v10;
	v10 =	vld [tilespmem:s24+$0x50];
	v17 =	vadd.f32 v17, v8  }
0x2ea: {  	[tilespmem:s25+$0x90] =	vst v13;
	v13 =	vld [tilespmem:s21+$0x8D0];
	v14 =	vadd.f32 v14, v1  }
0x2eb: {  	v18 =	vld [tilespmem:s30+$0xA0];
	[tilespmem:s25+$0x130] =	vst v17;
	v15 =	vadd.f32 v15, v6  }
0x2ec: {  	v17 =	vld [tilespmem:s30+$0x140];
	v20 =	vadd.f32 v20, v4;
	[tilespmem:s20+$0x900] =	vst v14  }
0x2ed: {  	[tilespmem:s25+$0x1B0] =	vst v15;
	v14 =	vadd.f32 v16, v2;
	v15 =	vld [tilespmem:s21+$0x910]  }
0x2ee: {  	v10 =	vadd.f32 v10, v7;
	v16 =	vld [tilespmem:s30+$0x1C0];
	[tilespmem:s22+$0x4C0] =	vst v20  }
0x2ef: {  	v20 =	vld [tilespmem:s23+$0x4D0];
	[tilespmem:s22+$0x5F0] =	vst v14;
	v13 =	vadd.f32 v13, v3  }
0x2f0: {  	[tilespmem:s24+$0x94D0] =	vst v10;
	v10 =	vadd.f32 v18, v12;
	v14 =	vld [tilespmem:s23+$0x980]  }
0x2f1: {  	[tilespmem:s24+$0x94E0] =	vst v11;
	v11 =	vld [tilespmem:s24+$0x70];
	v17 =	vadd.f32 v17, v8  }
0x2f2: {  	v18 =	vld [tilespmem:s24+$0x0];
	[tilespmem:s25+$0xA0] =	vst v10;
	v10 =	vadd.f32 v15, v1  }
0x2f3: {  	v15 =	vld [tilespmem:s30+$0xB0];
	[tilespmem:s25+$0x140] =	vst v17;
	v16 =	vadd.f32 v16, v6  }
0x2f4: {  	v17 =	vld [tilespmem:s30+$0x150];
	v20 =	vadd.f32 v20, v4;
	[tilespmem:s20+$0x910] =	vst v10  }
0x2f5: {  	[tilespmem:s25+$0x1C0] =	vst v16;
	v14 =	vadd.f32 v14, v2;
	v16 =	vld [tilespmem:s21+$0x920]  }
0x2f6: {  	v11 =	vadd.f32 v11, v7;
	v21 =	vld [tilespmem:s30+$0x1D0];
	[tilespmem:s22+$0x4D0] =	vst v20  }
0x2f7: {  	v10 =	vadd.f32 v18, v7;
	v18 =	vld [tilespmem:s23+$0x4E0];
	[tilespmem:s22+$0x980] =	vst v14  }
0x2f8: {  	[tilespmem:s24+$0x94F0] =	vst v11;
	v11 =	vadd.f32 v15, v12;
	v14 =	vld [tilespmem:s23+$0x990]  }
0x2f9: {  	[tilespmem:s24+$0x9880] =	vst v19;
	v15 =	vld [tilespmem:s24+$0x410];
	v17 =	vadd.f32 v17, v8  }
0x2fa: {  	v19 =	vld [tilespmem:s24+$0x430];
	[tilespmem:s25+$0xB0] =	vst v11;
	v11 =	vadd.f32 v16, v1  }
0x2fb: {  	v16 =	vld [tilespmem:s30+$0xC0];
	[tilespmem:s25+$0x150] =	vst v17;
	v17 =	vadd.f32 v21, v6  }
0x2fc: {  	v20 =	vld [tilespmem:s30+$0x160];
	v18 =	vadd.f32 v18, v4;
	[tilespmem:s20+$0x920] =	vst v11  }
0x2fd: {  	[tilespmem:s25+$0x1D0] =	vst v17;
	v11 =	vadd.f32 v14, v2;
	v14 =	vld [tilespmem:s21+$0x930]  }
0x2fe: {  	v15 =	vadd.f32 v15, v7;
	v17 =	vld [tilespmem:s30+$0x1E0];
	[tilespmem:s22+$0x4E0] =	vst v18  }
0x2ff: {  	v18 =	vadd.f32 v19, v7;
	v19 =	vld [tilespmem:s23+$0x4F0];
	[tilespmem:s22+$0x990] =	vst v11  }
0x300: {  	v11 =	vadd.f32 v16, v12;
	v16 =	vld [tilespmem:s23+$0x9A0];
	[tilespmem:s20+$0x8D0] =	vst v13  }
0x301: {  	[tilespmem:s24+$0x9CF0] =	vst v9;
	v9 =	vadd.f32 v20, v8;
	v13 =	vld [tilespmem:s21+$0x8E0]  }
0x302: {  	v20 =	vld [tilespmem:s24+$0x440];
	[tilespmem:s25+$0xC0] =	vst v11;
	v11 =	vadd.f32 v14, v1  }
0x303: {  	v14 =	vld [tilespmem:s30+$0xD0];
	[tilespmem:s25+$0x160] =	vst v9;
	v9 =	vadd.f32 v17, v6  }
0x304: {  	v17 =	vld [tilespmem:s30+$0x170];
	v19 =	vadd.f32 v19, v4;
	[tilespmem:s20+$0x930] =	vst v11  }
0x305: {  	[tilespmem:s25+$0x1E0] =	vst v9;
	v9 =	vadd.f32 v16, v2;
	v16 =	vld [tilespmem:s21+$0x940]  }
0x306: {  	v21 =	vld [tilespmem:s30+$0x1F0];
	[tilespmem:s22+$0x4F0] =	vst v19;
	v13 =	vadd.f32 v13, v3  }
0x307: {  	v11 =	vadd.f32 v20, v7;
	v19 =	vld [tilespmem:s23+$0x880];
	[tilespmem:s22+$0x9A0] =	vst v9  }
0x308: {  	v9 =	vadd.f32 v14, v12;
	v14 =	vld [tilespmem:s23+$0x9B0];
	[tilespmem:s20+$0x8E0] =	vst v13  }
0x309: {  	[tilespmem:s24+$0x98B0] =	vst v18;
	v13 =	vadd.f32 v17, v8;
	v17 =	vld [tilespmem:s21+$0x8F0]  }
0x30a: {  	v18 =	vld [tilespmem:s24+$0x450];
	[tilespmem:s25+$0xD0] =	vst v9;
	v9 =	vadd.f32 v16, v1  }
0x30b: {  	v16 =	vld [tilespmem:s30+$0xE0];
	[tilespmem:s25+$0x170] =	vst v13;
	v13 =	vadd.f32 v21, v6  }
0x30c: {  	v20 =	vld [tilespmem:s30+$0x500];
	v19 =	vadd.f32 v19, v4;
	[tilespmem:s20+$0x940] =	vst v9  }
0x30d: {  	[tilespmem:s25+$0x1F0] =	vst v13;
	v13 =	vadd.f32 v14, v2;
	v14 =	vld [tilespmem:s21+$0x950]  }
0x30e: {  	v21 =	vld [tilespmem:s30+$0x580];
	[tilespmem:s22+$0x880] =	vst v19;
	v17 =	vadd.f32 v17, v3;
	v3 =	vmov v4;
	v4 =	vmov v12  }
0x30f: {  	v9 =	vadd.f32 v18, v7;
	v12 =	vld [tilespmem:s23+$0x890];
	[tilespmem:s22+$0x9B0] =	vst v13  }
0x310: {  	v13 =	vadd.f32 v16, v4;
	v16 =	vld [tilespmem:s23+$0x9C0];
	[tilespmem:s20+$0x8F0] =	vst v17  }
0x311: {  	[tilespmem:s24+$0x9890] =	vst v15;
	v15 =	vld [tilespmem:s24+$0x460];
	v17 =	vadd.f32 v20, v8  }
0x312: {  	v18 =	vld [tilespmem:s24+$0x470];
	[tilespmem:s25+$0xE0] =	vst v13;
	v13 =	vadd.f32 v14, v1  }
0x313: {  	v14 =	vld [tilespmem:s30+$0xF0];
	[tilespmem:s25+$0x500] =	vst v17;
	v17 =	vadd.f32 v21, v6  }
0x314: {  	v19 =	vld [tilespmem:s30+$0x510];
	v12 =	vadd.f32 v12, v3;
	[tilespmem:s20+$0x950] =	vst v13  }
0x315: {  	[tilespmem:s25+$0x580] =	vst v17;
	v13 =	vadd.f32 v16, v2;
	v16 =	vld [tilespmem:s21+$0x960]  }
0x316: {  	v15 =	vadd.f32 v15, v7;
	v17 =	vld [tilespmem:s30+$0x590];
	[tilespmem:s22+$0x890] =	vst v12  }
0x317: {  	v12 =	vadd.f32 v18, v7;
	v18 =	vld [tilespmem:s23+$0x8A0];
	[tilespmem:s22+$0x9C0] =	vst v13  }
0x318: {  	[tilespmem:s24+$0x98E0] =	vst v15;
	v13 =	vadd.f32 v14, v4;
	v14 =	vld [tilespmem:s23+$0x9D0]  }
0x319: {  	[tilespmem:s24+$0x98F0] =	vst v12;
	v12 =	vld [tilespmem:s24+$0x800];
	v15 =	vadd.f32 v19, v8  }
0x31a: {  	v19 =	vld [tilespmem:s24+$0x810];
	[tilespmem:s25+$0xF0] =	vst v13;
	v13 =	vadd.f32 v16, v1  }
0x31b: {  	v16 =	vld [tilespmem:s30+$0x480];
	[tilespmem:s25+$0x510] =	vst v15;
	v15 =	vadd.f32 v17, v6  }
0x31c: {  	v17 =	vld [tilespmem:s30+$0x520];
	v18 =	vadd.f32 v18, v3;
	[tilespmem:s20+$0x960] =	vst v13  }
0x31d: {  	[tilespmem:s25+$0x590] =	vst v15;
	v13 =	vadd.f32 v14, v2;
	v15 =	vld [tilespmem:s21+$0x970];
	s21 =	smov.u32 s23;
	s23 =	smov.u32 s30  }
0x31e: {  	v12 =	vadd.f32 v12, v7;
	v20 =	vld [tilespmem:s23+$0x5A0];
	[tilespmem:s22+$0x8A0] =	vst v18  }
.Ltmp3:
0x31f: {  	v18 =	vadd.f32 v19, v7;
	v14 =	vld [tilespmem:s21+$0x8B0];
	[tilespmem:s22+$0x9D0] =	vst v13;
	(pc) =	sbr.rel @p1 .LBB2_9-.Ltmp3, $4  }
0x320: {  	[tilespmem:s24+$0x9C80] =	vst v12;
	v19 =	vadd.f32 v16, v4;
	v13 =	vld [tilespmem:s21+$0x9E0]  }
0x321: {  	[tilespmem:s24+$0x9C90] =	vst v18;
	v17 =	vadd.f32 v17, v8;
	v16 =	vld [tilespmem:s21+$0x530]  }
0x322: {  	v12 =	vld [tilespmem:s24+$0x820];
	[tilespmem:s25+$0x480] =	vst v19;
	v15 =	vadd.f32 v15, v1;
	v1 =	vmov v5;
	v5 =	vmov v8  }
0x323: {  	v8 =	vld [tilespmem:s23+$0x490];
	[tilespmem:s25+$0x520] =	vst v17;
	v17 =	vadd.f32 v20, v6  }
0x324: {  	_ = 	snop  }
0x325: {  	[tilespmem:s25+$0x5A0] =	vst v17  }
0x326: {  	v17 =	vld [tilespmem:s23+$0x5B0];
	_ =	sdelay $0x2  }
0x327: {  	v16 =	vadd.f32 v16, v1;
	_ =	sdelay $0x1  }
0x328: {  	[tilespmem:s22+$0x530] =	vst v16;
	v16 =	vadd.f32 v17, v6  }
0x329: {  	v17 =	vld [tilespmem:s21+$0x540]  }
0x32a: {  	[tilespmem:s25+$0x5B0] =	vst v16  }
0x32b: {  	v16 =	vld [tilespmem:s23+$0x5C0];
	_ =	sdelay $0x2  }
0x32c: {  	v17 =	vadd.f32 v17, v1  }
0x32d: {  	v8 =	vadd.f32 v8, v4  }
0x32e: {  	[tilespmem:s22+$0x540] =	vst v17;
	v16 =	vadd.f32 v16, v6  }
0x32f: {  	[tilespmem:s25+$0x490] =	vst v8;
	v8 =	vld [tilespmem:s21+$0x550]  }
0x330: {  	v17 =	vld [tilespmem:s23+$0x4A0];
	[tilespmem:s25+$0x5C0] =	vst v16  }
0x331: {  	v16 =	vld [tilespmem:s23+$0x5D0];
	_ =	sdelay $0x2  }
0x332: {  	v8 =	vadd.f32 v8, v1  }
0x333: {  	v17 =	vadd.f32 v17, v4  }
0x334: {  	[tilespmem:s22+$0x550] =	vst v8;
	v8 =	vadd.f32 v16, v6  }
0x335: {  	[tilespmem:s25+$0x4A0] =	vst v17;
	v16 =	vld [tilespmem:s21+$0x560]  }
0x336: {  	v17 =	vld [tilespmem:s23+$0x4B0];
	[tilespmem:s25+$0x5D0] =	vst v8  }
0x337: {  	v8 =	vld [tilespmem:s23+$0x5E0];
	_ =	sdelay $0x2  }
0x338: {  	v16 =	vadd.f32 v16, v1  }
0x339: {  	v17 =	vadd.f32 v17, v4  }
0x33a: {  	[tilespmem:s22+$0x560] =	vst v16;
	v8 =	vadd.f32 v8, v6  }
0x33b: {  	[tilespmem:s25+$0x4B0] =	vst v17;
	v16 =	vld [tilespmem:s21+$0x570]  }
0x33c: {  	v17 =	vld [tilespmem:s23+$0x4C0];
	[tilespmem:s25+$0x5E0] =	vst v8  }
0x33d: {  	v8 =	vld [tilespmem:s23+$0x5F0];
	_ =	sdelay $0x2  }
0x33e: {  	v16 =	vadd.f32 v16, v1  }
0x33f: {  	v17 =	vadd.f32 v17, v4  }
0x340: {  	[tilespmem:s22+$0x570] =	vst v16;
	v8 =	vadd.f32 v8, v6  }
0x341: {  	[tilespmem:s25+$0x4C0] =	vst v17;
	v16 =	vld [tilespmem:s21+$0x900]  }
0x342: {  	v17 =	vld [tilespmem:s23+$0x4D0];
	[tilespmem:s25+$0x5F0] =	vst v8  }
0x343: {  	v8 =	vld [tilespmem:s23+$0x980];
	_ =	sdelay $0x2  }
0x344: {  	v16 =	vadd.f32 v16, v1  }
0x345: {  	v17 =	vadd.f32 v17, v4  }
0x346: {  	[tilespmem:s22+$0x900] =	vst v16;
	v8 =	vadd.f32 v8, v6  }
0x347: {  	[tilespmem:s25+$0x4D0] =	vst v17;
	v16 =	vld [tilespmem:s21+$0x910]  }
0x348: {  	v17 =	vld [tilespmem:s23+$0x4E0];
	[tilespmem:s25+$0x980] =	vst v8  }
0x349: {  	v8 =	vld [tilespmem:s23+$0x990];
	_ =	sdelay $0x2  }
0x34a: {  	v16 =	vadd.f32 v16, v1  }
0x34b: {  	v17 =	vadd.f32 v17, v4  }
0x34c: {  	[tilespmem:s22+$0x910] =	vst v16;
	v8 =	vadd.f32 v8, v6  }
0x34d: {  	[tilespmem:s25+$0x4E0] =	vst v17;
	v16 =	vld [tilespmem:s21+$0x920]  }
0x34e: {  	v17 =	vld [tilespmem:s23+$0x4F0];
	[tilespmem:s25+$0x990] =	vst v8  }
0x34f: {  	v8 =	vld [tilespmem:s23+$0x9A0]  }
0x350: {  	v18 =	vld [tilespmem:s23+$0x530];
	_ =	sdelay $0x1  }
0x351: {  	v16 =	vadd.f32 v16, v1  }
0x352: {  	v17 =	vadd.f32 v17, v4  }
0x353: {  	[tilespmem:s22+$0x920] =	vst v16;
	v8 =	vadd.f32 v8, v6  }
0x354: {  	[tilespmem:s25+$0x4F0] =	vst v17;
	v17 =	vadd.f32 v18, v5;
	v16 =	vld [tilespmem:s21+$0x930]  }
0x355: {  	v18 =	vld [tilespmem:s23+$0x880];
	[tilespmem:s25+$0x9A0] =	vst v8  }
0x356: {  	[tilespmem:s25+$0x530] =	vst v17;
	v8 =	vld [tilespmem:s23+$0x9B0]  }
0x357: {  	v17 =	vld [tilespmem:s23+$0x540]  }
0x358: {  	v14 =	vadd.f32 v14, v3  }
0x359: {  	v16 =	vadd.f32 v16, v1  }
0x35a: {  	[tilespmem:s22+$0x8B0] =	vst v14;
	v14 =	vadd.f32 v18, v4  }
0x35b: {  	v18 =	vld [tilespmem:s21+$0x8C0];
	[tilespmem:s22+$0x930] =	vst v16;
	v8 =	vadd.f32 v8, v6  }
0x35c: {  	[tilespmem:s25+$0x880] =	vst v14;
	v14 =	vadd.f32 v17, v5;
	v16 =	vld [tilespmem:s21+$0x940]  }
0x35d: {  	v17 =	vld [tilespmem:s23+$0x890];
	[tilespmem:s25+$0x9B0] =	vst v8  }
0x35e: {  	[tilespmem:s25+$0x540] =	vst v14;
	v8 =	vld [tilespmem:s23+$0x9C0]  }
0x35f: {  	v14 =	vld [tilespmem:s23+$0x550]  }
0x360: {  	v18 =	vadd.f32 v18, v3  }
0x361: {  	[tilespmem:s20+$0x970] =	vst v15;
	v15 =	vadd.f32 v16, v1  }
0x362: {  	[tilespmem:s22+$0x8C0] =	vst v18;
	v17 =	vadd.f32 v17, v4  }
0x363: {  	v18 =	vld [tilespmem:s21+$0x8D0];
	[tilespmem:s22+$0x940] =	vst v15;
	v8 =	vadd.f32 v8, v6  }
0x364: {  	[tilespmem:s25+$0x890] =	vst v17;
	v14 =	vadd.f32 v14, v5;
	v15 =	vld [tilespmem:s21+$0x950]  }
0x365: {  	v17 =	vld [tilespmem:s23+$0x8A0];
	[tilespmem:s25+$0x9C0] =	vst v8  }
0x366: {  	[tilespmem:s25+$0x550] =	vst v14;
	v8 =	vadd.f32 v13, v2;
	v13 =	vld [tilespmem:s23+$0x9D0]  }
0x367: {  	[tilespmem:s24+$0x9480] =	vst v10;
	v10 =	vadd.f32 v12, v7;
	v12 =	vld [tilespmem:s23+$0x560]  }
0x368: {  	v14 =	vadd.f32 v18, v3;
	[tilespmem:s22+$0x9E0] =	vst v8  }
0x369: {  	[tilespmem:s24+$0x9CA0] =	vst v10;
	v18 =	vld [tilespmem:s21+$0x9F0];
	v10 =	vadd.f32 v15, v1  }
0x36a: {  	v19 =	vld [tilespmem:s24+$0x830];
	[tilespmem:s22+$0x8D0] =	vst v14;
	v14 =	vadd.f32 v17, v4  }
0x36b: {  	v15 =	vld [tilespmem:s21+$0x8E0];
	[tilespmem:s22+$0x950] =	vst v10;
	v10 =	vadd.f32 v13, v6  }
0x36c: {  	[tilespmem:s25+$0x8A0] =	vst v14;
	v12 =	vadd.f32 v12, v5;
	v13 =	vld [tilespmem:s21+$0x960]  }
0x36d: {  	v14 =	vld [tilespmem:s23+$0x8B0];
	[tilespmem:s25+$0x9D0] =	vst v10  }
0x36e: {  	[tilespmem:s25+$0x560] =	vst v12;
	v2 =	vadd.f32 v18, v2;
	v10 =	vld [tilespmem:s23+$0x9E0]  }
0x36f: {  	[tilespmem:s24+$0x98C0] =	vst v11;
	v12 =	vadd.f32 v19, v7;
	v11 =	vld [tilespmem:s23+$0x570]  }
0x370: {  	[tilespmem:s22+$0x9F0] =	vst v2;
	v2 =	vadd.f32 v15, v3  }
0x371: {  	v8 =	vld [tilespmem:s24+$0x860];
	[tilespmem:s24+$0x9CB0] =	vst v12;
	v12 =	vadd.f32 v13, v1  }
0x372: {  	v16 =	vld [tilespmem:s24+$0x850];
	[tilespmem:s22+$0x8E0] =	vst v2;
	v2 =	vadd.f32 v14, v4  }
0x373: {  	v13 =	vld [tilespmem:s21+$0x8F0];
	[tilespmem:s22+$0x960] =	vst v12;
	v10 =	vadd.f32 v10, v6  }
0x374: {  	v12 =	vld [tilespmem:s21+$0x970];
	[tilespmem:s25+$0x8B0] =	vst v2;
	v2 =	vadd.f32 v11, v5  }
0x375: {  	v11 =	vld [tilespmem:s23+$0x8C0];
	[tilespmem:s25+$0x9E0] =	vst v10  }
0x376: {  	v8 =	vadd.f32 v8, v7;
	[tilespmem:s25+$0x570] =	vst v2;
	v10 =	vld [tilespmem:s23+$0x9F0]  }
0x377: {  	[tilespmem:s24+$0x98D0] =	vst v9;
	v7 =	vadd.f32 v16, v7;
	v2 =	vld [tilespmem:s23+$0x900]  }
0x378: {  	[tilespmem:s24+$0x9CE0] =	vst v8;
	v3 =	vadd.f32 v13, v3  }
0x379: {  	[tilespmem:s24+$0x9CD0] =	vst v7;
	v1 =	vadd.f32 v12, v1  }
0x37a: {  	[tilespmem:s22+$0x8F0] =	vst v3;
	v3 =	vadd.f32 v11, v4  }
0x37b: {  	[tilespmem:s22+$0x970] =	vst v1;
	v1 =	vadd.f32 v10, v6  }
0x37c: {  	[tilespmem:s25+$0x8C0] =	vst v3;
	v2 =	vadd.f32 v2, v5  }
0x37d: {  	[tilespmem:s25+$0x9F0] =	vst v1  }
0x37e: {  	v1 =	vld [tilespmem:s23+$0x8D0];
	[tilespmem:s25+$0x900] =	vst v2  }
0x37f: {  	v2 =	vld [tilespmem:s23+$0x910];
	_ =	sdelay $0x4  }
0x380: {  	v2 =	vadd.f32 v2, v5;
	_ =	sdelay $0x1  }
0x381: {  	[tilespmem:s25+$0x910] =	vst v2  }
0x382: {  	v2 =	vld [tilespmem:s23+$0x920];
	_ =	sdelay $0x4  }
0x383: {  	v2 =	vadd.f32 v2, v5;
	_ =	sdelay $0x1  }
0x384: {  	[tilespmem:s25+$0x920] =	vst v2  }
0x385: {  	v2 =	vld [tilespmem:s23+$0x930];
	_ =	sdelay $0x4  }
0x386: {  	v2 =	vadd.f32 v2, v5;
	_ =	sdelay $0x1  }
0x387: {  	[tilespmem:s25+$0x930] =	vst v2  }
0x388: {  	v2 =	vld [tilespmem:s23+$0x940];
	_ =	sdelay $0x4  }
0x389: {  	v2 =	vadd.f32 v2, v5;
	_ =	sdelay $0x1  }
0x38a: {  	[tilespmem:s25+$0x940] =	vst v2  }
0x38b: {  	v2 =	vld [tilespmem:s23+$0x950];
	_ =	sdelay $0x3  }
0x38c: {  	v1 =	vadd.f32 v1, v4  }
0x38d: {  	v2 =	vadd.f32 v2, v5  }
0x38e: {  	[tilespmem:s25+$0x8D0] =	vst v1  }
0x38f: {  	v1 =	vld [tilespmem:s23+$0x8E0];
	[tilespmem:s25+$0x950] =	vst v2  }
0x390: {  	v2 =	vld [tilespmem:s23+$0x960];
	_ =	sdelay $0x3  }
0x391: {  	v1 =	vadd.f32 v1, v4  }
0x392: {  	v2 =	vadd.f32 v2, v5  }
0x393: {  	[tilespmem:s25+$0x8E0] =	vst v1  }
0x394: {  	v1 =	vld [tilespmem:s23+$0x8F0];
	[tilespmem:s25+$0x960] =	vst v2  }
0x395: {  	v2 =	vld [tilespmem:s23+$0x970];
	_ =	sdelay $0x3  }
0x396: {  	s0 =	sadd.s32 s5, s19;
	s1 =	sadd.s32 $0xFFFFFFFC, s17;
	v1 =	vadd.f32 v1, v4  }
0x397: {  	s0 =	smul.u32 $0x1200, s0;
	s22 =	sadd.s32 $0x65, s1;
	v2 =	vadd.f32 v2, v5  }
0x398: {  	[tilespmem:s25+$0x8F0] =	vst v1;
	v1 =	vmov s22  }
0x399: {  	s0 =	sadd.s32 s2, s0;
	v1 =	vand.u32 $0xFFFFFFFD, v1;
	s23 =	sadd.s32 $0x67, s1;
	[tilespmem:s25+$0x970] =	vst v2  }
0x39a: {  	v1 =	vbroadcast v1, $0x0;
	v2 =	vmov s23;
	[hbm4b:s0+s3] =	stream.linear.scatter [tilespmem:s12], [sflag:$0x1], $0x9000, $0x38;
	[tilespmem:$0x1B480] =	vst v63  }
0x39b: {  	s0 =	simm.s32 @!p0 $0x2  }
0x39c: {  	_ =	swait.ge @!p0 [sflag:s0], $0x9000  }
0x39d: {  	[sflag:s0] =	ssyncset.done @!p0 $0x0  }
0x39e: {  	s24 =	simm.s32 $0x0;
	[sflag:s0] =	ssyncadd.s32 @!p0 $0xFFFF7000  }
0x39f: {  	s0 =	sand.u32 $0x3FFFF800, s24;
	v8 =	vld.idx.msk [tilespmem:v2+s10+$0x0], $0xffff  }
0x3a0: {  	v10 =	vld.idx.msk [tilespmem:v1+s10+$0x0], $0xffff;
	s26 =	sadd.s32 $0x0, s0  }
0x3a1: {  	v1 =	vld [tilespmem:s26+$0x180]  }
0x3a2: {  	v2 =	vld [tilespmem:s26+$0x80]  }
0x3a3: {  	s25 =	sadd.s32 $0x66, s1  }
0x3a4: {  	v3 =	vmov s25  }
0x3a5: {  	v3 =	vand.u32 $0xFFFFFFFE, v3  }
0x3a6: {  	v3 =	vbroadcast v3, $0x0;
	v1 =	vadd.f32 v1, v8  }
0x3a7: {  	s20 =	sadd.s32 $0x12480, s0;
	v2 =	vadd.f32 v2, v10  }
0x3a8: {  	[tilespmem:s20+$0x180] =	vst v1  }
0x3a9: {  	[tilespmem:s20+$0x80] =	vst v2;
	v1 =	vld [tilespmem:s26+$0x190]  }
0x3aa: {  	v2 =	vld [tilespmem:s26+$0x90];
	_ =	sdelay $0x1  }
0x3ab: {  	v9 =	vld.idx.msk [tilespmem:v3+s10+$0x0], $0xffff  }
0x3ac: {  	v3 =	vld [tilespmem:s26+$0x100]  }
0x3ad: {  	v1 =	vadd.f32 v1, v8  }
0x3ae: {  	v2 =	vadd.f32 v2, v10  }
0x3af: {  	[tilespmem:s20+$0x190] =	vst v1  }
0x3b0: {  	[tilespmem:s20+$0x90] =	vst v2;
	v1 =	vld [tilespmem:s26+$0x1A0]  }
0x3b1: {  	v2 =	vadd.f32 v3, v9;
	v3 =	vld [tilespmem:s26+$0xA0];
	_ =	sdelay $0x2  }
0x3b2: {  	[tilespmem:s20+$0x100] =	vst v2  }
0x3b3: {  	v2 =	vld [tilespmem:s26+$0x110];
	v1 =	vadd.f32 v1, v8  }
0x3b4: {  	v3 =	vadd.f32 v3, v10  }
0x3b5: {  	[tilespmem:s20+$0x1A0] =	vst v1  }
0x3b6: {  	[tilespmem:s20+$0xA0] =	vst v3;
	v1 =	vld [tilespmem:s26+$0x1B0]  }
0x3b7: {  	v3 =	vld [tilespmem:s26+$0xB0]  }
0x3b8: {  	v2 =	vadd.f32 v2, v9;
	_ =	sdelay $0x1  }
0x3b9: {  	[tilespmem:s20+$0x110] =	vst v2  }
0x3ba: {  	v2 =	vld [tilespmem:s26+$0x120];
	v1 =	vadd.f32 v1, v8  }
0x3bb: {  	v3 =	vadd.f32 v3, v10  }
0x3bc: {  	[tilespmem:s20+$0x1B0] =	vst v1  }
0x3bd: {  	[tilespmem:s20+$0xB0] =	vst v3;
	v1 =	vld [tilespmem:s26+$0x1C0]  }
0x3be: {  	v3 =	vld [tilespmem:s26+$0xC0]  }
0x3bf: {  	v2 =	vadd.f32 v2, v9;
	_ =	sdelay $0x1  }
0x3c0: {  	[tilespmem:s20+$0x120] =	vst v2  }
0x3c1: {  	v2 =	vld [tilespmem:s26+$0x130];
	v1 =	vadd.f32 v1, v8  }
0x3c2: {  	v3 =	vadd.f32 v3, v10  }
0x3c3: {  	[tilespmem:s20+$0x1C0] =	vst v1  }
0x3c4: {  	[tilespmem:s20+$0xC0] =	vst v3;
	v1 =	vld [tilespmem:s26+$0x1D0]  }
0x3c5: {  	v3 =	vld [tilespmem:s26+$0xD0]  }
0x3c6: {  	v2 =	vadd.f32 v2, v9;
	_ =	sdelay $0x1  }
0x3c7: {  	[tilespmem:s20+$0x130] =	vst v2  }
0x3c8: {  	s31 =	sadd.s32 $0x64, s1;
	v2 =	vld [tilespmem:s26+$0x140];
	v1 =	vadd.f32 v1, v8  }
0x3c9: {  	v4 =	vmov s31;
	v3 =	vadd.f32 v3, v10  }
0x3ca: {  	v4 =	vand.u32 $0xFFFFFFFC, v4;
	[tilespmem:s20+$0x1D0] =	vst v1  }
0x3cb: {  	v4 =	vbroadcast v4, $0x0;
	[tilespmem:s20+$0xD0] =	vst v3;
	v1 =	vld [tilespmem:s26+$0x1E0]  }
0x3cc: {  	v3 =	vld [tilespmem:s26+$0xE0]  }
0x3cd: {  	s1 =	simm.s32 $0x0;
	v2 =	vadd.f32 v2, v9  }
0x3ce: {  	s4 =	simm.s32 $0x0;
	s0 =	smul.u32 $0x18, s1  }
0x3cf: {  	s1 =	sand.u32 $0x4, s4;
	[tilespmem:s20+$0x140] =	vst v2  }
0x3d0: {  	s0 =	sor.u32 s1, s0;
	v2 =	vld [tilespmem:s26+$0x150];
	v1 =	vadd.f32 v1, v8  }
0x3d1: {  	v4 =	vld.idx.msk [tilespmem:v4+s10+$0x0], $0xffff;
	s23 =	sshll.u32 s0, $0x7;
	v3 =	vadd.f32 v3, v10  }
0x3d2: {  	v5 =	vld [tilespmem:s23+$0x0];
	[tilespmem:s20+$0x1E0] =	vst v1  }
0x3d3: {  	[tilespmem:s20+$0xE0] =	vst v3;
	v1 =	vld [tilespmem:s26+$0x1F0]  }
0x3d4: {  	v3 =	vld [tilespmem:s26+$0xF0]  }
0x3d5: {  	v6 =	vld [tilespmem:s23+$0x30];
	v2 =	vadd.f32 v2, v9  }
0x3d6: {  	v11 =	vld [tilespmem:s23+$0x40]  }
0x3d7: {  	v12 =	vld [tilespmem:s23+$0x10];
	[tilespmem:s20+$0x150] =	vst v2  }
0x3d8: {  	v2 =	vld [tilespmem:s26+$0x160];
	v1 =	vadd.f32 v1, v8  }
0x3d9: {  	v13 =	vld [tilespmem:s23+$0x20];
	v3 =	vadd.f32 v3, v10  }
0x3da: {  	v14 =	vld [tilespmem:s23+$0x50];
	[tilespmem:s20+$0x1F0] =	vst v1  }
0x3db: {  	[tilespmem:s20+$0xF0] =	vst v3;
	v1 =	vld [tilespmem:s26+$0x580]  }
0x3dc: {  	v3 =	vld [tilespmem:s26+$0x480]  }
0x3dd: {  	v15 =	vld [tilespmem:s23+$0x60];
	v2 =	vadd.f32 v2, v9  }
0x3de: {  	v16 =	vld [tilespmem:s23+$0x70]  }
0x3df: {  	v17 =	vld [tilespmem:s23+$0x400];
	[tilespmem:s20+$0x160] =	vst v2  }
0x3e0: {  	v2 =	vld [tilespmem:s26+$0x170];
	v1 =	vadd.f32 v1, v8  }
0x3e1: {  	v18 =	vld [tilespmem:s23+$0x410];
	v3 =	vadd.f32 v3, v10  }
0x3e2: {  	v19 =	vld [tilespmem:s23+$0x420];
	[tilespmem:s20+$0x580] =	vst v1  }
0x3e3: {  	[tilespmem:s20+$0x480] =	vst v3;
	v1 =	vld [tilespmem:s26+$0x590]  }
0x3e4: {  	v3 =	vld [tilespmem:s26+$0x490]  }
0x3e5: {  	v20 =	vld [tilespmem:s23+$0x430];
	v2 =	vadd.f32 v2, v9  }
0x3e6: {  	v21 =	vld [tilespmem:s23+$0x440];
	v12 =	vadd.f32 v12, v4  }
0x3e7: {  	v7 =	vld [tilespmem:s23+$0x450];
	v6 =	vadd.f32 v6, v4;
	[tilespmem:s20+$0x170] =	vst v2  }
0x3e8: {  	[tilespmem:s23+$0x12490] =	vst v12;
	v2 =	vadd.f32 v5, v4;
	v5 =	vld [tilespmem:s26+$0x500];
	v1 =	vadd.f32 v1, v8  }
0x3e9: {  	v22 =	vld [tilespmem:s23+$0x460];
	[tilespmem:s23+$0x124B0] =	vst v6;
	v3 =	vadd.f32 v3, v10  }
0x3ea: {  	v23 =	vld [tilespmem:s23+$0x800];
	v15 =	vadd.f32 v15, v4;
	[tilespmem:s20+$0x590] =	vst v1  }
0x3eb: {  	s31 =	simm.s32 $0x400;
	[tilespmem:s20+$0x490] =	vst v3;
	v3 =	vld [tilespmem:s26+$0x5A0]  }
0x3ec: {  	s1 =	sand.u32 $0x3FFFF800, s31;
	[tilespmem:s23+$0x124E0] =	vst v15;
	v1 =	vadd.f32 v13, v4;
	v13 =	vld [tilespmem:s26+$0x4A0]  }
0x3ed: {  	s21 =	sadd.s32 $0x200, s1;
	v25 =	vld [tilespmem:s23+$0x850];
	[tilespmem:s23+$0x12480] =	vst v2;
	v12 =	vadd.f32 v5, v9  }
0x3ee: {  	v15 =	vld [tilespmem:s21+$0x180];
	[tilespmem:s23+$0x124A0] =	vst v1;
	v1 =	vadd.f32 v11, v4  }
0x3ef: {  	s6 =	sadd.s32 $0x0, s17;
	v2 =	vld [tilespmem:s23+$0x470];
	[tilespmem:s20+$0x500] =	vst v12  }
0x3f0: {  	s25 =	sadd.s32 $0x65, s6;
	s24 =	sadd.s32 $0x67, s6;
	v6 =	vld [tilespmem:s26+$0x510];
	[tilespmem:s23+$0x124C0] =	vst v1;
	v1 =	vadd.f32 v3, v8  }
0x3f1: {  	v24 =	vmov s25;
	v5 =	vld [tilespmem:s23+$0x810];
	v3 =	vmov s24;
	v13 =	vadd.f32 v13, v10  }
0x3f2: {  	v16 =	vadd.f32 v16, v4;
	v11 =	vld [tilespmem:s23+$0x820];
	[tilespmem:s20+$0x5A0] =	vst v1;
	v1 =	vand.u32 $0xFFFFFFFD, v24  }
0x3f3: {  	v17 =	vadd.f32 v17, v4;
	[tilespmem:s20+$0x4A0] =	vst v13;
	v13 =	vld [tilespmem:s26+$0x5B0];
	v24 =	vbroadcast v1, $0x0  }
0x3f4: {  	[tilespmem:s23+$0x124F0] =	vst v16;
	v12 =	vadd.f32 v14, v4;
	v16 =	vld [tilespmem:s26+$0x4B0]  }
0x3f5: {  	[tilespmem:s23+$0x12880] =	vst v17;
	v14 =	vld [tilespmem:s23+$0x830];
	v6 =	vadd.f32 v6, v9  }
0x3f6: {  	s4 =	sadd.s32 $0x66, s6;
	[tilespmem:s23+$0x124D0] =	vst v12;
	v1 =	vld.idx.msk [tilespmem:v3+s10+$0x0], $0xffff;
	v3 =	vadd.f32 v19, v4  }
0x3f7: {  	v18 =	vadd.f32 v18, v4;
	v12 =	vld [tilespmem:s23+$0x840];
	[tilespmem:s20+$0x510] =	vst v6;
	v6 =	vmov s4  }
0x3f8: {  	s0 =	sadd.s32 $0x64, s6;
	s6 =	simm.s32 $0x0;
	v17 =	vld [tilespmem:s26+$0x520];
	[tilespmem:s23+$0x128A0] =	vst v3;
	v3 =	vand.u32 $0xFFFFFFFE, v6;
	v13 =	vadd.f32 v13, v8  }
0x3f9: {  	v30 =	vmov s0;
	s0 =	smul.u32 $0x18, s6;
	[tilespmem:s23+$0x12890] =	vst v18;
	s24 =	simm.s32 $0x4;
	v18 =	vbroadcast v3, $0x0;
	v16 =	vadd.f32 v16, v10;
	v3 =	vld.idx.msk [tilespmem:v24+s10+$0x0], $0xffff  }
0x3fa: {  	s22 =	sadd.s32 $0x12680, s1;
	s1 =	sand.u32 $0x4, s24;
	v19 =	vadd.f32 v22, v4;
	[tilespmem:s20+$0x5B0] =	vst v13;
	v13 =	vld [tilespmem:s21+$0x80]  }
0x3fb: {  	s0 =	sor.u32 s1, s0;
	[tilespmem:s20+$0x4B0] =	vst v16;
	v15 =	vadd.f32 v15, v1;
	v29 =	vld [tilespmem:s26+$0x5C0]  }
0x3fc: {  	v2 =	vadd.f32 v2, v4;
	s29 =	sshll.u32 s0, $0x7;
	[tilespmem:s23+$0x128E0] =	vst v19;
	v16 =	vld [tilespmem:s26+$0x4C0]  }
0x3fd: {  	v37 =	vld [tilespmem:s29+$0x40];
	v19 =	vadd.f32 v23, v4;
	[tilespmem:s22+$0x180] =	vst v15  }
0x3fe: {  	[tilespmem:s23+$0x128F0] =	vst v2;
	v17 =	vadd.f32 v17, v9;
	v31 =	vld [tilespmem:s21+$0x190]  }
0x3ff: {  	v2 =	vand.u32 $0xFFFFFFFC, v30;
	v40 =	vld [tilespmem:s29+$0x20];
	[tilespmem:s23+$0x12C80] =	vst v19;
	v13 =	vadd.f32 v13, v3  }
0x400: {  	v19 =	vbroadcast v2, $0x0;
	[tilespmem:s20+$0x520] =	vst v17;
	v2 =	vld.idx.msk [tilespmem:v18+s10+$0x0], $0xffff;
	v18 =	vadd.f32 v29, v8  }
0x401: {  	v17 =	vld [tilespmem:s21+$0x100];
	[tilespmem:s22+$0x80] =	vst v13;
	v13 =	vadd.f32 v16, v10  }
0x402: {  	v16 =	vadd.f32 v20, v4;
	[tilespmem:s20+$0x5C0] =	vst v18;
	v18 =	vld [tilespmem:s21+$0x90]  }
0x403: {  	v33 =	vld [tilespmem:s26+$0x5D0];
	[tilespmem:s20+$0x4C0] =	vst v13;
	v13 =	vadd.f32 v31, v1  }
0x404: {  	v21 =	vadd.f32 v21, v4;
	[tilespmem:s23+$0x128B0] =	vst v16;
	v16 =	vld [tilespmem:s26+$0x4D0]  }
0x405: {  	v7 =	vadd.f32 v7, v4;
	v44 =	vld [tilespmem:s29+$0x410];
	[tilespmem:s22+$0x190] =	vst v13  }
0x406: {  	[tilespmem:s23+$0x128C0] =	vst v21;
	v13 =	vadd.f32 v17, v2;
	v17 =	vld [tilespmem:s21+$0x1A0]  }
0x407: {  	[tilespmem:s23+$0x128D0] =	vst v7;
	v45 =	vld [tilespmem:s29+$0x420];
	v18 =	vadd.f32 v18, v3  }
0x408: {  	v32 =	vld [tilespmem:s26+$0x530];
	[tilespmem:s22+$0x100] =	vst v13;
	v20 =	vadd.f32 v33, v8  }
0x409: {  	[tilespmem:s22+$0x90] =	vst v18;
	v16 =	vadd.f32 v16, v10;
	v18 =	vld [tilespmem:s21+$0x110]  }
0x40a: {  	v5 =	vadd.f32 v5, v4;
	[tilespmem:s20+$0x5D0] =	vst v20;
	v35 =	vld [tilespmem:s21+$0xA0]  }
0x40b: {  	v36 =	vld [tilespmem:s26+$0x5E0];
	[tilespmem:s20+$0x4D0] =	vst v16;
	v16 =	vadd.f32 v17, v1  }
0x40c: {  	[tilespmem:s23+$0x12C90] =	vst v5;
	v12 =	vadd.f32 v12, v4;
	v7 =	vld [tilespmem:s26+$0x4E0]  }
0x40d: {  	v46 =	vld [tilespmem:s29+$0x440];
	v17 =	vadd.f32 v32, v9;
	[tilespmem:s22+$0x1A0] =	vst v16  }
0x40e: {  	[tilespmem:s23+$0x12CC0] =	vst v12;
	v12 =	vadd.f32 v18, v2;
	v16 =	vld [tilespmem:s21+$0x1B0]  }
0x40f: {  	v34 =	vadd.f32 v11, v4;
	v11 =	vld.idx.msk [tilespmem:v19+s10+$0x0], $0xffff;
	[tilespmem:s20+$0x530] =	vst v17;
	v18 =	vadd.f32 v35, v3  }
0x410: {  	v13 =	vld [tilespmem:s29+$0x30];
	v38 =	vadd.f32 v36, v8;
	[tilespmem:s22+$0x110] =	vst v12  }
0x411: {  	v39 =	vld [tilespmem:s26+$0x540];
	[tilespmem:s22+$0xA0] =	vst v18;
	v7 =	vadd.f32 v7, v10  }
0x412: {  	v14 =	vadd.f32 v14, v4;
	v12 =	vld [tilespmem:s21+$0x120];
	[tilespmem:s20+$0x5E0] =	vst v38  }
0x413: {  	v18 =	vld [tilespmem:s21+$0xB0];
	[tilespmem:s20+$0x4E0] =	vst v7;
	v7 =	vadd.f32 v16, v1  }
0x414: {  	[tilespmem:s23+$0x12CB0] =	vst v14;
	v20 =	vld [tilespmem:s26+$0x5F0];
	v16 =	vadd.f32 v25, v4  }
0x415: {  	v13 =	vadd.f32 v13, v11;
	v14 =	vld [tilespmem:s26+$0x4F0];
	[tilespmem:s22+$0x1B0] =	vst v7  }
0x416: {  	v21 =	vadd.f32 v39, v9;
	[tilespmem:s23+$0x12CD0] =	vst v16;
	v16 =	vld [tilespmem:s29+$0x50]  }
0x417: {  	[tilespmem:s29+$0x124B0] =	vst v13;
	v7 =	vadd.f32 v12, v2;
	v12 =	vld [tilespmem:s21+$0x1C0]  }
0x418: {  	v15 =	vld [tilespmem:s23+$0x870];
	[tilespmem:s20+$0x540] =	vst v21;
	v18 =	vadd.f32 v18, v3  }
0x419: {  	v20 =	vadd.f32 v20, v8;
	[tilespmem:s22+$0x120] =	vst v7;
	v7 =	vld [tilespmem:s26+$0x550]  }
0x41a: {  	[tilespmem:s22+$0xB0] =	vst v18;
	v14 =	vadd.f32 v14, v10;
	v18 =	vld [tilespmem:s21+$0x130]  }
0x41b: {  	[tilespmem:s20+$0x5F0] =	vst v20;
	v41 =	vld [tilespmem:s21+$0xC0];
	v16 =	vadd.f32 v16, v11  }
0x41c: {  	v42 =	vld [tilespmem:s26+$0x980];
	[tilespmem:s20+$0x4F0] =	vst v14;
	v12 =	vadd.f32 v12, v1  }
0x41d: {  	v14 =	vadd.f32 v15, v4;
	v5 =	vld [tilespmem:s26+$0x880];
	[tilespmem:s29+$0x124D0] =	vst v16  }
0x41e: {  	v6 =	vld [tilespmem:s23+$0x860];
	v7 =	vadd.f32 v7, v9;
	[tilespmem:s22+$0x1C0] =	vst v12  }
0x41f: {  	[tilespmem:s23+$0x12CF0] =	vst v14;
	v12 =	vadd.f32 v18, v2;
	v14 =	vld [tilespmem:s21+$0x1D0]  }
0x420: {  	v19 =	vld [tilespmem:s29+$0x0];
	v20 =	vadd.f32 v41, v3;
	[tilespmem:s20+$0x550] =	vst v7  }
0x421: {  	v7 =	vadd.f32 v42, v8;
	[tilespmem:s22+$0x130] =	vst v12;
	v12 =	vld [tilespmem:s26+$0x560]  }
0x422: {  	[tilespmem:s22+$0xC0] =	vst v20;
	v5 =	vadd.f32 v5, v10;
	v43 =	vld [tilespmem:s21+$0x140]  }
0x423: {  	v4 =	vadd.f32 v6, v4;
	[tilespmem:s20+$0x980] =	vst v7;
	v6 =	vld [tilespmem:s21+$0xD0]  }
0x424: {  	v7 =	vld [tilespmem:s26+$0x990];
	[tilespmem:s20+$0x880] =	vst v5;
	v5 =	vadd.f32 v14, v1  }
0x425: {  	[tilespmem:s23+$0x12CE0] =	vst v4;
	v4 =	vadd.f32 v19, v11;
	v14 =	vld [tilespmem:s26+$0x890]  }
0x426: {  	v17 =	vld [tilespmem:s29+$0x10];
	v12 =	vadd.f32 v12, v9;
	[tilespmem:s22+$0x1D0] =	vst v5  }
0x427: {  	[tilespmem:s29+$0x12480] =	vst v4;
	v4 =	vadd.f32 v43, v2;
	v5 =	vld [tilespmem:s21+$0x1E0]  }
0x428: {  	v48 =	vld [tilespmem:s29+$0x830];
	v6 =	vadd.f32 v6, v3;
	[tilespmem:s20+$0x560] =	vst v12  }
0x429: {  	v7 =	vadd.f32 v7, v8;
	[tilespmem:s22+$0x140] =	vst v4;
	v4 =	vld [tilespmem:s26+$0x570]  }
0x42a: {  	[tilespmem:s22+$0xD0] =	vst v6;
	v6 =	vadd.f32 v14, v10;
	v12 =	vld [tilespmem:s21+$0x150]  }
0x42b: {  	v14 =	vadd.f32 v17, v11;
	[tilespmem:s20+$0x990] =	vst v7;
	v7 =	vld [tilespmem:s21+$0xE0]  }
0x42c: {  	v17 =	vld [tilespmem:s26+$0x9A0];
	[tilespmem:s20+$0x890] =	vst v6;
	v5 =	vadd.f32 v5, v1  }
0x42d: {  	v6 =	vadd.f32 v40, v11;
	[tilespmem:s29+$0x12490] =	vst v14;
	v14 =	vld [tilespmem:s26+$0x8A0]  }
0x42e: {  	v15 =	vld [tilespmem:s29+$0x60];
	v4 =	vadd.f32 v4, v9;
	[tilespmem:s22+$0x1E0] =	vst v5  }
0x42f: {  	[tilespmem:s29+$0x124A0] =	vst v6;
	v5 =	vadd.f32 v12, v2;
	v6 =	vld [tilespmem:s21+$0x1F0]  }
0x430: {  	v49 =	vld [tilespmem:s29+$0x850];
	v7 =	vadd.f32 v7, v3;
	[tilespmem:s20+$0x570] =	vst v4  }
0x431: {  	v4 =	vadd.f32 v17, v8;
	[tilespmem:s22+$0x150] =	vst v5;
	v5 =	vld [tilespmem:s26+$0x900]  }
0x432: {  	[tilespmem:s22+$0xE0] =	vst v7;
	v7 =	vadd.f32 v14, v10;
	v14 =	vld [tilespmem:s21+$0x160]  }
0x433: {  	v15 =	vadd.f32 v15, v11;
	[tilespmem:s20+$0x9A0] =	vst v4;
	v4 =	vld [tilespmem:s21+$0xF0]  }
0x434: {  	v17 =	vld [tilespmem:s26+$0x9B0];
	[tilespmem:s20+$0x8A0] =	vst v7;
	v6 =	vadd.f32 v6, v1  }
0x435: {  	[tilespmem:s29+$0x124E0] =	vst v15;
	v7 =	vadd.f32 v37, v11;
	v13 =	vld [tilespmem:s26+$0x8B0]  }
0x436: {  	v12 =	vld [tilespmem:s29+$0x430];
	v5 =	vadd.f32 v5, v9;
	[tilespmem:s22+$0x1F0] =	vst v6  }
0x437: {  	[tilespmem:s29+$0x124C0] =	vst v7;
	v6 =	vadd.f32 v14, v2;
	v7 =	vld [tilespmem:s21+$0x580]  }
0x438: {  	v18 =	vld [tilespmem:s29+$0x70];
	v4 =	vadd.f32 v4, v3;
	[tilespmem:s20+$0x900] =	vst v5  }
0x439: {  	v5 =	vadd.f32 v17, v8;
	[tilespmem:s22+$0x160] =	vst v6;
	v6 =	vld [tilespmem:s26+$0x910]  }
0x43a: {  	[tilespmem:s22+$0xF0] =	vst v4;
	v4 =	vadd.f32 v13, v10;
	v13 =	vld [tilespmem:s21+$0x170]  }
0x43b: {  	v12 =	vadd.f32 v12, v11;
	[tilespmem:s20+$0x9B0] =	vst v5;
	v5 =	vld [tilespmem:s21+$0x480]  }
0x43c: {  	v17 =	vld [tilespmem:s26+$0x9C0];
	[tilespmem:s20+$0x8B0] =	vst v4;
	v4 =	vadd.f32 v7, v1  }
0x43d: {  	[tilespmem:s29+$0x128B0] =	vst v12;
	v7 =	vadd.f32 v18, v11;
	v16 =	vld [tilespmem:s26+$0x8C0]  }
0x43e: {  	v18 =	vld [tilespmem:s29+$0x460];
	v6 =	vadd.f32 v6, v9;
	[tilespmem:s22+$0x580] =	vst v4  }
0x43f: {  	[tilespmem:s29+$0x124F0] =	vst v7;
	v4 =	vadd.f32 v13, v2;
	v7 =	vld [tilespmem:s21+$0x590]  }
0x440: {  	v19 =	vld [tilespmem:s29+$0x400];
	v5 =	vadd.f32 v5, v3;
	[tilespmem:s20+$0x910] =	vst v6  }
0x441: {  	v6 =	vadd.f32 v17, v8;
	[tilespmem:s22+$0x170] =	vst v4;
	v4 =	vld [tilespmem:s26+$0x920]  }
0x442: {  	[tilespmem:s22+$0x480] =	vst v5;
	v5 =	vadd.f32 v16, v10;
	v16 =	vld [tilespmem:s21+$0x500]  }
0x443: {  	v18 =	vadd.f32 v18, v11;
	[tilespmem:s20+$0x9C0] =	vst v6;
	v6 =	vld [tilespmem:s21+$0x490]  }
0x444: {  	v17 =	vld [tilespmem:s26+$0x9D0];
	[tilespmem:s20+$0x8C0] =	vst v5;
	v5 =	vadd.f32 v7, v1  }
0x445: {  	[tilespmem:s29+$0x128E0] =	vst v18;
	v7 =	vadd.f32 v19, v11;
	v15 =	vld [tilespmem:s26+$0x8D0]  }
0x446: {  	v14 =	vld [tilespmem:s29+$0x450];
	v4 =	vadd.f32 v4, v9;
	[tilespmem:s22+$0x590] =	vst v5  }
0x447: {  	[tilespmem:s29+$0x12880] =	vst v7;
	v5 =	vadd.f32 v16, v2;
	v7 =	vld [tilespmem:s21+$0x5A0]  }
0x448: {  	v13 =	vld [tilespmem:s29+$0x470];
	v6 =	vadd.f32 v6, v3;
	[tilespmem:s20+$0x920] =	vst v4  }
0x449: {  	v4 =	vadd.f32 v17, v8;
	[tilespmem:s22+$0x500] =	vst v5;
	v5 =	vld [tilespmem:s26+$0x930]  }
0x44a: {  	[tilespmem:s22+$0x490] =	vst v6;
	v6 =	vadd.f32 v15, v10;
	v15 =	vld [tilespmem:s21+$0x510]  }
0x44b: {  	v17 =	vadd.f32 v45, v11;
	[tilespmem:s20+$0x9D0] =	vst v4;
	v4 =	vld [tilespmem:s21+$0x4A0]  }
0x44c: {  	v47 =	vld [tilespmem:s26+$0x9E0];
	[tilespmem:s20+$0x8D0] =	vst v6;
	v6 =	vadd.f32 v7, v1  }
0x44d: {  	[tilespmem:s29+$0x128A0] =	vst v17;
	v7 =	vadd.f32 v44, v11;
	v17 =	vld [tilespmem:s26+$0x8E0]  }
0x44e: {  	v19 =	vld [tilespmem:s29+$0x800];
	[tilespmem:s22+$0x5A0] =	vst v6;
	v5 =	vadd.f32 v5, v9  }
0x44f: {  	s25 =	sadd.s32 $0x4, s17;
	v16 =	vld [tilespmem:s29+$0x820];
	[tilespmem:s29+$0x12890] =	vst v7;
	v15 =	vadd.f32 v15, v2  }
0x450: {  	s31 =	sadd.s32 $0x65, s25;
	s6 =	sadd.s32 $0x67, s25;
	v6 =	vld [tilespmem:s21+$0x5B0];
	v4 =	vadd.f32 v4, v3;
	[tilespmem:s20+$0x930] =	vst v5  }
0x451: {  	v50 =	vmov s6;
	s4 =	sadd.s32 $0x66, s25;
	v18 =	vmov s31;
	v7 =	vld [tilespmem:s29+$0x840];
	[tilespmem:s22+$0x510] =	vst v15;
	v12 =	vadd.f32 v47, v8  }
0x452: {  	v5 =	vand.u32 $0xFFFFFFFD, v18;
	v18 =	vmov s4;
	v15 =	vadd.f32 v17, v10;
	v17 =	vld [tilespmem:s26+$0x940];
	[tilespmem:s22+$0x4A0] =	vst v4  }
0x453: {  	v5 =	vbroadcast v5, $0x0;
	v18 =	vand.u32 $0xFFFFFFFE, v18;
	v51 =	vld [tilespmem:s21+$0x520];
	[tilespmem:s20+$0x9E0] =	vst v12  }
0x454: {  	v13 =	vadd.f32 v13, v11;
	v18 =	vbroadcast v18, $0x0;
	[tilespmem:s20+$0x8E0] =	vst v15;
	v15 =	vld [tilespmem:s21+$0x4B0]  }
0x455: {  	v4 =	vadd.f32 v6, v1;
	v62 =	vld [tilespmem:s26+$0x9F0]  }
0x456: {  	[tilespmem:s29+$0x128F0] =	vst v13;
	v6 =	vadd.f32 v19, v11;
	v13 =	vld [tilespmem:s26+$0x8F0]  }
0x457: {  	s0 =	sadd.s32 $0x64, s25;
	[tilespmem:s22+$0x5B0] =	vst v4;
	v4 =	vld.idx.msk [tilespmem:v50+s10+$0x0], $0xffff  }
0x458: {  	s24 =	simm.s32 $0x800;
	s25 =	simm.s32 $0x1;
	v19 =	vmov s0;
	[tilespmem:s29+$0x12C80] =	vst v6;
	v6 =	vadd.f32 v16, v11;
	v16 =	vld [tilespmem:s21+$0x5C0]  }
0x459: {  	s28 =	simm.s32 $0x8;
	[tilespmem:s23+$0x12CA0] =	vst v34;
	s1 =	smul.u32 $0x18, s25;
	v52 =	vadd.f32 v46, v11;
	s0 =	sand.u32 $0x3FFFF800, s24;
	v19 =	vand.u32 $0xFFFFFFFC, v19;
	v5 =	vld.idx.msk [tilespmem:v5+s10+$0x0], $0xffff  }
0x45a: {  	v14 =	vadd.f32 v14, v11;
	s31 =	sand.u32 $0x4, s28;
	s23 =	sadd.s32 $0x400, s0;
	v19 =	vbroadcast v19, $0x0;
	[tilespmem:s29+$0x12CA0] =	vst v6;
	v6 =	vld.idx.msk [tilespmem:v18+s10+$0x0], $0xffff  }
0x45b: {  	[tilespmem:s29+$0x128C0] =	vst v52;
	s1 =	sor.u32 s31, s1;
	v7 =	vadd.f32 v7, v11;
	v12 =	vadd.f32 v15, v3;
	v15 =	vld [tilespmem:s23+$0x80]  }
0x45c: {  	[tilespmem:s29+$0x128D0] =	vst v14;
	s24 =	sshll.u32 s1, $0x7;
	v18 =	vld [tilespmem:s23+$0x180]  }
0x45d: {  	[tilespmem:s29+$0x12CC0] =	vst v7;
	v54 =	vld [tilespmem:s24+$0x40];
	v14 =	vadd.f32 v51, v2  }
0x45e: {  	v10 =	vadd.f32 v13, v10;
	[tilespmem:s22+$0x4B0] =	vst v12;
	v12 =	vld [tilespmem:s23+$0x100]  }
0x45f: {  	[tilespmem:s22+$0x520] =	vst v14;
	v53 =	vld [tilespmem:s21+$0x4C0];
	v16 =	vadd.f32 v16, v1  }
0x460: {  	v7 =	vld.idx.msk [tilespmem:v19+s10+$0x0], $0xffff;
	[tilespmem:s20+$0x8F0] =	vst v10;
	v14 =	vadd.f32 v15, v5  }
0x461: {  	s25 =	sadd.s32 $0x12880, s0;
	v10 =	vld [tilespmem:s24+$0x30];
	v18 =	vadd.f32 v18, v4;
	[tilespmem:s22+$0x5C0] =	vst v16  }
0x462: {  	v16 =	vadd.f32 v17, v9;
	[tilespmem:s25+$0x80] =	vst v14;
	v14 =	vld [tilespmem:s21+$0x5D0]  }
0x463: {  	[tilespmem:s25+$0x180] =	vst v18;
	v18 =	vadd.f32 v48, v11;
	v13 =	vld [tilespmem:s23+$0x90]  }
0x464: {  	[tilespmem:s20+$0x940] =	vst v16;
	v16 =	vld [tilespmem:s23+$0x190];
	v17 =	vadd.f32 v53, v3  }
0x465: {  	v57 =	vld [tilespmem:s24+$0x60];
	v12 =	vadd.f32 v12, v6;
	[tilespmem:s29+$0x12CB0] =	vst v18  }
0x466: {  	v15 =	vld [tilespmem:s24+$0x0];
	v10 =	vadd.f32 v10, v7;
	[tilespmem:s22+$0x4C0] =	vst v17  }
0x467: {  	[tilespmem:s25+$0x100] =	vst v12;
	v17 =	vld [tilespmem:s21+$0x4D0];
	v14 =	vadd.f32 v14, v1  }
0x468: {  	v19 =	vld [tilespmem:s21+$0x530];
	[tilespmem:s24+$0x124B0] =	vst v10;
	v13 =	vadd.f32 v13, v5  }
0x469: {  	v18 =	vld [tilespmem:s24+$0x20];
	v16 =	vadd.f32 v16, v4;
	[tilespmem:s22+$0x5D0] =	vst v14  }
0x46a: {  	v14 =	vadd.f32 v49, v11;
	[tilespmem:s25+$0x90] =	vst v13;
	v13 =	vld [tilespmem:s21+$0x5E0]  }
0x46b: {  	v15 =	vadd.f32 v15, v7;
	[tilespmem:s25+$0x190] =	vst v16;
	v55 =	vld [tilespmem:s23+$0xA0]  }
0x46c: {  	[tilespmem:s29+$0x12CD0] =	vst v14;
	v14 =	vld [tilespmem:s23+$0x1A0];
	v16 =	vadd.f32 v17, v3  }
0x46d: {  	v12 =	vld [tilespmem:s24+$0x50];
	[tilespmem:s24+$0x12480] =	vst v15;
	v17 =	vadd.f32 v19, v2  }
0x46e: {  	v19 =	vld [tilespmem:s23+$0x110];
	[tilespmem:s22+$0x4D0] =	vst v16;
	v16 =	vadd.f32 v18, v7  }
0x46f: {  	[tilespmem:s22+$0x530] =	vst v17;
	v17 =	vld [tilespmem:s21+$0x4E0];
	v13 =	vadd.f32 v13, v1  }
0x470: {  	v15 =	vld [tilespmem:s24+$0x10];
	[tilespmem:s24+$0x124A0] =	vst v16;
	v16 =	vadd.f32 v55, v5  }
0x471: {  	v18 =	vld [tilespmem:s29+$0x810];
	v14 =	vadd.f32 v14, v4;
	[tilespmem:s22+$0x5E0] =	vst v13  }
0x472: {  	v12 =	vadd.f32 v12, v7;
	[tilespmem:s25+$0xA0] =	vst v16;
	v13 =	vld [tilespmem:s21+$0x5F0]  }
0x473: {  	v16 =	vadd.f32 v19, v6;
	[tilespmem:s25+$0x1A0] =	vst v14;
	v19 =	vld [tilespmem:s23+$0xB0]  }
0x474: {  	[tilespmem:s24+$0x124D0] =	vst v12;
	v14 =	vadd.f32 v17, v3;
	v17 =	vld [tilespmem:s23+$0x1B0]  }
0x475: {  	v15 =	vadd.f32 v15, v7;
	v56 =	vld [tilespmem:s21+$0x540];
	[tilespmem:s25+$0x110] =	vst v16  }
0x476: {  	v16 =	vadd.f32 v54, v7;
	[tilespmem:s22+$0x4E0] =	vst v14;
	v14 =	vadd.f32 v18, v11;
	v18 =	vld [tilespmem:s23+$0x120]  }
0x477: {  	[tilespmem:s24+$0x12490] =	vst v15;
	v10 =	vld [tilespmem:s21+$0x4F0];
	v13 =	vadd.f32 v13, v1  }
0x478: {  	v15 =	vld [tilespmem:s29+$0x870];
	[tilespmem:s24+$0x124C0] =	vst v16;
	v16 =	vadd.f32 v19, v5  }
0x479: {  	v59 =	vld [tilespmem:s24+$0x410];
	v17 =	vadd.f32 v17, v4;
	[tilespmem:s22+$0x5F0] =	vst v13  }
0x47a: {  	v13 =	vadd.f32 v56, v2;
	[tilespmem:s25+$0xB0] =	vst v16;
	v16 =	vld [tilespmem:s21+$0x980]  }
0x47b: {  	v18 =	vadd.f32 v18, v6;
	[tilespmem:s25+$0x1B0] =	vst v17;
	v58 =	vld [tilespmem:s23+$0xC0]  }
0x47c: {  	v17 =	vld [tilespmem:s23+$0x1C0];
	v10 =	vadd.f32 v10, v3;
	[tilespmem:s22+$0x540] =	vst v13  }
0x47d: {  	v13 =	vadd.f32 v15, v11;
	[tilespmem:s25+$0x120] =	vst v18;
	v15 =	vld [tilespmem:s21+$0x550]  }
0x47e: {  	v18 =	vld [tilespmem:s23+$0x130];
	[tilespmem:s22+$0x4F0] =	vst v10  }
0x47f: {  	[tilespmem:s29+$0x12CF0] =	vst v13;
	v10 =	vld [tilespmem:s21+$0x880];
	v13 =	vadd.f32 v16, v1  }
0x480: {  	[tilespmem:s29+$0x12C90] =	vst v14;
	v16 =	vld [tilespmem:s29+$0x860];
	v12 =	vadd.f32 v58, v5  }
0x481: {  	v14 =	vld [tilespmem:s24+$0x70];
	v17 =	vadd.f32 v17, v4;
	[tilespmem:s22+$0x980] =	vst v13  }
0x482: {  	[tilespmem:s25+$0xC0] =	vst v12;
	v12 =	vadd.f32 v15, v2;
	v13 =	vld [tilespmem:s21+$0x990]  }
0x483: {  	v18 =	vadd.f32 v18, v6;
	[tilespmem:s25+$0x1C0] =	vst v17;
	v15 =	vld [tilespmem:s23+$0xD0]  }
0x484: {  	v17 =	vld [tilespmem:s23+$0x1D0];
	v10 =	vadd.f32 v10, v3;
	[tilespmem:s22+$0x550] =	vst v12  }
0x485: {  	v11 =	vadd.f32 v16, v11;
	[tilespmem:s25+$0x130] =	vst v18;
	v12 =	vld [tilespmem:s21+$0x560]  }
0x486: {  	v14 =	vadd.f32 v14, v7;
	v16 =	vld [tilespmem:s23+$0x140];
	[tilespmem:s22+$0x880] =	vst v10  }
0x487: {  	[tilespmem:s29+$0x12CE0] =	vst v11;
	v10 =	vld [tilespmem:s21+$0x890];
	v11 =	vadd.f32 v13, v1  }
0x488: {  	v19 =	vld [tilespmem:s24+$0x400];
	[tilespmem:s24+$0x124F0] =	vst v14;
	v14 =	vadd.f32 v15, v5  }
0x489: {  	v13 =	vld [tilespmem:s26+$0x950];
	v17 =	vadd.f32 v17, v4;
	[tilespmem:s22+$0x990] =	vst v11  }
0x48a: {  	[tilespmem:s25+$0xD0] =	vst v14;
	v11 =	vadd.f32 v12, v2;
	v12 =	vld [tilespmem:s21+$0x9A0]  }
0x48b: {  	v16 =	vadd.f32 v16, v6;
	[tilespmem:s25+$0x1D0] =	vst v17;
	v14 =	vld [tilespmem:s23+$0xE0]  }
0x48c: {  	v17 =	vld [tilespmem:s23+$0x1E0];
	v10 =	vadd.f32 v10, v3;
	[tilespmem:s22+$0x560] =	vst v11  }
0x48d: {  	v11 =	vadd.f32 v57, v7;
	[tilespmem:s25+$0x140] =	vst v16;
	v16 =	vld [tilespmem:s21+$0x570]  }
0x48e: {  	v13 =	vadd.f32 v13, v9;
	v18 =	vld [tilespmem:s23+$0x150];
	[tilespmem:s22+$0x890] =	vst v10  }
0x48f: {  	[tilespmem:s24+$0x124E0] =	vst v11;
	v10 =	vld [tilespmem:s21+$0x8A0];
	v11 =	vadd.f32 v12, v1  }
0x490: {  	v15 =	vld [tilespmem:s24+$0x420];
	[tilespmem:s20+$0x950] =	vst v13;
	v13 =	vadd.f32 v14, v5  }
0x491: {  	v12 =	vld [tilespmem:s24+$0x430];
	v17 =	vadd.f32 v17, v4;
	[tilespmem:s22+$0x9A0] =	vst v11  }
0x492: {  	[tilespmem:s25+$0xE0] =	vst v13;
	v11 =	vadd.f32 v16, v2;
	v13 =	vld [tilespmem:s21+$0x9B0]  }
0x493: {  	v18 =	vadd.f32 v18, v6;
	[tilespmem:s25+$0x1E0] =	vst v17;
	v16 =	vld [tilespmem:s23+$0xF0]  }
0x494: {  	v17 =	vld [tilespmem:s23+$0x1F0];
	v10 =	vadd.f32 v10, v3;
	[tilespmem:s22+$0x570] =	vst v11  }
0x495: {  	v11 =	vadd.f32 v19, v7;
	[tilespmem:s25+$0x150] =	vst v18;
	v18 =	vld [tilespmem:s21+$0x900]  }
0x496: {  	v15 =	vadd.f32 v15, v7;
	v19 =	vld [tilespmem:s23+$0x160];
	[tilespmem:s22+$0x8A0] =	vst v10  }
0x497: {  	[tilespmem:s24+$0x12880] =	vst v11;
	v10 =	vld [tilespmem:s21+$0x8B0];
	v11 =	vadd.f32 v13, v1  }
0x498: {  	[tilespmem:s24+$0x128A0] =	vst v15;
	v14 =	vld [tilespmem:s24+$0x440];
	v15 =	vadd.f32 v16, v5  }
0x499: {  	v16 =	vld [tilespmem:s24+$0x460];
	v17 =	vadd.f32 v17, v4;
	[tilespmem:s22+$0x9B0] =	vst v11  }
0x49a: {  	v13 =	vld [tilespmem:s26+$0x960];
	[tilespmem:s25+$0xF0] =	vst v15;
	v15 =	vadd.f32 v18, v2  }
0x49b: {  	v18 =	vld [tilespmem:s21+$0x9C0];
	v19 =	vadd.f32 v19, v6;
	[tilespmem:s25+$0x1F0] =	vst v17  }
0x49c: {  	v17 =	vld [tilespmem:s23+$0x480];
	v10 =	vadd.f32 v10, v3;
	[tilespmem:s22+$0x900] =	vst v15  }
0x49d: {  	v60 =	vld [tilespmem:s23+$0x580];
	v15 =	vadd.f32 v59, v7;
	[tilespmem:s25+$0x160] =	vst v19  }
0x49e: {  	v19 =	vld [tilespmem:s21+$0x910];
	v16 =	vadd.f32 v16, v7;
	[tilespmem:s22+$0x8B0] =	vst v10  }
0x49f: {  	v10 =	vadd.f32 v13, v9;
	v13 =	vld [tilespmem:s23+$0x170];
	[tilespmem:s24+$0x12890] =	vst v15  }
0x4a0: {  	v15 =	vld [tilespmem:s21+$0x8C0];
	v18 =	vadd.f32 v18, v1;
	[tilespmem:s24+$0x128E0] =	vst v16  }
0x4a1: {  	[tilespmem:s20+$0x960] =	vst v10;
	v10 =	vld [tilespmem:s24+$0x470];
	v16 =	vadd.f32 v17, v5  }
0x4a2: {  	v17 =	vld [tilespmem:s24+$0x800];
	v20 =	vadd.f32 v60, v4;
	[tilespmem:s22+$0x9C0] =	vst v18  }
0x4a3: {  	v18 =	vld [tilespmem:s26+$0x970];
	[tilespmem:s25+$0x480] =	vst v16;
	v16 =	vadd.f32 v19, v2  }
0x4a4: {  	v19 =	vld [tilespmem:s21+$0x9D0];
	v13 =	vadd.f32 v13, v6;
	[tilespmem:s25+$0x580] =	vst v20  }
0x4a5: {  	v61 =	vld [tilespmem:s23+$0x490];
	v15 =	vadd.f32 v15, v3;
	[tilespmem:s22+$0x910] =	vst v16  }
0x4a6: {  	v16 =	vld [tilespmem:s23+$0x590];
	v10 =	vadd.f32 v10, v7;
	[tilespmem:s25+$0x170] =	vst v13  }
0x4a7: {  	v13 =	vld [tilespmem:s21+$0x920];
	v17 =	vadd.f32 v17, v7;
	[tilespmem:s22+$0x8C0] =	vst v15  }
0x4a8: {  	v15 =	vld [tilespmem:s23+$0x500];
	v9 =	vadd.f32 v18, v9;
	[tilespmem:s24+$0x128F0] =	vst v10  }
0x4a9: {  	v11 =	vld [tilespmem:s24+$0x450];
	v18 =	vadd.f32 v19, v1;
	[tilespmem:s24+$0x12C80] =	vst v17  }
0x4aa: {  	v10 =	vld [tilespmem:s21+$0x8D0];
	[tilespmem:s20+$0x970] =	vst v9;
	v9 =	vadd.f32 v61, v5  }
0x4ab: {  	v19 =	vld [tilespmem:s24+$0x820];
	v16 =	vadd.f32 v16, v4;
	[tilespmem:s22+$0x9D0] =	vst v18  }
0x4ac: {  	[tilespmem:s25+$0x490] =	vst v9;
	v9 =	vadd.f32 v13, v2;
	v18 =	vld [tilespmem:s21+$0x9E0]  }
0x4ad: {  	v17 =	vld [tilespmem:s24+$0x810];
	v13 =	vadd.f32 v15, v6;
	[tilespmem:s25+$0x590] =	vst v16  }
0x4ae: {  	v12 =	vadd.f32 v12, v7;
	v63 =	vld [tilespmem:s23+$0x5A0];
	[tilespmem:s22+$0x920] =	vst v9  }
0x4af: {  	v10 =	vadd.f32 v10, v3;
	[tilespmem:s25+$0x500] =	vst v13;
	v13 =	vld [tilespmem:s21+$0x930]  }
0x4b0: {  	[tilespmem:s24+$0x128B0] =	vst v12;
	v19 =	vadd.f32 v19, v7;
	v16 =	vld [tilespmem:s23+$0x510]  }
0x4b1: {  	v11 =	vadd.f32 v11, v7;
	v15 =	vld [tilespmem:s23+$0x4A0];
	[tilespmem:s22+$0x8D0] =	vst v10;
	v18 =	vadd.f32 v18, v1  }
0x4b2: {  	s19 =	sor.u32 $0x1, s19;
	v9 =	vadd.f32 v14, v7;
	v14 =	vadd.f32 v62, v8;
	[tilespmem:s24+$0x12CA0] =	vst v19;
	v12 =	vld [tilespmem:s21+$0x8E0]  }
0x4b3: {  	s30 =	simm.s32 $0xC;
	s29 =	simm.s32 $0x12880;
	s26 =	simm.s32 $0x400;
	v8 =	vld [tilespmem:s24+$0x830];
	v10 =	vadd.f32 v17, v7;
	v17 =	vadd.f32 v63, v4;
	[tilespmem:s22+$0x9E0] =	vst v18  }
.LBB2_11:
0x4b4: {  	s0 =	sadd.s32 s28, s17;
	s28 =	sadd.s32 $0x4, s28;
	s1 =	sshll.u32 s30, $0x8;
	v18 =	vld [tilespmem:s24+$0x840];
	v13 =	vadd.f32 v13, v2;
	[tilespmem:s20+$0x9F0] =	vst v14  }
0x4b5: {  	s20 =	sshrl.u32 s28, $0x3;
	s31 =	sadd.s32 $0x65, s0;
	s1 =	sand.u32 $0x3FFFF800, s1;
	v14 =	vld [tilespmem:s24+$0x850];
	v16 =	vadd.f32 v16, v6;
	[tilespmem:s25+$0x5A0] =	vst v17  }
0x4b6: {  	s4 =	sadd.s32 $0x64, s0;
	s20 =	smul.u32 $0x18, s20;
	v17 =	vmov s31;
	s31 =	sadd.s32 $0x66, s0;
	v15 =	vadd.f32 v15, v5;
	v19 =	vld [tilespmem:s23+$0x5B0];
	[tilespmem:s22+$0x930] =	vst v13  }
0x4b7: {  	s6 =	sand.u32 $0x4, s28;
	p0 =	slt.u32 s28, $0x5C;
	v13 =	vmov s4;
	s4 =	sadd.s32 $0x67, s0;
	v17 =	vand.u32 $0xFFFFFFFD, v17;
	[tilespmem:s25+$0x510] =	vst v16;
	v12 =	vadd.f32 v12, v3;
	v16 =	vld [tilespmem:s21+$0x940]  }
0x4b8: {  	v20 =	vmov s31;
	v21 =	vmov s4;
	s0 =	sor.u32 s6, s20;
	v17 =	vbroadcast v17, $0x0;
	[tilespmem:s25+$0x4A0] =	vst v15;
	v15 =	vld [tilespmem:s23+$0x520];
	s20 =	smov.u32 s22;
	s22 =	smov.u32 s25  }
0x4b9: {  	v20 =	vand.u32 $0xFFFFFFFE, v20;
	v22 =	vadd.f32 v8, v7;
	v8 =	vadd.f32 v18, v7;
	v18 =	vld [tilespmem:s23+$0x4B0];
	[tilespmem:s20+$0x8E0] =	vst v12  }
0x4ba: {  	v12 =	vbroadcast v20, $0x0;
	[tilespmem:s24+$0x128C0] =	vst v9;
	v14 =	vadd.f32 v14, v7;
	v9 =	vld [tilespmem:s21+$0x8F0]  }
0x4bb: {  	[tilespmem:s24+$0x128D0] =	vst v11;
	v11 =	vld [tilespmem:s24+$0x860];
	v19 =	vadd.f32 v19, v4  }
0x4bc: {  	[tilespmem:s24+$0x12CC0] =	vst v8;
	v20 =	vld [tilespmem:s24+$0x870];
	v16 =	vadd.f32 v16, v2  }
0x4bd: {  	v8 =	vld.idx.msk [tilespmem:v21+s10+$0x0], $0xffff;
	v15 =	vadd.f32 v15, v6;
	[tilespmem:s22+$0x5B0] =	vst v19  }
0x4be: {  	s26 =	sadd.s32 $0x200, s26;
	v18 =	vadd.f32 v18, v5;
	v19 =	vld [tilespmem:s23+$0x5C0];
	[tilespmem:s20+$0x940] =	vst v16  }
0x4bf: {  	v13 =	vand.u32 $0xFFFFFFFC, v13;
	s31 =	sadd.s32 s1, s26;
	[tilespmem:s22+$0x520] =	vst v15;
	v15 =	vadd.f32 v9, v3;
	v3 =	vmov v5;
	v5 =	vld.idx.msk [tilespmem:v17+s10+$0x0], $0xffff  }
0x4c0: {  	v13 =	vbroadcast v13, $0x0;
	v9 =	vld.idx.msk [tilespmem:v12+s10+$0x0], $0xffff;
	v11 =	vadd.f32 v11, v7;
	[tilespmem:s22+$0x4B0] =	vst v18  }
0x4c1: {  	v12 =	vld [tilespmem:s31+$0x80];
	v7 =	vadd.f32 v20, v7;
	[tilespmem:s20+$0x8F0] =	vst v15  }
0x4c2: {  	v15 =	vld [tilespmem:s31+$0x180];
	[tilespmem:s24+$0x12CB0] =	vst v22  }
0x4c3: {  	v16 =	vld [tilespmem:s31+$0x100];
	[tilespmem:s24+$0x12CD0] =	vst v14  }
0x4c4: {  	[tilespmem:s24+$0x12C90] =	vst v10;
	v10 =	vld [tilespmem:s23+$0x530]  }
0x4c5: {  	s29 =	sadd.s32 $0x200, s29;
	v17 =	vadd.f32 v19, v4;
	[tilespmem:s24+$0x12CF0] =	vst v7;
	v14 =	vld [tilespmem:s23+$0x4C0]  }
0x4c6: {  	s25 =	sadd.s32 s1, s29;
	v7 =	vld.idx.msk [tilespmem:v13+s10+$0x0], $0xffff;
	v12 =	vadd.f32 v12, v5;
	[tilespmem:s24+$0x12CE0] =	vst v11;
	s24 =	sshll.u32 s0, $0x7  }
0x4c7: {  	v11 =	vld [tilespmem:s24+$0x0];
	v13 =	vadd.f32 v15, v8;
	[tilespmem:s22+$0x5C0] =	vst v17  }
0x4c8: {  	[tilespmem:s25+$0x80] =	vst v12;
	v12 =	vadd.f32 v16, v9;
	v15 =	vld [tilespmem:s23+$0x5D0]  }
0x4c9: {  	v16 =	vld [tilespmem:s31+$0x90];
	[tilespmem:s25+$0x180] =	vst v13;
	v10 =	vadd.f32 v10, v6  }
0x4ca: {  	[tilespmem:s25+$0x100] =	vst v12;
	v12 =	vld [tilespmem:s31+$0x190];
	v13 =	vadd.f32 v14, v3  }
0x4cb: {  	v14 =	vld [tilespmem:s24+$0x30];
	[tilespmem:s22+$0x530] =	vst v10  }
0x4cc: {  	v10 =	vadd.f32 v11, v7;
	v11 =	vld [tilespmem:s24+$0x40];
	[tilespmem:s22+$0x4C0] =	vst v13  }
0x4cd: {  	v13 =	vld [tilespmem:s23+$0x4D0];
	v15 =	vadd.f32 v15, v4  }
0x4ce: {  	[tilespmem:s24+$0x12480] =	vst v10;
	v10 =	vld [tilespmem:s24+$0x10];
	v16 =	vadd.f32 v16, v5  }
0x4cf: {  	v17 =	vld [tilespmem:s24+$0x20];
	v12 =	vadd.f32 v12, v8;
	[tilespmem:s22+$0x5D0] =	vst v15  }
0x4d0: {  	v14 =	vadd.f32 v14, v7;
	[tilespmem:s25+$0x90] =	vst v16;
	v15 =	vld [tilespmem:s23+$0x5E0]  }
0x4d1: {  	v11 =	vadd.f32 v11, v7;
	v16 =	vld [tilespmem:s31+$0xA0];
	[tilespmem:s25+$0x190] =	vst v12  }
0x4d2: {  	v12 =	vld [tilespmem:s31+$0x1A0];
	v13 =	vadd.f32 v13, v3  }
0x4d3: {  	v10 =	vadd.f32 v10, v7;
	v18 =	vld [tilespmem:s24+$0x50]  }
0x4d4: {  	v17 =	vadd.f32 v17, v7;
	v19 =	vld [tilespmem:s31+$0x110];
	[tilespmem:s22+$0x4D0] =	vst v13  }
0x4d5: {  	[tilespmem:s24+$0x12490] =	vst v10;
	v10 =	vld [tilespmem:s23+$0x4E0];
	v13 =	vadd.f32 v15, v4  }
0x4d6: {  	[tilespmem:s24+$0x124A0] =	vst v17;
	v15 =	vadd.f32 v16, v5;
	v16 =	vld [tilespmem:s23+$0x540]  }
0x4d7: {  	v12 =	vadd.f32 v12, v8;
	[tilespmem:s22+$0x5E0] =	vst v13;
	v13 =	vld [tilespmem:s21+$0x950]  }
0x4d8: {  	v17 =	vadd.f32 v18, v7;
	[tilespmem:s25+$0xA0] =	vst v15;
	v15 =	vld [tilespmem:s23+$0x5F0]  }
0x4d9: {  	v18 =	vld [tilespmem:s31+$0xB0];
	v19 =	vadd.f32 v19, v9;
	[tilespmem:s25+$0x1A0] =	vst v12  }
0x4da: {  	v12 =	vld [tilespmem:s31+$0x1B0];
	v10 =	vadd.f32 v10, v3  }
0x4db: {  	v20 =	vld [tilespmem:s24+$0x60];
	[tilespmem:s25+$0x110] =	vst v19;
	v16 =	vadd.f32 v16, v6  }
0x4dc: {  	v19 =	vld [tilespmem:s31+$0x120];
	[tilespmem:s22+$0x4E0] =	vst v10;
	v10 =	vadd.f32 v13, v2  }
0x4dd: {  	[tilespmem:s24+$0x124B0] =	vst v14;
	v13 =	vld [tilespmem:s23+$0x4F0];
	v14 =	vadd.f32 v15, v4  }
0x4de: {  	[tilespmem:s24+$0x124C0] =	vst v11;
	v11 =	vld [tilespmem:s24+$0x70];
	v15 =	vadd.f32 v18, v5  }
0x4df: {  	v18 =	vld [tilespmem:s24+$0x400];
	v12 =	vadd.f32 v12, v8;
	[tilespmem:s22+$0x5F0] =	vst v14  }
0x4e0: {  	v14 =	vadd.f32 v20, v7;
	[tilespmem:s25+$0xB0] =	vst v15;
	v15 =	vld [tilespmem:s23+$0x980]  }
0x4e1: {  	v20 =	vld [tilespmem:s31+$0xC0];
	v19 =	vadd.f32 v19, v9;
	[tilespmem:s25+$0x1B0] =	vst v12  }
0x4e2: {  	v12 =	vld [tilespmem:s31+$0x1C0];
	v13 =	vadd.f32 v13, v3;
	[tilespmem:s22+$0x540] =	vst v16  }
0x4e3: {  	v11 =	vadd.f32 v11, v7;
	[tilespmem:s25+$0x120] =	vst v19;
	v16 =	vld [tilespmem:s23+$0x550]  }
0x4e4: {  	v18 =	vadd.f32 v18, v7;
	v19 =	vld [tilespmem:s31+$0x130];
	[tilespmem:s22+$0x4F0] =	vst v13  }
0x4e5: {  	[tilespmem:s24+$0x124D0] =	vst v17;
	v13 =	vld [tilespmem:s23+$0x880];
	v15 =	vadd.f32 v15, v4  }
0x4e6: {  	v17 =	vld [tilespmem:s24+$0x410];
	v20 =	vadd.f32 v20, v5;
	[tilespmem:s20+$0x950] =	vst v10  }
0x4e7: {  	v10 =	vadd.f32 v12, v8;
	[tilespmem:s22+$0x980] =	vst v15;
	v12 =	vld [tilespmem:s21+$0x960]  }
0x4e8: {  	[tilespmem:s25+$0xC0] =	vst v20;
	v15 =	vadd.f32 v16, v6;
	v16 =	vld [tilespmem:s23+$0x990]  }
0x4e9: {  	v20 =	vld [tilespmem:s31+$0xD0];
	v19 =	vadd.f32 v19, v9;
	[tilespmem:s25+$0x1C0] =	vst v10  }
0x4ea: {  	v10 =	vld [tilespmem:s31+$0x1D0];
	v13 =	vadd.f32 v13, v3;
	[tilespmem:s22+$0x550] =	vst v15  }
0x4eb: {  	v15 =	vadd.f32 v17, v7;
	[tilespmem:s25+$0x130] =	vst v19;
	v17 =	vld [tilespmem:s23+$0x560]  }
0x4ec: {  	v19 =	vld [tilespmem:s31+$0x140];
	[tilespmem:s22+$0x880] =	vst v13;
	v12 =	vadd.f32 v12, v2  }
0x4ed: {  	[tilespmem:s24+$0x124F0] =	vst v11;
	v11 =	vld [tilespmem:s23+$0x890];
	v13 =	vadd.f32 v16, v4  }
0x4ee: {  	v16 =	vld [tilespmem:s24+$0x420];
	v20 =	vadd.f32 v20, v5;
	[tilespmem:s20+$0x960] =	vst v12  }
0x4ef: {  	v10 =	vadd.f32 v10, v8;
	[tilespmem:s22+$0x990] =	vst v13;
	v12 =	vld [tilespmem:s21+$0x970]  }
0x4f0: {  	[tilespmem:s25+$0xD0] =	vst v20;
	v13 =	vadd.f32 v17, v6;
	v17 =	vld [tilespmem:s23+$0x9A0]  }
0x4f1: {  	v20 =	vld [tilespmem:s31+$0xE0];
	v19 =	vadd.f32 v19, v9;
	[tilespmem:s25+$0x1D0] =	vst v10  }
0x4f2: {  	v10 =	vld [tilespmem:s31+$0x1E0];
	v11 =	vadd.f32 v11, v3;
	[tilespmem:s22+$0x560] =	vst v13  }
0x4f3: {  	v13 =	vadd.f32 v16, v7;
	[tilespmem:s25+$0x140] =	vst v19;
	v16 =	vld [tilespmem:s23+$0x570]  }
0x4f4: {  	v19 =	vld [tilespmem:s31+$0x150];
	[tilespmem:s22+$0x890] =	vst v11;
	v11 =	vadd.f32 v12, v2;
	v2 =	vmov v6;
	v6 =	vmov v9  }
0x4f5: {  	[tilespmem:s24+$0x124E0] =	vst v14;
	v9 =	vld [tilespmem:s23+$0x8A0];
	v12 =	vadd.f32 v17, v4  }
0x4f6: {  	v14 =	vld [tilespmem:s24+$0x430];
	v17 =	vadd.f32 v20, v5;
	[tilespmem:s20+$0x970] =	vst v11  }
0x4f7: {  	v11 =	vld [tilespmem:s24+$0x440];
	v10 =	vadd.f32 v10, v8;
	[tilespmem:s22+$0x9A0] =	vst v12  }
0x4f8: {  	[tilespmem:s25+$0xE0] =	vst v17;
	v12 =	vadd.f32 v16, v2;
	v16 =	vld [tilespmem:s23+$0x9B0]  }
0x4f9: {  	v17 =	vld [tilespmem:s31+$0xF0];
	v19 =	vadd.f32 v19, v6;
	[tilespmem:s25+$0x1E0] =	vst v10  }
0x4fa: {  	v10 =	vld [tilespmem:s31+$0x1F0];
	v20 =	vadd.f32 v9, v3;
	[tilespmem:s22+$0x570] =	vst v12  }
0x4fb: {  	v12 =	vadd.f32 v14, v7;
	[tilespmem:s25+$0x150] =	vst v19;
	v14 =	vld [tilespmem:s23+$0x900]  }
0x4fc: {  	v9 =	vadd.f32 v11, v7;
	v11 =	vld [tilespmem:s31+$0x160];
	[tilespmem:s22+$0x8A0] =	vst v20  }
0x4fd: {  	[tilespmem:s24+$0x12880] =	vst v18;
	v18 =	vld [tilespmem:s23+$0x8B0];
	v16 =	vadd.f32 v16, v4  }
0x4fe: {  	[tilespmem:s24+$0x128A0] =	vst v13;
	v13 =	vld [tilespmem:s24+$0x450];
	v17 =	vadd.f32 v17, v5  }
0x4ff: {  	v19 =	vld [tilespmem:s24+$0x460];
	v10 =	vadd.f32 v10, v8;
	[tilespmem:s22+$0x9B0] =	vst v16  }
0x500: {  	[tilespmem:s25+$0xF0] =	vst v17;
	v14 =	vadd.f32 v14, v2;
	v16 =	vld [tilespmem:s23+$0x9C0]  }
0x501: {  	v17 =	vld [tilespmem:s31+$0x480];
	v20 =	vadd.f32 v11, v6;
	[tilespmem:s25+$0x1F0] =	vst v10  }
0x502: {  	v10 =	vld [tilespmem:s31+$0x580];
	v18 =	vadd.f32 v18, v3;
	[tilespmem:s22+$0x900] =	vst v14  }
0x503: {  	v11 =	vadd.f32 v13, v7;
	[tilespmem:s25+$0x160] =	vst v20;
	v13 =	vld [tilespmem:s23+$0x910]  }
0x504: {  	v14 =	vadd.f32 v19, v7;
	v19 =	vld [tilespmem:s31+$0x170];
	[tilespmem:s22+$0x8B0] =	vst v18  }
0x505: {  	[tilespmem:s24+$0x12890] =	vst v15;
	v15 =	vld [tilespmem:s23+$0x8C0];
	v16 =	vadd.f32 v16, v4  }
0x506: {  	[tilespmem:s24+$0x128E0] =	vst v14;
	v14 =	vld [tilespmem:s24+$0x470];
	v17 =	vadd.f32 v17, v5  }
0x507: {  	v18 =	vld [tilespmem:s24+$0x800];
	v10 =	vadd.f32 v10, v8;
	[tilespmem:s22+$0x9C0] =	vst v16  }
0x508: {  	[tilespmem:s25+$0x480] =	vst v17;
	v13 =	vadd.f32 v13, v2;
	v16 =	vld [tilespmem:s23+$0x9D0]  }
0x509: {  	v17 =	vld [tilespmem:s31+$0x490];
	v19 =	vadd.f32 v19, v6;
	[tilespmem:s25+$0x580] =	vst v10  }
0x50a: {  	v10 =	vld [tilespmem:s31+$0x590];
	v15 =	vadd.f32 v15, v3;
	[tilespmem:s22+$0x910] =	vst v13  }
0x50b: {  	v13 =	vadd.f32 v14, v7;
	[tilespmem:s25+$0x170] =	vst v19;
	v14 =	vld [tilespmem:s23+$0x920]  }
0x50c: {  	v18 =	vadd.f32 v18, v7;
	v19 =	vld [tilespmem:s31+$0x500];
	[tilespmem:s22+$0x8C0] =	vst v15  }
0x50d: {  	[tilespmem:s24+$0x128F0] =	vst v13;
	v13 =	vld [tilespmem:s23+$0x8D0];
	v15 =	vadd.f32 v16, v4  }
0x50e: {  	[tilespmem:s24+$0x12C80] =	vst v18;
	v16 =	vld [tilespmem:s24+$0x810];
	v17 =	vadd.f32 v17, v5  }
0x50f: {  	v18 =	vld [tilespmem:s24+$0x820];
	v10 =	vadd.f32 v10, v8;
	[tilespmem:s22+$0x9D0] =	vst v15  }
0x510: {  	[tilespmem:s25+$0x490] =	vst v17;
	v14 =	vadd.f32 v14, v2;
	v17 =	vld [tilespmem:s23+$0x9E0]  }
0x511: {  	v15 =	vadd.f32 v19, v6;
	[tilespmem:s25+$0x590] =	vst v10;
	v19 =	vld [tilespmem:s21+$0x9F0];
	s21 =	smov.u32 s23;
	s23 =	smov.u32 s31  }
0x512: {  	v20 =	vld [tilespmem:s23+$0x5A0];
	v21 =	vadd.f32 v13, v3;
	[tilespmem:s22+$0x920] =	vst v14  }
.Ltmp4:
0x513: {  	v10 =	vadd.f32 v16, v7;
	[tilespmem:s25+$0x500] =	vst v15;
	v13 =	vld [tilespmem:s21+$0x930];
	(pc) =	sbr.rel @p0 .LBB2_11-.Ltmp4, $4  }
0x514: {  	v14 =	vadd.f32 v18, v7;
	v16 =	vld [tilespmem:s23+$0x510];
	[tilespmem:s22+$0x8D0] =	vst v21  }
0x515: {  	[tilespmem:s24+$0x128B0] =	vst v12;
	v15 =	vld [tilespmem:s23+$0x4A0];
	v18 =	vadd.f32 v17, v4  }
0x516: {  	[tilespmem:s24+$0x12CA0] =	vst v14;
	v12 =	vld [tilespmem:s21+$0x8E0];
	v14 =	vadd.f32 v19, v1;
	v1 =	vmov v4;
	v4 =	vmov v8  }
0x517: {  	s30 =	sadd.s32 $0x4, s30;
	v8 =	vld [tilespmem:s24+$0x830];
	v17 =	vadd.f32 v20, v4;
	[tilespmem:s22+$0x9E0] =	vst v18  }
0x518: {  	_ = 	snop  }
0x519: {  	v16 =	vadd.f32 v16, v6;
	_ =	sdelay $0x1  }
0x51a: {  	[tilespmem:s25+$0x510] =	vst v16  }
0x51b: {  	v16 =	vld [tilespmem:s23+$0x520];
	_ =	sdelay $0x1  }
0x51c: {  	v15 =	vadd.f32 v15, v5;
	_ =	sdelay $0x1  }
0x51d: {  	[tilespmem:s25+$0x4A0] =	vst v15  }
0x51e: {  	v15 =	vld [tilespmem:s23+$0x4B0];
	v16 =	vadd.f32 v16, v6  }
0x51f: {  	[tilespmem:s25+$0x5A0] =	vst v17  }
0x520: {  	v17 =	vld [tilespmem:s23+$0x5B0];
	[tilespmem:s25+$0x520] =	vst v16  }
0x521: {  	v16 =	vld [tilespmem:s23+$0x530];
	_ =	sdelay $0x1  }
0x522: {  	v15 =	vadd.f32 v15, v5;
	_ =	sdelay $0x1  }
0x523: {  	v17 =	vadd.f32 v17, v4;
	[tilespmem:s25+$0x4B0] =	vst v15  }
0x524: {  	v15 =	vld [tilespmem:s23+$0x4C0];
	v16 =	vadd.f32 v16, v6  }
0x525: {  	[tilespmem:s25+$0x5B0] =	vst v17  }
0x526: {  	v17 =	vld [tilespmem:s23+$0x5C0];
	[tilespmem:s25+$0x530] =	vst v16  }
0x527: {  	v16 =	vld [tilespmem:s23+$0x540];
	_ =	sdelay $0x1  }
0x528: {  	v15 =	vadd.f32 v15, v5;
	_ =	sdelay $0x1  }
0x529: {  	v17 =	vadd.f32 v17, v4;
	[tilespmem:s25+$0x4C0] =	vst v15  }
0x52a: {  	v15 =	vld [tilespmem:s23+$0x4D0];
	v16 =	vadd.f32 v16, v6  }
0x52b: {  	[tilespmem:s25+$0x5C0] =	vst v17  }
0x52c: {  	v17 =	vld [tilespmem:s23+$0x5D0];
	[tilespmem:s25+$0x540] =	vst v16  }
0x52d: {  	v16 =	vld [tilespmem:s23+$0x550];
	_ =	sdelay $0x1  }
0x52e: {  	v15 =	vadd.f32 v15, v5;
	_ =	sdelay $0x1  }
0x52f: {  	v17 =	vadd.f32 v17, v4;
	[tilespmem:s25+$0x4D0] =	vst v15  }
0x530: {  	v15 =	vld [tilespmem:s23+$0x4E0];
	v16 =	vadd.f32 v16, v6  }
0x531: {  	[tilespmem:s25+$0x5D0] =	vst v17  }
0x532: {  	v17 =	vld [tilespmem:s23+$0x5E0];
	[tilespmem:s25+$0x550] =	vst v16  }
0x533: {  	v16 =	vld [tilespmem:s23+$0x560];
	_ =	sdelay $0x1  }
0x534: {  	v15 =	vadd.f32 v15, v5;
	_ =	sdelay $0x1  }
0x535: {  	v17 =	vadd.f32 v17, v4;
	[tilespmem:s25+$0x4E0] =	vst v15  }
0x536: {  	v15 =	vld [tilespmem:s23+$0x4F0];
	v16 =	vadd.f32 v16, v6  }
0x537: {  	[tilespmem:s25+$0x5E0] =	vst v17  }
0x538: {  	v17 =	vld [tilespmem:s23+$0x5F0];
	[tilespmem:s25+$0x560] =	vst v16  }
0x539: {  	v16 =	vld [tilespmem:s23+$0x570];
	_ =	sdelay $0x1  }
0x53a: {  	v15 =	vadd.f32 v15, v5;
	_ =	sdelay $0x1  }
0x53b: {  	v17 =	vadd.f32 v17, v4;
	[tilespmem:s25+$0x4F0] =	vst v15  }
0x53c: {  	v15 =	vld [tilespmem:s23+$0x880];
	v16 =	vadd.f32 v16, v6  }
0x53d: {  	[tilespmem:s25+$0x5F0] =	vst v17  }
0x53e: {  	v17 =	vld [tilespmem:s23+$0x980];
	[tilespmem:s25+$0x570] =	vst v16  }
0x53f: {  	v16 =	vld [tilespmem:s23+$0x900];
	_ =	sdelay $0x1  }
0x540: {  	v15 =	vadd.f32 v15, v5;
	_ =	sdelay $0x1  }
0x541: {  	v17 =	vadd.f32 v17, v4;
	[tilespmem:s25+$0x880] =	vst v15  }
0x542: {  	v15 =	vld [tilespmem:s23+$0x890];
	v16 =	vadd.f32 v16, v6  }
0x543: {  	[tilespmem:s25+$0x980] =	vst v17  }
0x544: {  	v17 =	vld [tilespmem:s23+$0x990];
	[tilespmem:s25+$0x900] =	vst v16  }
0x545: {  	v16 =	vld [tilespmem:s23+$0x910];
	_ =	sdelay $0x1  }
0x546: {  	v15 =	vadd.f32 v15, v5;
	_ =	sdelay $0x1  }
0x547: {  	v17 =	vadd.f32 v17, v4;
	[tilespmem:s25+$0x890] =	vst v15  }
0x548: {  	v15 =	vld [tilespmem:s23+$0x8A0];
	v16 =	vadd.f32 v16, v6  }
0x549: {  	[tilespmem:s25+$0x990] =	vst v17  }
0x54a: {  	v17 =	vld [tilespmem:s23+$0x9A0];
	[tilespmem:s25+$0x910] =	vst v16  }
0x54b: {  	v16 =	vld [tilespmem:s23+$0x920];
	_ =	sdelay $0x1  }
0x54c: {  	v15 =	vadd.f32 v15, v5;
	_ =	sdelay $0x1  }
0x54d: {  	v17 =	vadd.f32 v17, v4;
	[tilespmem:s25+$0x8A0] =	vst v15  }
0x54e: {  	v15 =	vld [tilespmem:s23+$0x8B0];
	v16 =	vadd.f32 v16, v6  }
0x54f: {  	[tilespmem:s25+$0x9A0] =	vst v17  }
0x550: {  	v17 =	vld [tilespmem:s23+$0x9B0];
	[tilespmem:s25+$0x920] =	vst v16  }
0x551: {  	v13 =	vadd.f32 v13, v2;
	v16 =	vld [tilespmem:s23+$0x930];
	_ =	sdelay $0x1  }
0x552: {  	[tilespmem:s22+$0x930] =	vst v13;
	v42 =	vadd.f32 v15, v5  }
0x553: {  	v43 =	vld [tilespmem:s21+$0x940]  }
0x554: {  	v17 =	vadd.f32 v17, v4;
	[tilespmem:s25+$0x8B0] =	vst v42  }
0x555: {  	v13 =	vld [tilespmem:s23+$0x8C0];
	v16 =	vadd.f32 v16, v6  }
0x556: {  	[tilespmem:s25+$0x9B0] =	vst v17  }
0x557: {  	v17 =	vld [tilespmem:s23+$0x9C0];
	[tilespmem:s25+$0x930] =	vst v16  }
0x558: {  	v15 =	vadd.f32 v43, v2;
	v16 =	vld [tilespmem:s23+$0x940];
	_ =	sdelay $0x1  }
0x559: {  	[tilespmem:s22+$0x940] =	vst v15;
	v13 =	vadd.f32 v13, v5  }
0x55a: {  	v15 =	vld [tilespmem:s21+$0x950]  }
0x55b: {  	v17 =	vadd.f32 v17, v4;
	[tilespmem:s25+$0x8C0] =	vst v13  }
0x55c: {  	v13 =	vld [tilespmem:s23+$0x8D0];
	v16 =	vadd.f32 v16, v6  }
0x55d: {  	v12 =	vadd.f32 v12, v3;
	[tilespmem:s25+$0x9C0] =	vst v17  }
0x55e: {  	v44 =	vld [tilespmem:s23+$0x9D0];
	[tilespmem:s25+$0x940] =	vst v16  }
0x55f: {  	[tilespmem:s22+$0x8E0] =	vst v12;
	v46 =	vadd.f32 v15, v2;
	v16 =	vld [tilespmem:s23+$0x950]  }
0x560: {  	[tilespmem:s20+$0x9F0] =	vst v14;
	v47 =	vld [tilespmem:s21+$0x8F0]  }
0x561: {  	[tilespmem:s22+$0x950] =	vst v46;
	v48 =	vadd.f32 v13, v5  }
0x562: {  	[tilespmem:s24+$0x128C0] =	vst v9;
	v49 =	vld [tilespmem:s21+$0x960]  }
0x563: {  	v14 =	vadd.f32 v44, v4;
	[tilespmem:s25+$0x8D0] =	vst v48  }
0x564: {  	[tilespmem:s24+$0x128D0] =	vst v11;
	v53 =	vld [tilespmem:s23+$0x8E0];
	v50 =	vadd.f32 v16, v6  }
0x565: {  	v18 =	vld [tilespmem:s24+$0x840];
	v3 =	vadd.f32 v47, v3;
	[tilespmem:s25+$0x9D0] =	vst v14  }
0x566: {  	v55 =	vld [tilespmem:s23+$0x9E0];
	[tilespmem:s25+$0x950] =	vst v50  }
0x567: {  	[tilespmem:s22+$0x8F0] =	vst v3;
	v3 =	vadd.f32 v49, v2;
	v54 =	vld [tilespmem:s23+$0x960]  }
0x568: {  	v45 =	vld [tilespmem:s24+$0x850];
	[tilespmem:s24+$0x12C90] =	vst v10;
	v8 =	vadd.f32 v8, v7  }
0x569: {  	v56 =	vld [tilespmem:s24+$0x870];
	[tilespmem:s22+$0x960] =	vst v3;
	v3 =	vadd.f32 v53, v5  }
0x56a: {  	v52 =	vadd.f32 v18, v7;
	[tilespmem:s24+$0x12CB0] =	vst v8;
	v58 =	vld [tilespmem:s21+$0x970]  }
0x56b: {  	v51 =	vld [tilespmem:s24+$0x860];
	v12 =	vadd.f32 v55, v4;
	[tilespmem:s25+$0x8E0] =	vst v3  }
0x56c: {  	[tilespmem:s24+$0x12CC0] =	vst v52;
	v3 =	vld [tilespmem:s23+$0x8F0];
	v9 =	vadd.f32 v54, v6  }
0x56d: {  	v59 =	vld [tilespmem:s21+$0x9F0];
	v57 =	vadd.f32 v45, v7;
	[tilespmem:s25+$0x9E0] =	vst v12  }
0x56e: {  	v60 =	vadd.f32 v56, v7;
	v63 =	vld [tilespmem:s23+$0x9F0];
	[tilespmem:s25+$0x960] =	vst v9  }
0x56f: {  	[tilespmem:s24+$0x12CD0] =	vst v57;
	v2 =	vadd.f32 v58, v2;
	v61 =	vld [tilespmem:s23+$0x970]  }
0x570: {  	v62 =	vadd.f32 v51, v7;
	[tilespmem:s24+$0x12CF0] =	vst v60  }
0x571: {  	s18 =	sadd.s32 $0x1, s18;
	[tilespmem:s22+$0x970] =	vst v2;
	v2 =	vadd.f32 v3, v5  }
0x572: {  	p0 =	sne.s32 s18, $0x6;
	v1 =	vadd.f32 v59, v1;
	[tilespmem:s24+$0x12CE0] =	vst v62  }
.Ltmp5:
0x573: {  	s0 =	sadd.s32 s5, s19;
	[tilespmem:s25+$0x8F0] =	vst v2;
	v2 =	vadd.f32 v63, v4;
	(pc) =	sbr.rel @p0 .LBB2_8-.Ltmp5, $4  }
0x574: {  	s0 =	smul.u32 $0x1200, s0;
	[tilespmem:s22+$0x9F0] =	vst v1;
	v1 =	vadd.f32 v61, v6  }
0x575: {  	[tilespmem:s25+$0x9F0] =	vst v2  }
0x576: {  	s17 =	sadd.s32 $0xC0, s17;
	s0 =	sadd.s32 s2, s0;
	[tilespmem:s25+$0x970] =	vst v1  }
0x577: {  	[hbm4b:s0+s3] =	stream.linear.scatter [tilespmem:s14], [sflag:$0x2], $0x9000, $0x38;
	[tilespmem:$0x1B480] =	vst v63  }
0x578: {  	s16 =	sadd.s32 $0x1, s16  }
0x579: {  	_ =	swait.ge [sflag:s13], $0x9000;
	p0 =	sne.s32 s16, s9  }
.Ltmp6:
0x57a: {  	[sflag:s13] =	ssyncset.done $0x0;
	(pc) =	sbr.rel @p0 .LBB2_1-.Ltmp6, $4  }
0x57b: {  	[sflag:s13] =	ssyncadd.s32 $0xFFFF7000  }
0x57c: {  	_ =	swait.ge [sflag:s15], $0x9000  }
0x57d: {  	[sflag:s15] =	ssyncset.done $0x0  }
0x57e: {  	[sflag:s15] =	ssyncadd.s32 $0xFFFF7000  }
0x57f: {  	_ =	sfence.sel $0x180000  }
0x580: {  	[bflag:$0x0] =	sbarrier.arrive $0xFFFF  }
0x581: {  	_ =	strace $0x90000047  }
0x582: {  	s0 =	stileid.u32;
	[bflag:$0x2] =	sbarrier.arrive $0xFFFF  }
0x583: {  	p0 =	sne.s32 s0, $0x0;
	s0 =	rddreg [dreg:$0x2]  }
0x584: {  	s0 =	sadd.s32 @!p0 $0x100000, s0  }
0x585: {  	[sflag:s0] =	ssyncadd.tile.s32 @!p0 $0x1;
	_ =	shalt  }
.Lfunc_end2:
_tile_overlayer_lowered:
.L_overlay_start_2:
0x586: {  	(tag) =	ssettag $0x2  }
0x587: {  	s0 =	rddreg [dreg:$0x0];
	s2 =	stileid.u32  }
0x588: {  	s1 =	rddreg [dreg:$0x1];
	p0 =	sne.s32 s2, $0x0  }
0x589: {  	s3 =	rddreg [dreg:$0x2];
	[bflag:$0x3] =	sbarrier.arrive $0xFFFF;
	s2 =	simm.s32 @!p0 $0x1C03  }
0x58a: {  	[timem:s3], [sflag:s2] =	dma.local @!p0 [hbm:s0], s1  }
0x58b: {  	s0 =	simm.s32 @!p0 $0x3  }
0x58c: {  	_ =	swait.ge @!p0 [sflag:s0], s1  }
0x58d: {  	s1 =	ssub.s32 @!p0 $0x0, s1;
	[sflag:s0] =	ssyncset.done @!p0 $0x0  }
0x58e: {  	[sflag:s0] =	ssyncadd.s32 @!p0 s1  }
0x58f: {  	[bflag:$0x3] =	sbarrier.arrive $0xFFFF  }
0x590: {  	_ =	shalt  }

</sc_bundles>
